<compile_context>
chip_gen: v7x
topology: tpu7x:2x2x1
jax: 0.10.2.dev20260603
libtpu: 0.0.44.dev20260713+nightly
codegen_flags: <defaults>
</compile_context>

<pallas_src>
import functools

import jax
import jax.numpy as jnp
from jax import lax
from jax.experimental import pallas as pl
from jax.experimental.pallas import tpu as pltpu
from jax.experimental.pallas import tpu_sc as plsc

F32 = jnp.float32

NC, NS, L = 2, 16, 16
NW = NC * NS
C = 128
H = 128


def _zero_rows(ref, nrows):
    z = jnp.zeros((16,), F32)

    def body(r, _):
        for k in range(H // 16):
            ref[r, pl.ds(k * 16, 16)] = z
        return 0

    lax.fori_loop(0, nrows, body, 0)




def _make_hist(NPAD, EP):
    chunks = EP // (NW * C)
    rows_t = NPAD // NS
    hop = rows_t // 4
    mesh = plsc.VectorSubcoreMesh(core_axis_name="c", subcore_axis_name="s")

    @functools.partial(
        pl.kernel,
        out_type=jax.ShapeDtypeStruct((NC, NPAD, H), F32),
        mesh=mesh,
        scratch_types=[
            pltpu.VMEM((C,), jnp.int32),
            pltpu.VMEM((C, H), F32),
            pltpu.VMEM((hop, H), F32),
            pltpu.VMEM_SHARED((NPAD, H), F32),
        ],
    )
    def hist(dst_hbm, out_hbm, idx_v, ones_v, stage_v, deg_sh):
        cid = lax.axis_index("c")
        sid = lax.axis_index("s")
        wid = cid * NS + sid
        one = jnp.ones((16,), F32)

        def fill_ones(r, _):
            for k in range(H // 16):
                ones_v[r, pl.ds(k * 16, 16)] = one
            return 0

        lax.fori_loop(0, C, fill_ones, 0)
        _zero_rows(stage_v, hop)
        for p in range(4):
            pltpu.sync_copy(stage_v,
                            deg_sh.at[pl.ds(sid * rows_t + p * hop, hop)])
        plsc.subcore_barrier()

        def chunk(ch, _):
            base = wid * (EP // NW) + ch * C
            pltpu.sync_copy(dst_hbm.at[pl.ds(base, C)], idx_v)
            pltpu.sync_copy(ones_v, deg_sh.at[idx_v], add=True)
            return 0

        lax.fori_loop(0, chunks, chunk, 0)
        plsc.subcore_barrier()
        for p in range(4):
            pltpu.sync_copy(deg_sh.at[pl.ds(sid * rows_t + p * hop, hop)],
                            stage_v)
            pltpu.sync_copy(
                stage_v, out_hbm.at[cid, pl.ds(sid * rows_t + p * hop, hop)])

    return hist


def _make_scatter(NPAD, EP):
    chunks = EP // (NW * C)
    rows_t = NPAD // NS
    hop = rows_t // 4
    mesh = plsc.VectorSubcoreMesh(core_axis_name="c", subcore_axis_name="s")

    @functools.partial(
        pl.kernel,
        out_type=jax.ShapeDtypeStruct((NC, NPAD, H), F32),
        mesh=mesh,
        scratch_types=[
            pltpu.VMEM((C,), jnp.int32),
            pltpu.VMEM((C,), jnp.int32),
            pltpu.VMEM((C, H), F32),
            pltpu.VMEM((hop, H), F32),
            pltpu.VMEM_SHARED((NPAD, H), F32),
            pltpu.SemaphoreType.DMA,
        ],
    )
    def scatter(ht_hbm, src_hbm, dst_hbm, out_hbm, isrc_v, idst_v, rows_v,
                stage_v, acc_sh, sem):
        cid = lax.axis_index("c")
        sid = lax.axis_index("s")
        wid = cid * NS + sid

        _zero_rows(stage_v, hop)
        for p in range(4):
            pltpu.sync_copy(stage_v,
                            acc_sh.at[pl.ds(sid * rows_t + p * hop, hop)])
        plsc.subcore_barrier()

        def chunk(ch, _):
            base = wid * (EP // NW) + ch * C
            pltpu.sync_copy(src_hbm.at[pl.ds(base, C)], isrc_v)
            pltpu.sync_copy(dst_hbm.at[pl.ds(base, C)], idst_v)
            pltpu.async_copy(ht_hbm.at[isrc_v], rows_v, sem).wait()
            pltpu.sync_copy(rows_v, acc_sh.at[idst_v], add=True)
            return 0

        lax.fori_loop(0, chunks, chunk, 0)
        plsc.subcore_barrier()
        for p in range(4):
            pltpu.sync_copy(acc_sh.at[pl.ds(sid * rows_t + p * hop, hop)],
                            stage_v)
            pltpu.sync_copy(
                stage_v, out_hbm.at[cid, pl.ds(sid * rows_t + p * hop, hop)])

    return scatter


def _make_edge_score(NPAD, EP):
    chunks = EP // (NW * C)
    mesh = plsc.VectorSubcoreMesh(core_axis_name="c", subcore_axis_name="s")

    @functools.partial(
        pl.kernel,
        out_type=jax.ShapeDtypeStruct((EP, 16), F32),
        mesh=mesh,
        scratch_types=[
            pltpu.VMEM((C,), jnp.int32),
            pltpu.VMEM((C,), jnp.int32),
            pltpu.VMEM((C, H), F32),
            pltpu.VMEM((C, H), F32),
            pltpu.VMEM((C, 16), F32),
            pltpu.VMEM((H,), F32),
            pltpu.SemaphoreType.DMA,
            pltpu.SemaphoreType.DMA,
        ],
    )
    def edge_score(a_hbm, b_hbm, src_hbm, dst_hbm, w4_hbm, out_hbm,
                   isrc_v, idst_v, rows_a, rows_b, s16_v, w4_v, sema, semb):
        cid = lax.axis_index("c")
        sid = lax.axis_index("s")
        wid = cid * NS + sid
        pltpu.sync_copy(w4_hbm, w4_v)
        zero16 = jnp.zeros((16,), F32)

        def chunk(ch, _):
            base = wid * (EP // NW) + ch * C
            pltpu.sync_copy(src_hbm.at[pl.ds(base, C)], isrc_v)
            pltpu.sync_copy(dst_hbm.at[pl.ds(base, C)], idst_v)
            da = pltpu.async_copy(a_hbm.at[isrc_v], rows_a, sema)
            db = pltpu.async_copy(b_hbm.at[idst_v], rows_b, semb)
            da.wait()
            db.wait()

            def edge(e, _):
                acc = zero16
                for k in range(H // 16):
                    s = pl.ds(k * 16, 16)
                    v = rows_a[e, s] + rows_b[e, s]
                    acc = acc + jnp.maximum(v, 0.0) * w4_v[s]
                s16_v[e, :] = acc
                return 0

            lax.fori_loop(0, C, edge, 0)
            pltpu.sync_copy(s16_v, out_hbm.at[pl.ds(base, C)])
            return 0

        lax.fori_loop(0, chunks, chunk, 0)

    return edge_score



RB = 1024


def _dinv_of(dp0, dp1):
    deg = dp0[:, :1] + dp1[:, :1] + 1.0
    return lax.rsqrt(deg)


def _mm_t(x, w):
    return lax.dot_general(x, w, (((1,), (1,)), ((), ())),
                           preferred_element_type=F32)


def _tc1_body(dp_ref, x_ref, w1_ref, ht_ref):
    dinv = _dinv_of(dp_ref[0], dp_ref[1])
    ht_ref[...] = _mm_t(x_ref[...], w1_ref[...]) * dinv


def _tc2_body(dp_ref, acc_ref, ht_ref, w2_ref, b1_ref, out_ref):
    dinv = _dinv_of(dp_ref[0], dp_ref[1])
    h1 = (acc_ref[0] + acc_ref[1] + ht_ref[...]) * dinv + b1_ref[...]
    h1 = jnp.maximum(h1, 0.0)
    out_ref[...] = _mm_t(h1, w2_ref[...]) * dinv


def _tc3_body(dp_ref, acc_ref, ht_ref, w3a_ref, w3b_ref, b2_ref, b3_ref,
              a_ref, b_ref):
    dinv = _dinv_of(dp_ref[0], dp_ref[1])
    h2 = (acc_ref[0] + acc_ref[1] + ht_ref[...]) * dinv + b2_ref[...]
    a_ref[...] = _mm_t(h2, w3a_ref[...]) + b3_ref[...]
    b_ref[...] = _mm_t(h2, w3b_ref[...])


def _tc4_body(s_ref, b4_ref, o_ref):
    ones_row = jnp.ones((1, 16), F32)
    for j in range(s_ref.shape[0]):
        o_ref[j, :] = (_mm_t(ones_row, s_ref[j]) + b4_ref[0])[0]




def kernel(x, edge_index, W1, b1, W2, b2, W3, b3, W4, b4):
    N = x.shape[0]
    E = edge_index.shape[1]
    NPAD = -(-N // (NS * 16)) * (NS * 16)
    EP = -(-E // (NW * C)) * (NW * C)

    src = edge_index[0]
    dst = edge_index[1]
    if EP != E:
        pad_s = jnp.zeros((EP - E,), jnp.int32)
        pad_d = jnp.full((EP - E,), N, jnp.int32)
        src = jnp.concatenate([src, pad_s])
        dst = jnp.concatenate([dst, pad_d])
    xp = jnp.pad(x, ((0, NPAD - N), (0, 0)))

    w3a = W3[:, :H]
    w3b = W3[:, H:]
    b1r = b1.reshape(1, H)
    b2r = b2.reshape(1, H)
    b3r = b3.reshape(1, H)
    w4 = W4.reshape(H)

    hist = _make_hist(NPAD, EP)
    scatter = _make_scatter(NPAD, EP)
    edge_score = _make_edge_score(NPAD, EP)

    deg_parts = hist(dst)

    grid = NPAD // RB
    dp_s = pl.BlockSpec((NC, RB, H), lambda i: (0, i, 0))
    acc_s = pl.BlockSpec((NC, RB, H), lambda i: (0, i, 0))
    rows_s = pl.BlockSpec((RB, H), lambda i: (i, 0))
    w_s = pl.BlockSpec((H, H), lambda i: (0, 0))
    b_s = pl.BlockSpec((1, H), lambda i: (0, 0))

    ht1 = pl.pallas_call(
        _tc1_body,
        grid=(grid,),
        in_specs=[dp_s, rows_s, w_s],
        out_specs=rows_s,
        out_shape=jax.ShapeDtypeStruct((NPAD, H), F32),
    )(deg_parts, xp, W1)

    acc1 = scatter(ht1, src, dst)

    ht2 = pl.pallas_call(
        _tc2_body,
        grid=(grid,),
        in_specs=[dp_s, acc_s, rows_s, w_s, b_s],
        out_specs=rows_s,
        out_shape=jax.ShapeDtypeStruct((NPAD, H), F32),
    )(deg_parts, acc1, ht1, W2, b1r)

    acc2 = scatter(ht2, src, dst)

    A, B = pl.pallas_call(
        _tc3_body,
        grid=(grid,),
        in_specs=[dp_s, acc_s, rows_s, w_s, w_s, b_s, b_s],
        out_specs=[rows_s, rows_s],
        out_shape=[
            jax.ShapeDtypeStruct((NPAD, H), F32),
            jax.ShapeDtypeStruct((NPAD, H), F32),
        ],
    )(deg_parts, acc2, ht2, w3a, w3b, b2r, b3r)

    s16 = edge_score(A, B, src, dst, w4)

    GB = 16
    out = pl.pallas_call(
        _tc4_body,
        grid=(EP // 128 // GB,),
        in_specs=[
            pl.BlockSpec((GB, 128, 16), lambda i: (i, 0, 0)),
            pl.BlockSpec(memory_space=pltpu.SMEM),
        ],
        out_specs=pl.BlockSpec((GB, 128), lambda i: (i, 0)),
        out_shape=jax.ShapeDtypeStruct((EP // 128, 128), F32),
    )(s16.reshape(EP // 128, 128, 16), b4)

    return out.reshape(EP)[:E]

# --- scband reference (transcript-rebuilt; emitter-appended) ---
"""Pipeline reference for scband-edge-predictor-58308476010969 (READ-ONLY COPY).

The authoritative reference and input builder live on the scoring server;
editing this copy changes nothing except your own understanding.
"""

import jax, jax.numpy as jnp
import numpy as np

N, E, FIN, H = 10000, 320000, 128, 128


def gcn_conv(x, edge_index, W, b):
    n = x.shape[0]
    src = edge_index[0]
    dst = edge_index[1]
    loop = jnp.arange(n, dtype=edge_index.dtype)
    src = jnp.concatenate([src, loop])
    dst = jnp.concatenate([dst, loop])
    deg = jnp.zeros((n,), dtype=x.dtype).at[dst].add(1.0)
    dinv = jnp.where(deg > 0, jax.lax.rsqrt(jnp.maximum(deg, 1e-12)), 0.0)
    norm = dinv[src] * dinv[dst]
    h = x @ W.T
    msg = h[src] * norm[:, None]
    out = jnp.zeros((n, W.shape[0]), dtype=x.dtype).at[dst].add(msg)
    return out + b


def setup_inputs(seed: int = 0) -> dict:
    key = jax.random.key(seed)
    ks = jax.random.split(key, 12)
    x = jax.random.normal(ks[0], (N, FIN), dtype=jnp.float32)
    edge_index = jax.random.randint(ks[1], (2, E), 0, N, dtype=jnp.int32)
    W1 = jax.random.normal(ks[2], (H, FIN), dtype=jnp.float32) * (1.0 / np.sqrt(FIN))
    b1 = jnp.zeros((H,), dtype=jnp.float32)
    W2 = jax.random.normal(ks[3], (H, H), dtype=jnp.float32) * (1.0 / np.sqrt(H))
    b2 = jnp.zeros((H,), dtype=jnp.float32)
    W3 = jax.random.normal(ks[4], (H, 2 * H), dtype=jnp.float32) * (1.0 / np.sqrt(2 * H))
    b3 = jnp.zeros((H,), dtype=jnp.float32)
    W4 = jax.random.normal(ks[5], (1, H), dtype=jnp.float32) * (1.0 / np.sqrt(H))
    b4 = jnp.zeros((1,), dtype=jnp.float32)
    return {"x": x, "edge_index": edge_index, "W1": W1, "b1": b1, "W2": W2, "b2": b2, "W3": W3, "b3": b3, "W4": W4, "b4": b4}


def reference(x, edge_index, W1, b1, W2, b2, W3, b3, W4, b4):
    h = jax.nn.relu(gcn_conv(x, edge_index, W1, b1))
    h = gcn_conv(h, edge_index, W2, b2)
    start_nodes = h[edge_index[0]]
    end_nodes = h[edge_index[1]]
    edge_rep = jnp.concatenate([start_nodes, end_nodes], axis=-1)
    z = jax.nn.relu(edge_rep @ W3.T + b3)
    # dropout is identity in eval mode
    out = z @ W4.T + b4
    return out.squeeze(-1)

if __name__ == "__main__":
    import jax
    _d = setup_inputs()
    print(jax.jit(kernel)(*tuple(_d.values())))

</pallas_src>

<mosaic_0001>
#map = affine_map<(d0, d1) -> (0)>
#map1 = affine_map<(d0, d1) -> (0, 0, 0)>
module attributes {stable_mosaic.version = 14 : i64} {
  func.func @hist(%arg0: i32, %arg1: i32, %arg2: memref<323584xi32, #tpu.memory_space<hbm>>, %arg3: memref<2x10240x128xf32, #tpu.memory_space<hbm>>, %arg4: memref<128xi32, #tpu.memory_space<vmem>>, %arg5: memref<128x128xf32, #tpu.memory_space<vmem>>, %arg6: memref<160x128xf32, #tpu.memory_space<vmem>>, %arg7: memref<10240x128xf32, #tpu.memory_space<vmem_shared>>) attributes {dimension_semantics = [#tpu.dimension_semantics<core_parallel>, #tpu.dimension_semantics<subcore_parallel>], iteration_bounds = array<i64: 2, 16>, scalar_prefetch = 0 : i64, scratch_operands = 4 : i64, tpu.core_type = #tpu.core_type<sc_vector_subcore>, window_params = [{transform_indices = #map}, {transform_indices = #map1}]} {
    %mul3A = arith.constant 16 : i32
    %mul3A_0 = arith.muli %arg0, %mul3A : i32
    %add3A = arith.addi %mul3A_0, %arg1 : i32
    %broadcast_in_dim3A = arith.constant 1.000000e+00 : f32
    %broadcast_in_dim3A_1 = vector.broadcast %broadcast_in_dim3A : f32 to vector<16xf32>
    %scan3A = arith.constant 0 : i32
    %scan3A_2 = arith.constant 0 : i32
    %scan3A_3 = arith.constant 128 : i32
    %scan3A_4 = arith.addi %scan3A_2, %scan3A_3 : i32
    %scan3A_5 = arith.constant 1 : i32
    %scan3A_6 = scf.for %scan3A_73 = %scan3A_2 to %scan3A_4 step %scan3A_5 iter_args(%scan3A_74 = %scan3A) -> (i32)  : i32 {
      %swap3A = arith.index_cast %scan3A_73 : i32 to index
      %swap3A_75 = arith.constant 0 : index
      %swap3A_76 = tpu.vector_load %arg5[%swap3A, %swap3A_75] {strides = array<i32>} : memref<128x128xf32, #tpu.memory_space<vmem>>, vector<1x16xf32>,
      %swap3A_77 = vector.shape_cast %swap3A_76 : vector<1x16xf32> to vector<16xf32>
      %swap3A_78 = vector.shape_cast %broadcast_in_dim3A_1 : vector<16xf32> to vector<1x16xf32>
      tpu.vector_store %arg5[%swap3A, %swap3A_75], %swap3A_78 {strides = array<i32>} : memref<128x128xf32, #tpu.memory_space<vmem>>, vector<1x16xf32>,
      %swap3A_79 = arith.index_cast %scan3A_73 : i32 to index
      %swap3A_80 = arith.constant 16 : index
      %swap3A_81 = tpu.vector_load %arg5[%swap3A_79, %swap3A_80] {strides = array<i32>} : memref<128x128xf32, #tpu.memory_space<vmem>>, vector<1x16xf32>,
      %swap3A_82 = vector.shape_cast %swap3A_81 : vector<1x16xf32> to vector<16xf32>
      %swap3A_83 = vector.shape_cast %broadcast_in_dim3A_1 : vector<16xf32> to vector<1x16xf32>
      tpu.vector_store %arg5[%swap3A_79, %swap3A_80], %swap3A_83 {strides = array<i32>} : memref<128x128xf32, #tpu.memory_space<vmem>>, vector<1x16xf32>,
      %swap3A_84 = arith.index_cast %scan3A_73 : i32 to index
      %swap3A_85 = arith.constant 32 : index
      %swap3A_86 = tpu.vector_load %arg5[%swap3A_84, %swap3A_85] {strides = array<i32>} : memref<128x128xf32, #tpu.memory_space<vmem>>, vector<1x16xf32>,
      %swap3A_87 = vector.shape_cast %swap3A_86 : vector<1x16xf32> to vector<16xf32>
      %swap3A_88 = vector.shape_cast %broadcast_in_dim3A_1 : vector<16xf32> to vector<1x16xf32>
      tpu.vector_store %arg5[%swap3A_84, %swap3A_85], %swap3A_88 {strides = array<i32>} : memref<128x128xf32, #tpu.memory_space<vmem>>, vector<1x16xf32>,
      %swap3A_89 = arith.index_cast %scan3A_73 : i32 to index
      %swap3A_90 = arith.constant 48 : index
      %swap3A_91 = tpu.vector_load %arg5[%swap3A_89, %swap3A_90] {strides = array<i32>} : memref<128x128xf32, #tpu.memory_space<vmem>>, vector<1x16xf32>,
      %swap3A_92 = vector.shape_cast %swap3A_91 : vector<1x16xf32> to vector<16xf32>
      %swap3A_93 = vector.shape_cast %broadcast_in_dim3A_1 : vector<16xf32> to vector<1x16xf32>
      tpu.vector_store %arg5[%swap3A_89, %swap3A_90], %swap3A_93 {strides = array<i32>} : memref<128x128xf32, #tpu.memory_space<vmem>>, vector<1x16xf32>,
      %swap3A_94 = arith.index_cast %scan3A_73 : i32 to index
      %swap3A_95 = arith.constant 64 : index
      %swap3A_96 = tpu.vector_load %arg5[%swap3A_94, %swap3A_95] {strides = array<i32>} : memref<128x128xf32, #tpu.memory_space<vmem>>, vector<1x16xf32>,
      %swap3A_97 = vector.shape_cast %swap3A_96 : vector<1x16xf32> to vector<16xf32>
      %swap3A_98 = vector.shape_cast %broadcast_in_dim3A_1 : vector<16xf32> to vector<1x16xf32>
      tpu.vector_store %arg5[%swap3A_94, %swap3A_95], %swap3A_98 {strides = array<i32>} : memref<128x128xf32, #tpu.memory_space<vmem>>, vector<1x16xf32>,
      %swap3A_99 = arith.index_cast %scan3A_73 : i32 to index
      %swap3A_100 = arith.constant 80 : index
      %swap3A_101 = tpu.vector_load %arg5[%swap3A_99, %swap3A_100] {strides = array<i32>} : memref<128x128xf32, #tpu.memory_space<vmem>>, vector<1x16xf32>,
      %swap3A_102 = vector.shape_cast %swap3A_101 : vector<1x16xf32> to vector<16xf32>
      %swap3A_103 = vector.shape_cast %broadcast_in_dim3A_1 : vector<16xf32> to vector<1x16xf32>
      tpu.vector_store %arg5[%swap3A_99, %swap3A_100], %swap3A_103 {strides = array<i32>} : memref<128x128xf32, #tpu.memory_space<vmem>>, vector<1x16xf32>,
      %swap3A_104 = arith.index_cast %scan3A_73 : i32 to index
      %swap3A_105 = arith.constant 96 : index
      %swap3A_106 = tpu.vector_load %arg5[%swap3A_104, %swap3A_105] {strides = array<i32>} : memref<128x128xf32, #tpu.memory_space<vmem>>, vector<1x16xf32>,
      %swap3A_107 = vector.shape_cast %swap3A_106 : vector<1x16xf32> to vector<16xf32>
      %swap3A_108 = vector.shape_cast %broadcast_in_dim3A_1 : vector<16xf32> to vector<1x16xf32>
      tpu.vector_store %arg5[%swap3A_104, %swap3A_105], %swap3A_108 {strides = array<i32>} : memref<128x128xf32, #tpu.memory_space<vmem>>, vector<1x16xf32>,
      %swap3A_109 = arith.index_cast %scan3A_73 : i32 to index
      %swap3A_110 = arith.constant 112 : index
      %swap3A_111 = tpu.vector_load %arg5[%swap3A_109, %swap3A_110] {strides = array<i32>} : memref<128x128xf32, #tpu.memory_space<vmem>>, vector<1x16xf32>,
      %swap3A_112 = vector.shape_cast %swap3A_111 : vector<1x16xf32> to vector<16xf32>
      %swap3A_113 = vector.shape_cast %broadcast_in_dim3A_1 : vector<16xf32> to vector<1x16xf32>
      tpu.vector_store %arg5[%swap3A_109, %swap3A_110], %swap3A_113 {strides = array<i32>} : memref<128x128xf32, #tpu.memory_space<vmem>>, vector<1x16xf32>,
      %scan3A_114 = arith.constant 0 : i32
      scf.yield %scan3A_114 : i32
    }
    %scan3A_7 = arith.constant 128 : i32
    %broadcast_in_dim3A_8 = arith.constant 0.000000e+00 : f32
    %broadcast_in_dim3A_9 = vector.broadcast %broadcast_in_dim3A_8 : f32 to vector<16xf32>
    %scan3A_10 = arith.constant 0 : i32
    %scan3A_11 = arith.constant 0 : i32
    %scan3A_12 = arith.constant 160 : i32
    %scan3A_13 = arith.addi %scan3A_11, %scan3A_12 : i32
    %scan3A_14 = arith.constant 1 : i32
    %scan3A_15 = scf.for %scan3A_73 = %scan3A_11 to %scan3A_13 step %scan3A_14 iter_args(%scan3A_74 = %scan3A_10) -> (i32)  : i32 {
      %swap3A = arith.index_cast %scan3A_73 : i32 to index
      %swap3A_75 = arith.constant 0 : index
      %swap3A_76 = tpu.vector_load %arg6[%swap3A, %swap3A_75] {strides = array<i32>} : memref<160x128xf32, #tpu.memory_space<vmem>>, vector<1x16xf32>,
      %swap3A_77 = vector.shape_cast %swap3A_76 : vector<1x16xf32> to vector<16xf32>
      %swap3A_78 = vector.shape_cast %broadcast_in_dim3A_9 : vector<16xf32> to vector<1x16xf32>
      tpu.vector_store %arg6[%swap3A, %swap3A_75], %swap3A_78 {strides = array<i32>} : memref<160x128xf32, #tpu.memory_space<vmem>>, vector<1x16xf32>,
      %swap3A_79 = arith.index_cast %scan3A_73 : i32 to index
      %swap3A_80 = arith.constant 16 : index
      %swap3A_81 = tpu.vector_load %arg6[%swap3A_79, %swap3A_80] {strides = array<i32>} : memref<160x128xf32, #tpu.memory_space<vmem>>, vector<1x16xf32>,
      %swap3A_82 = vector.shape_cast %swap3A_81 : vector<1x16xf32> to vector<16xf32>
      %swap3A_83 = vector.shape_cast %broadcast_in_dim3A_9 : vector<16xf32> to vector<1x16xf32>
      tpu.vector_store %arg6[%swap3A_79, %swap3A_80], %swap3A_83 {strides = array<i32>} : memref<160x128xf32, #tpu.memory_space<vmem>>, vector<1x16xf32>,
      %swap3A_84 = arith.index_cast %scan3A_73 : i32 to index
      %swap3A_85 = arith.constant 32 : index
      %swap3A_86 = tpu.vector_load %arg6[%swap3A_84, %swap3A_85] {strides = array<i32>} : memref<160x128xf32, #tpu.memory_space<vmem>>, vector<1x16xf32>,
      %swap3A_87 = vector.shape_cast %swap3A_86 : vector<1x16xf32> to vector<16xf32>
      %swap3A_88 = vector.shape_cast %broadcast_in_dim3A_9 : vector<16xf32> to vector<1x16xf32>
      tpu.vector_store %arg6[%swap3A_84, %swap3A_85], %swap3A_88 {strides = array<i32>} : memref<160x128xf32, #tpu.memory_space<vmem>>, vector<1x16xf32>,
      %swap3A_89 = arith.index_cast %scan3A_73 : i32 to index
      %swap3A_90 = arith.constant 48 : index
      %swap3A_91 = tpu.vector_load %arg6[%swap3A_89, %swap3A_90] {strides = array<i32>} : memref<160x128xf32, #tpu.memory_space<vmem>>, vector<1x16xf32>,
      %swap3A_92 = vector.shape_cast %swap3A_91 : vector<1x16xf32> to vector<16xf32>
      %swap3A_93 = vector.shape_cast %broadcast_in_dim3A_9 : vector<16xf32> to vector<1x16xf32>
      tpu.vector_store %arg6[%swap3A_89, %swap3A_90], %swap3A_93 {strides = array<i32>} : memref<160x128xf32, #tpu.memory_space<vmem>>, vector<1x16xf32>,
      %swap3A_94 = arith.index_cast %scan3A_73 : i32 to index
      %swap3A_95 = arith.constant 64 : index
      %swap3A_96 = tpu.vector_load %arg6[%swap3A_94, %swap3A_95] {strides = array<i32>} : memref<160x128xf32, #tpu.memory_space<vmem>>, vector<1x16xf32>,
      %swap3A_97 = vector.shape_cast %swap3A_96 : vector<1x16xf32> to vector<16xf32>
      %swap3A_98 = vector.shape_cast %broadcast_in_dim3A_9 : vector<16xf32> to vector<1x16xf32>
      tpu.vector_store %arg6[%swap3A_94, %swap3A_95], %swap3A_98 {strides = array<i32>} : memref<160x128xf32, #tpu.memory_space<vmem>>, vector<1x16xf32>,
      %swap3A_99 = arith.index_cast %scan3A_73 : i32 to index
      %swap3A_100 = arith.constant 80 : index
      %swap3A_101 = tpu.vector_load %arg6[%swap3A_99, %swap3A_100] {strides = array<i32>} : memref<160x128xf32, #tpu.memory_space<vmem>>, vector<1x16xf32>,
      %swap3A_102 = vector.shape_cast %swap3A_101 : vector<1x16xf32> to vector<16xf32>
      %swap3A_103 = vector.shape_cast %broadcast_in_dim3A_9 : vector<16xf32> to vector<1x16xf32>
      tpu.vector_store %arg6[%swap3A_99, %swap3A_100], %swap3A_103 {strides = array<i32>} : memref<160x128xf32, #tpu.memory_space<vmem>>, vector<1x16xf32>,
      %swap3A_104 = arith.index_cast %scan3A_73 : i32 to index
      %swap3A_105 = arith.constant 96 : index
      %swap3A_106 = tpu.vector_load %arg6[%swap3A_104, %swap3A_105] {strides = array<i32>} : memref<160x128xf32, #tpu.memory_space<vmem>>, vector<1x16xf32>,
      %swap3A_107 = vector.shape_cast %swap3A_106 : vector<1x16xf32> to vector<16xf32>
      %swap3A_108 = vector.shape_cast %broadcast_in_dim3A_9 : vector<16xf32> to vector<1x16xf32>
      tpu.vector_store %arg6[%swap3A_104, %swap3A_105], %swap3A_108 {strides = array<i32>} : memref<160x128xf32, #tpu.memory_space<vmem>>, vector<1x16xf32>,
      %swap3A_109 = arith.index_cast %scan3A_73 : i32 to index
      %swap3A_110 = arith.constant 112 : index
      %swap3A_111 = tpu.vector_load %arg6[%swap3A_109, %swap3A_110] {strides = array<i32>} : memref<160x128xf32, #tpu.memory_space<vmem>>, vector<1x16xf32>,
      %swap3A_112 = vector.shape_cast %swap3A_111 : vector<1x16xf32> to vector<16xf32>
      %swap3A_113 = vector.shape_cast %broadcast_in_dim3A_9 : vector<16xf32> to vector<1x16xf32>
      tpu.vector_store %arg6[%swap3A_109, %swap3A_110], %swap3A_113 {strides = array<i32>} : memref<160x128xf32, #tpu.memory_space<vmem>>, vector<1x16xf32>,
      %scan3A_114 = arith.constant 0 : i32
      scf.yield %scan3A_114 : i32
    }
    %scan3A_16 = arith.constant 160 : i32
    %mul3A_17 = arith.constant 640 : i32
    %mul3A_18 = arith.muli %arg1, %mul3A_17 : i32
    %add3A_19 = arith.constant 0 : i32
    %add3A_20 = arith.addi %mul3A_18, %add3A_19 : i32
    "tpu.region"() ({
      %run_scoped3A = tpu.sem_alloc : memref<!tpu.dma_semaphore, #tpu.memory_space<semaphore_mem>>
      %dma_start3A = arith.constant 0 : i32
      %dma_start3A_73 = tpu.memref_slice %arg7[%add3A_20, %dma_start3A] : memref<10240x128xf32, #tpu.memory_space<vmem_shared>> -> memref<160x128xf32, #tpu.memory_space<vmem_shared>>
      %dma_start3A_74 = arith.constant 0 : i32
      %dma_start3A_75 = tpu.memref_slice %arg7[%add3A_20, %dma_start3A_74] : memref<10240x128xf32, #tpu.memory_space<vmem_shared>> -> memref<160x128xf32, #tpu.memory_space<vmem_shared>>
      tpu.enqueue_dma source(%arg6 : memref<160x128xf32, #tpu.memory_space<vmem>>) target(%dma_start3A_75 : memref<160x128xf32, #tpu.memory_space<vmem_shared>>) target_semaphore(%run_scoped3A : memref<!tpu.dma_semaphore, #tpu.memory_space<semaphore_mem>>)
      %dma_wait3A = arith.constant 0 : i32
      %dma_wait3A_76 = tpu.memref_slice %arg7[%add3A_20, %dma_wait3A] : memref<10240x128xf32, #tpu.memory_space<vmem_shared>> -> memref<160x128xf32, #tpu.memory_space<vmem_shared>>
      %dma_wait3A_77 = arith.constant 0 : i32
      %dma_wait3A_78 = tpu.memref_slice %arg7[%add3A_20, %dma_wait3A_77] : memref<10240x128xf32, #tpu.memory_space<vmem_shared>> -> memref<160x128xf32, #tpu.memory_space<vmem_shared>>
      tpu.wait_dma2 semaphore(%run_scoped3A : memref<!tpu.dma_semaphore, #tpu.memory_space<semaphore_mem>>) src(%arg6 : memref<160x128xf32, #tpu.memory_space<vmem>>) dst(%dma_wait3A_78 : memref<160x128xf32, #tpu.memory_space<vmem_shared>>)
      tpu.yield
    }) : () -> ()
    %mul3A_21 = arith.constant 640 : i32
    %mul3A_22 = arith.muli %arg1, %mul3A_21 : i32
    %add3A_23 = arith.constant 160 : i32
    %add3A_24 = arith.addi %mul3A_22, %add3A_23 : i32
    "tpu.region"() ({
      %run_scoped3A = tpu.sem_alloc : memref<!tpu.dma_semaphore, #tpu.memory_space<semaphore_mem>>
      %dma_start3A = arith.constant 0 : i32
      %dma_start3A_73 = tpu.memref_slice %arg7[%add3A_24, %dma_start3A] : memref<10240x128xf32, #tpu.memory_space<vmem_shared>> -> memref<160x128xf32, #tpu.memory_space<vmem_shared>>
      %dma_start3A_74 = arith.constant 0 : i32
      %dma_start3A_75 = tpu.memref_slice %arg7[%add3A_24, %dma_start3A_74] : memref<10240x128xf32, #tpu.memory_space<vmem_shared>> -> memref<160x128xf32, #tpu.memory_space<vmem_shared>>
      tpu.enqueue_dma source(%arg6 : memref<160x128xf32, #tpu.memory_space<vmem>>) target(%dma_start3A_75 : memref<160x128xf32, #tpu.memory_space<vmem_shared>>) target_semaphore(%run_scoped3A : memref<!tpu.dma_semaphore, #tpu.memory_space<semaphore_mem>>)
      %dma_wait3A = arith.constant 0 : i32
      %dma_wait3A_76 = tpu.memref_slice %arg7[%add3A_24, %dma_wait3A] : memref<10240x128xf32, #tpu.memory_space<vmem_shared>> -> memref<160x128xf32, #tpu.memory_space<vmem_shared>>
      %dma_wait3A_77 = arith.constant 0 : i32
      %dma_wait3A_78 = tpu.memref_slice %arg7[%add3A_24, %dma_wait3A_77] : memref<10240x128xf32, #tpu.memory_space<vmem_shared>> -> memref<160x128xf32, #tpu.memory_space<vmem_shared>>
      tpu.wait_dma2 semaphore(%run_scoped3A : memref<!tpu.dma_semaphore, #tpu.memory_space<semaphore_mem>>) src(%arg6 : memref<160x128xf32, #tpu.memory_space<vmem>>) dst(%dma_wait3A_78 : memref<160x128xf32, #tpu.memory_space<vmem_shared>>)
      tpu.yield
    }) : () -> ()
    %mul3A_25 = arith.constant 640 : i32
    %mul3A_26 = arith.muli %arg1, %mul3A_25 : i32
    %add3A_27 = arith.constant 320 : i32
    %add3A_28 = arith.addi %mul3A_26, %add3A_27 : i32
    "tpu.region"() ({
      %run_scoped3A = tpu.sem_alloc : memref<!tpu.dma_semaphore, #tpu.memory_space<semaphore_mem>>
      %dma_start3A = arith.constant 0 : i32
      %dma_start3A_73 = tpu.memref_slice %arg7[%add3A_28, %dma_start3A] : memref<10240x128xf32, #tpu.memory_space<vmem_shared>> -> memref<160x128xf32, #tpu.memory_space<vmem_shared>>
      %dma_start3A_74 = arith.constant 0 : i32
      %dma_start3A_75 = tpu.memref_slice %arg7[%add3A_28, %dma_start3A_74] : memref<10240x128xf32, #tpu.memory_space<vmem_shared>> -> memref<160x128xf32, #tpu.memory_space<vmem_shared>>
      tpu.enqueue_dma source(%arg6 : memref<160x128xf32, #tpu.memory_space<vmem>>) target(%dma_start3A_75 : memref<160x128xf32, #tpu.memory_space<vmem_shared>>) target_semaphore(%run_scoped3A : memref<!tpu.dma_semaphore, #tpu.memory_space<semaphore_mem>>)
      %dma_wait3A = arith.constant 0 : i32
      %dma_wait3A_76 = tpu.memref_slice %arg7[%add3A_28, %dma_wait3A] : memref<10240x128xf32, #tpu.memory_space<vmem_shared>> -> memref<160x128xf32, #tpu.memory_space<vmem_shared>>
      %dma_wait3A_77 = arith.constant 0 : i32
      %dma_wait3A_78 = tpu.memref_slice %arg7[%add3A_28, %dma_wait3A_77] : memref<10240x128xf32, #tpu.memory_space<vmem_shared>> -> memref<160x128xf32, #tpu.memory_space<vmem_shared>>
      tpu.wait_dma2 semaphore(%run_scoped3A : memref<!tpu.dma_semaphore, #tpu.memory_space<semaphore_mem>>) src(%arg6 : memref<160x128xf32, #tpu.memory_space<vmem>>) dst(%dma_wait3A_78 : memref<160x128xf32, #tpu.memory_space<vmem_shared>>)
      tpu.yield
    }) : () -> ()
    %mul3A_29 = arith.constant 640 : i32
    %mul3A_30 = arith.muli %arg1, %mul3A_29 : i32
    %add3A_31 = arith.constant 480 : i32
    %add3A_32 = arith.addi %mul3A_30, %add3A_31 : i32
    "tpu.region"() ({
      %run_scoped3A = tpu.sem_alloc : memref<!tpu.dma_semaphore, #tpu.memory_space<semaphore_mem>>
      %dma_start3A = arith.constant 0 : i32
      %dma_start3A_73 = tpu.memref_slice %arg7[%add3A_32, %dma_start3A] : memref<10240x128xf32, #tpu.memory_space<vmem_shared>> -> memref<160x128xf32, #tpu.memory_space<vmem_shared>>
      %dma_start3A_74 = arith.constant 0 : i32
      %dma_start3A_75 = tpu.memref_slice %arg7[%add3A_32, %dma_start3A_74] : memref<10240x128xf32, #tpu.memory_space<vmem_shared>> -> memref<160x128xf32, #tpu.memory_space<vmem_shared>>
      tpu.enqueue_dma source(%arg6 : memref<160x128xf32, #tpu.memory_space<vmem>>) target(%dma_start3A_75 : memref<160x128xf32, #tpu.memory_space<vmem_shared>>) target_semaphore(%run_scoped3A : memref<!tpu.dma_semaphore, #tpu.memory_space<semaphore_mem>>)
      %dma_wait3A = arith.constant 0 : i32
      %dma_wait3A_76 = tpu.memref_slice %arg7[%add3A_32, %dma_wait3A] : memref<10240x128xf32, #tpu.memory_space<vmem_shared>> -> memref<160x128xf32, #tpu.memory_space<vmem_shared>>
      %dma_wait3A_77 = arith.constant 0 : i32
      %dma_wait3A_78 = tpu.memref_slice %arg7[%add3A_32, %dma_wait3A_77] : memref<10240x128xf32, #tpu.memory_space<vmem_shared>> -> memref<160x128xf32, #tpu.memory_space<vmem_shared>>
      tpu.wait_dma2 semaphore(%run_scoped3A : memref<!tpu.dma_semaphore, #tpu.memory_space<semaphore_mem>>) src(%arg6 : memref<160x128xf32, #tpu.memory_space<vmem>>) dst(%dma_wait3A_78 : memref<160x128xf32, #tpu.memory_space<vmem_shared>>)
      tpu.yield
    }) : () -> ()
    %barrier3A = arith.constant 0 : index
    tpu.barrier barrier_id(%barrier3A)
    %scan3A_33 = arith.constant 0 : i32
    %scan3A_34 = arith.constant 0 : i32
    %scan3A_35 = arith.constant 79 : i32
    %scan3A_36 = arith.addi %scan3A_34, %scan3A_35 : i32
    %scan3A_37 = arith.constant 1 : i32
    %scan3A_38 = scf.for %scan3A_73 = %scan3A_34 to %scan3A_36 step %scan3A_37 iter_args(%scan3A_74 = %scan3A_33) -> (i32)  : i32 {
      %mul3A_75 = arith.constant 10112 : i32
      %mul3A_76 = arith.muli %add3A, %mul3A_75 : i32
      %mul3A_77 = arith.constant 128 : i32
      %mul3A_78 = arith.muli %scan3A_73, %mul3A_77 : i32
      %add3A_79 = arith.addi %mul3A_76, %mul3A_78 : i32
      "tpu.region"() ({
        %run_scoped3A = tpu.sem_alloc : memref<!tpu.dma_semaphore, #tpu.memory_space<semaphore_mem>>
        %dma_start3A = tpu.memref_slice %arg2[%add3A_79] : memref<323584xi32, #tpu.memory_space<hbm>> -> memref<128xi32, #tpu.memory_space<hbm>>
        %dma_start3A_81 = tpu.memref_slice %arg2[%add3A_79] : memref<323584xi32, #tpu.memory_space<hbm>> -> memref<128xi32, #tpu.memory_space<hbm>>
        tpu.enqueue_dma source(%dma_start3A_81 : memref<128xi32, #tpu.memory_space<hbm>>) target(%arg4 : memref<128xi32, #tpu.memory_space<vmem>>) target_semaphore(%run_scoped3A : memref<!tpu.dma_semaphore, #tpu.memory_space<semaphore_mem>>)
        %dma_wait3A = tpu.memref_slice %arg2[%add3A_79] : memref<323584xi32, #tpu.memory_space<hbm>> -> memref<128xi32, #tpu.memory_space<hbm>>
        %dma_wait3A_82 = tpu.memref_slice %arg2[%add3A_79] : memref<323584xi32, #tpu.memory_space<hbm>> -> memref<128xi32, #tpu.memory_space<hbm>>
        tpu.wait_dma2 semaphore(%run_scoped3A : memref<!tpu.dma_semaphore, #tpu.memory_space<semaphore_mem>>) src(%dma_wait3A_82 : memref<128xi32, #tpu.memory_space<hbm>>) dst(%arg4 : memref<128xi32, #tpu.memory_space<vmem>>)
        tpu.yield
      }) : () -> ()
      "tpu.region"() ({
        %run_scoped3A = tpu.sem_alloc : memref<!tpu.dma_semaphore, #tpu.memory_space<semaphore_mem>>
        %dma_start3A = arith.constant 0 : i32
        %dma_start3A_81 = arith.constant 0 : i32
        %dma_start3A_82 = tpu.memref_slice %arg7[%dma_start3A, %dma_start3A_81] : memref<10240x128xf32, #tpu.memory_space<vmem_shared>> -> memref<10240x128xf32, #tpu.memory_space<vmem_shared>>
        tpu.enqueue_indirect_dma source(%arg5 : memref<128x128xf32, #tpu.memory_space<vmem>>) target(%dma_start3A_82 : memref<10240x128xf32, #tpu.memory_space<vmem_shared>>) offsets(%arg4 : memref<128xi32, #tpu.memory_space<vmem>>) semaphore(%run_scoped3A : memref<!tpu.dma_semaphore, #tpu.memory_space<semaphore_mem>>) {add = true}
        %dma_wait3A = arith.constant 0 : i32
        %dma_wait3A_83 = arith.constant 0 : i32
        %dma_wait3A_84 = tpu.memref_slice %arg7[%dma_wait3A, %dma_wait3A_83] : memref<10240x128xf32, #tpu.memory_space<vmem_shared>> -> memref<10240x128xf32, #tpu.memory_space<vmem_shared>>
        tpu.wait_indirect_dma semaphore(%run_scoped3A : memref<!tpu.dma_semaphore, #tpu.memory_space<semaphore_mem>>) src(%arg5 : memref<128x128xf32, #tpu.memory_space<vmem>>) dst(%dma_wait3A_84 : memref<10240x128xf32, #tpu.memory_space<vmem_shared>>)
        tpu.yield
      }) : () -> ()
      %scan3A_80 = arith.constant 0 : i32
      scf.yield %scan3A_80 : i32
    }
    %scan3A_39 = arith.constant 79 : i32
    %barrier3A_40 = arith.constant 0 : index
    tpu.barrier barrier_id(%barrier3A_40)
    %mul3A_41 = arith.constant 640 : i32
    %mul3A_42 = arith.muli %arg1, %mul3A_41 : i32
    %add3A_43 = arith.constant 0 : i32
    %add3A_44 = arith.addi %mul3A_42, %add3A_43 : i32
    "tpu.region"() ({
      %run_scoped3A = tpu.sem_alloc : memref<!tpu.dma_semaphore, #tpu.memory_space<semaphore_mem>>
      %dma_start3A = arith.constant 0 : i32
      %dma_start3A_73 = tpu.memref_slice %arg7[%add3A_44, %dma_start3A] : memref<10240x128xf32, #tpu.memory_space<vmem_shared>> -> memref<160x128xf32, #tpu.memory_space<vmem_shared>>
      %dma_start3A_74 = arith.constant 0 : i32
      %dma_start3A_75 = tpu.memref_slice %arg7[%add3A_44, %dma_start3A_74] : memref<10240x128xf32, #tpu.memory_space<vmem_shared>> -> memref<160x128xf32, #tpu.memory_space<vmem_shared>>
      tpu.enqueue_dma source(%dma_start3A_75 : memref<160x128xf32, #tpu.memory_space<vmem_shared>>) target(%arg6 : memref<160x128xf32, #tpu.memory_space<vmem>>) target_semaphore(%run_scoped3A : memref<!tpu.dma_semaphore, #tpu.memory_space<semaphore_mem>>)
      %dma_wait3A = arith.constant 0 : i32
      %dma_wait3A_76 = tpu.memref_slice %arg7[%add3A_44, %dma_wait3A] : memref<10240x128xf32, #tpu.memory_space<vmem_shared>> -> memref<160x128xf32, #tpu.memory_space<vmem_shared>>
      %dma_wait3A_77 = arith.constant 0 : i32
      %dma_wait3A_78 = tpu.memref_slice %arg7[%add3A_44, %dma_wait3A_77] : memref<10240x128xf32, #tpu.memory_space<vmem_shared>> -> memref<160x128xf32, #tpu.memory_space<vmem_shared>>
      tpu.wait_dma2 semaphore(%run_scoped3A : memref<!tpu.dma_semaphore, #tpu.memory_space<semaphore_mem>>) src(%dma_wait3A_78 : memref<160x128xf32, #tpu.memory_space<vmem_shared>>) dst(%arg6 : memref<160x128xf32, #tpu.memory_space<vmem>>)
      tpu.yield
    }) : () -> ()
    %mul3A_45 = arith.constant 640 : i32
    %mul3A_46 = arith.muli %arg1, %mul3A_45 : i32
    %add3A_47 = arith.constant 0 : i32
    %add3A_48 = arith.addi %mul3A_46, %add3A_47 : i32
    "tpu.region"() ({
      %run_scoped3A = tpu.sem_alloc : memref<!tpu.dma_semaphore, #tpu.memory_space<semaphore_mem>>
      %dma_start3A = arith.constant 0 : i32
      %dma_start3A_73 = tpu.memref_slice %arg3[%arg0, %add3A_48, %dma_start3A] : memref<2x10240x128xf32, #tpu.memory_space<hbm>> -> memref<1x160x128xf32, #tpu.memory_space<hbm>>
      %dma_start3A_74 = tpu.memref_squeeze %dma_start3A_73 : memref<1x160x128xf32, #tpu.memory_space<hbm>> -> memref<160x128xf32, #tpu.memory_space<hbm>>
      %dma_start3A_75 = arith.constant 0 : i32
      %dma_start3A_76 = tpu.memref_slice %arg3[%arg0, %add3A_48, %dma_start3A_75] : memref<2x10240x128xf32, #tpu.memory_space<hbm>> -> memref<1x160x128xf32, #tpu.memory_space<hbm>>
      %dma_start3A_77 = tpu.memref_squeeze %dma_start3A_76 : memref<1x160x128xf32, #tpu.memory_space<hbm>> -> memref<160x128xf32, #tpu.memory_space<hbm>>
      tpu.enqueue_dma source(%arg6 : memref<160x128xf32, #tpu.memory_space<vmem>>) target(%dma_start3A_77 : memref<160x128xf32, #tpu.memory_space<hbm>>) target_semaphore(%run_scoped3A : memref<!tpu.dma_semaphore, #tpu.memory_space<semaphore_mem>>)
      %dma_wait3A = arith.constant 0 : i32
      %dma_wait3A_78 = tpu.memref_slice %arg3[%arg0, %add3A_48, %dma_wait3A] : memref<2x10240x128xf32, #tpu.memory_space<hbm>> -> memref<1x160x128xf32, #tpu.memory_space<hbm>>
      %dma_wait3A_79 = tpu.memref_squeeze %dma_wait3A_78 : memref<1x160x128xf32, #tpu.memory_space<hbm>> -> memref<160x128xf32, #tpu.memory_space<hbm>>
      %dma_wait3A_80 = arith.constant 0 : i32
      %dma_wait3A_81 = tpu.memref_slice %arg3[%arg0, %add3A_48, %dma_wait3A_80] : memref<2x10240x128xf32, #tpu.memory_space<hbm>> -> memref<1x160x128xf32, #tpu.memory_space<hbm>>
      %dma_wait3A_82 = tpu.memref_squeeze %dma_wait3A_81 : memref<1x160x128xf32, #tpu.memory_space<hbm>> -> memref<160x128xf32, #tpu.memory_space<hbm>>
      tpu.wait_dma2 semaphore(%run_scoped3A : memref<!tpu.dma_semaphore, #tpu.memory_space<semaphore_mem>>) src(%arg6 : memref<160x128xf32, #tpu.memory_space<vmem>>) dst(%dma_wait3A_82 : memref<160x128xf32, #tpu.memory_space<hbm>>)
      tpu.yield
    }) : () -> ()
    %mul3A_49 = arith.constant 640 : i32
    %mul3A_50 = arith.muli %arg1, %mul3A_49 : i32
    %add3A_51 = arith.constant 160 : i32
    %add3A_52 = arith.addi %mul3A_50, %add3A_51 : i32
    "tpu.region"() ({
      %run_scoped3A = tpu.sem_alloc : memref<!tpu.dma_semaphore, #tpu.memory_space<semaphore_mem>>
      %dma_start3A = arith.constant 0 : i32
      %dma_start3A_73 = tpu.memref_slice %arg7[%add3A_52, %dma_start3A] : memref<10240x128xf32, #tpu.memory_space<vmem_shared>> -> memref<160x128xf32, #tpu.memory_space<vmem_shared>>
      %dma_start3A_74 = arith.constant 0 : i32
      %dma_start3A_75 = tpu.memref_slice %arg7[%add3A_52, %dma_start3A_74] : memref<10240x128xf32, #tpu.memory_space<vmem_shared>> -> memref<160x128xf32, #tpu.memory_space<vmem_shared>>
      tpu.enqueue_dma source(%dma_start3A_75 : memref<160x128xf32, #tpu.memory_space<vmem_shared>>) target(%arg6 : memref<160x128xf32, #tpu.memory_space<vmem>>) target_semaphore(%run_scoped3A : memref<!tpu.dma_semaphore, #tpu.memory_space<semaphore_mem>>)
      %dma_wait3A = arith.constant 0 : i32
      %dma_wait3A_76 = tpu.memref_slice %arg7[%add3A_52, %dma_wait3A] : memref<10240x128xf32, #tpu.memory_space<vmem_shared>> -> memref<160x128xf32, #tpu.memory_space<vmem_shared>>
      %dma_wait3A_77 = arith.constant 0 : i32
      %dma_wait3A_78 = tpu.memref_slice %arg7[%add3A_52, %dma_wait3A_77] : memref<10240x128xf32, #tpu.memory_space<vmem_shared>> -> memref<160x128xf32, #tpu.memory_space<vmem_shared>>
      tpu.wait_dma2 semaphore(%run_scoped3A : memref<!tpu.dma_semaphore, #tpu.memory_space<semaphore_mem>>) src(%dma_wait3A_78 : memref<160x128xf32, #tpu.memory_space<vmem_shared>>) dst(%arg6 : memref<160x128xf32, #tpu.memory_space<vmem>>)
      tpu.yield
    }) : () -> ()
    %mul3A_53 = arith.constant 640 : i32
    %mul3A_54 = arith.muli %arg1, %mul3A_53 : i32
    %add3A_55 = arith.constant 160 : i32
    %add3A_56 = arith.addi %mul3A_54, %add3A_55 : i32
    "tpu.region"() ({
      %run_scoped3A = tpu.sem_alloc : memref<!tpu.dma_semaphore, #tpu.memory_space<semaphore_mem>>
      %dma_start3A = arith.constant 0 : i32
      %dma_start3A_73 = tpu.memref_slice %arg3[%arg0, %add3A_56, %dma_start3A] : memref<2x10240x128xf32, #tpu.memory_space<hbm>> -> memref<1x160x128xf32, #tpu.memory_space<hbm>>
      %dma_start3A_74 = tpu.memref_squeeze %dma_start3A_73 : memref<1x160x128xf32, #tpu.memory_space<hbm>> -> memref<160x128xf32, #tpu.memory_space<hbm>>
      %dma_start3A_75 = arith.constant 0 : i32
      %dma_start3A_76 = tpu.memref_slice %arg3[%arg0, %add3A_56, %dma_start3A_75] : memref<2x10240x128xf32, #tpu.memory_space<hbm>> -> memref<1x160x128xf32, #tpu.memory_space<hbm>>
      %dma_start3A_77 = tpu.memref_squeeze %dma_start3A_76 : memref<1x160x128xf32, #tpu.memory_space<hbm>> -> memref<160x128xf32, #tpu.memory_space<hbm>>
      tpu.enqueue_dma source(%arg6 : memref<160x128xf32, #tpu.memory_space<vmem>>) target(%dma_start3A_77 : memref<160x128xf32, #tpu.memory_space<hbm>>) target_semaphore(%run_scoped3A : memref<!tpu.dma_semaphore, #tpu.memory_space<semaphore_mem>>)
      %dma_wait3A = arith.constant 0 : i32
      %dma_wait3A_78 = tpu.memref_slice %arg3[%arg0, %add3A_56, %dma_wait3A] : memref<2x10240x128xf32, #tpu.memory_space<hbm>> -> memref<1x160x128xf32, #tpu.memory_space<hbm>>
      %dma_wait3A_79 = tpu.memref_squeeze %dma_wait3A_78 : memref<1x160x128xf32, #tpu.memory_space<hbm>> -> memref<160x128xf32, #tpu.memory_space<hbm>>
      %dma_wait3A_80 = arith.constant 0 : i32
      %dma_wait3A_81 = tpu.memref_slice %arg3[%arg0, %add3A_56, %dma_wait3A_80] : memref<2x10240x128xf32, #tpu.memory_space<hbm>> -> memref<1x160x128xf32, #tpu.memory_space<hbm>>
      %dma_wait3A_82 = tpu.memref_squeeze %dma_wait3A_81 : memref<1x160x128xf32, #tpu.memory_space<hbm>> -> memref<160x128xf32, #tpu.memory_space<hbm>>
      tpu.wait_dma2 semaphore(%run_scoped3A : memref<!tpu.dma_semaphore, #tpu.memory_space<semaphore_mem>>) src(%arg6 : memref<160x128xf32, #tpu.memory_space<vmem>>) dst(%dma_wait3A_82 : memref<160x128xf32, #tpu.memory_space<hbm>>)
      tpu.yield
    }) : () -> ()
    %mul3A_57 = arith.constant 640 : i32
    %mul3A_58 = arith.muli %arg1, %mul3A_57 : i32
    %add3A_59 = arith.constant 320 : i32
    %add3A_60 = arith.addi %mul3A_58, %add3A_59 : i32
    "tpu.region"() ({
      %run_scoped3A = tpu.sem_alloc : memref<!tpu.dma_semaphore, #tpu.memory_space<semaphore_mem>>
      %dma_start3A = arith.constant 0 : i32
      %dma_start3A_73 = tpu.memref_slice %arg7[%add3A_60, %dma_start3A] : memref<10240x128xf32, #tpu.memory_space<vmem_shared>> -> memref<160x128xf32, #tpu.memory_space<vmem_shared>>
      %dma_start3A_74 = arith.constant 0 : i32
      %dma_start3A_75 = tpu.memref_slice %arg7[%add3A_60, %dma_start3A_74] : memref<10240x128xf32, #tpu.memory_space<vmem_shared>> -> memref<160x128xf32, #tpu.memory_space<vmem_shared>>
      tpu.enqueue_dma source(%dma_start3A_75 : memref<160x128xf32, #tpu.memory_space<vmem_shared>>) target(%arg6 : memref<160x128xf32, #tpu.memory_space<vmem>>) target_semaphore(%run_scoped3A : memref<!tpu.dma_semaphore, #tpu.memory_space<semaphore_mem>>)
      %dma_wait3A = arith.constant 0 : i32
      %dma_wait3A_76 = tpu.memref_slice %arg7[%add3A_60, %dma_wait3A] : memref<10240x128xf32, #tpu.memory_space<vmem_shared>> -> memref<160x128xf32, #tpu.memory_space<vmem_shared>>
      %dma_wait3A_77 = arith.constant 0 : i32
      %dma_wait3A_78 = tpu.memref_slice %arg7[%add3A_60, %dma_wait3A_77] : memref<10240x128xf32, #tpu.memory_space<vmem_shared>> -> memref<160x128xf32, #tpu.memory_space<vmem_shared>>
      tpu.wait_dma2 semaphore(%run_scoped3A : memref<!tpu.dma_semaphore, #tpu.memory_space<semaphore_mem>>) src(%dma_wait3A_78 : memref<160x128xf32, #tpu.memory_space<vmem_shared>>) dst(%arg6 : memref<160x128xf32, #tpu.memory_space<vmem>>)
      tpu.yield
    }) : () -> ()
    %mul3A_61 = arith.constant 640 : i32
    %mul3A_62 = arith.muli %arg1, %mul3A_61 : i32
    %add3A_63 = arith.constant 320 : i32
    %add3A_64 = arith.addi %mul3A_62, %add3A_63 : i32
    "tpu.region"() ({
      %run_scoped3A = tpu.sem_alloc : memref<!tpu.dma_semaphore, #tpu.memory_space<semaphore_mem>>
      %dma_start3A = arith.constant 0 : i32
      %dma_start3A_73 = tpu.memref_slice %arg3[%arg0, %add3A_64, %dma_start3A] : memref<2x10240x128xf32, #tpu.memory_space<hbm>> -> memref<1x160x128xf32, #tpu.memory_space<hbm>>
      %dma_start3A_74 = tpu.memref_squeeze %dma_start3A_73 : memref<1x160x128xf32, #tpu.memory_space<hbm>> -> memref<160x128xf32, #tpu.memory_space<hbm>>
      %dma_start3A_75 = arith.constant 0 : i32
      %dma_start3A_76 = tpu.memref_slice %arg3[%arg0, %add3A_64, %dma_start3A_75] : memref<2x10240x128xf32, #tpu.memory_space<hbm>> -> memref<1x160x128xf32, #tpu.memory_space<hbm>>
      %dma_start3A_77 = tpu.memref_squeeze %dma_start3A_76 : memref<1x160x128xf32, #tpu.memory_space<hbm>> -> memref<160x128xf32, #tpu.memory_space<hbm>>
      tpu.enqueue_dma source(%arg6 : memref<160x128xf32, #tpu.memory_space<vmem>>) target(%dma_start3A_77 : memref<160x128xf32, #tpu.memory_space<hbm>>) target_semaphore(%run_scoped3A : memref<!tpu.dma_semaphore, #tpu.memory_space<semaphore_mem>>)
      %dma_wait3A = arith.constant 0 : i32
      %dma_wait3A_78 = tpu.memref_slice %arg3[%arg0, %add3A_64, %dma_wait3A] : memref<2x10240x128xf32, #tpu.memory_space<hbm>> -> memref<1x160x128xf32, #tpu.memory_space<hbm>>
      %dma_wait3A_79 = tpu.memref_squeeze %dma_wait3A_78 : memref<1x160x128xf32, #tpu.memory_space<hbm>> -> memref<160x128xf32, #tpu.memory_space<hbm>>
      %dma_wait3A_80 = arith.constant 0 : i32
      %dma_wait3A_81 = tpu.memref_slice %arg3[%arg0, %add3A_64, %dma_wait3A_80] : memref<2x10240x128xf32, #tpu.memory_space<hbm>> -> memref<1x160x128xf32, #tpu.memory_space<hbm>>
      %dma_wait3A_82 = tpu.memref_squeeze %dma_wait3A_81 : memref<1x160x128xf32, #tpu.memory_space<hbm>> -> memref<160x128xf32, #tpu.memory_space<hbm>>
      tpu.wait_dma2 semaphore(%run_scoped3A : memref<!tpu.dma_semaphore, #tpu.memory_space<semaphore_mem>>) src(%arg6 : memref<160x128xf32, #tpu.memory_space<vmem>>) dst(%dma_wait3A_82 : memref<160x128xf32, #tpu.memory_space<hbm>>)
      tpu.yield
    }) : () -> ()
    %mul3A_65 = arith.constant 640 : i32
    %mul3A_66 = arith.muli %arg1, %mul3A_65 : i32
    %add3A_67 = arith.constant 480 : i32
    %add3A_68 = arith.addi %mul3A_66, %add3A_67 : i32
    "tpu.region"() ({
      %run_scoped3A = tpu.sem_alloc : memref<!tpu.dma_semaphore, #tpu.memory_space<semaphore_mem>>
      %dma_start3A = arith.constant 0 : i32
      %dma_start3A_73 = tpu.memref_slice %arg7[%add3A_68, %dma_start3A] : memref<10240x128xf32, #tpu.memory_space<vmem_shared>> -> memref<160x128xf32, #tpu.memory_space<vmem_shared>>
      %dma_start3A_74 = arith.constant 0 : i32
      %dma_start3A_75 = tpu.memref_slice %arg7[%add3A_68, %dma_start3A_74] : memref<10240x128xf32, #tpu.memory_space<vmem_shared>> -> memref<160x128xf32, #tpu.memory_space<vmem_shared>>
      tpu.enqueue_dma source(%dma_start3A_75 : memref<160x128xf32, #tpu.memory_space<vmem_shared>>) target(%arg6 : memref<160x128xf32, #tpu.memory_space<vmem>>) target_semaphore(%run_scoped3A : memref<!tpu.dma_semaphore, #tpu.memory_space<semaphore_mem>>)
      %dma_wait3A = arith.constant 0 : i32
      %dma_wait3A_76 = tpu.memref_slice %arg7[%add3A_68, %dma_wait3A] : memref<10240x128xf32, #tpu.memory_space<vmem_shared>> -> memref<160x128xf32, #tpu.memory_space<vmem_shared>>
      %dma_wait3A_77 = arith.constant 0 : i32
      %dma_wait3A_78 = tpu.memref_slice %arg7[%add3A_68, %dma_wait3A_77] : memref<10240x128xf32, #tpu.memory_space<vmem_shared>> -> memref<160x128xf32, #tpu.memory_space<vmem_shared>>
      tpu.wait_dma2 semaphore(%run_scoped3A : memref<!tpu.dma_semaphore, #tpu.memory_space<semaphore_mem>>) src(%dma_wait3A_78 : memref<160x128xf32, #tpu.memory_space<vmem_shared>>) dst(%arg6 : memref<160x128xf32, #tpu.memory_space<vmem>>)
      tpu.yield
    }) : () -> ()
    %mul3A_69 = arith.constant 640 : i32
    %mul3A_70 = arith.muli %arg1, %mul3A_69 : i32
    %add3A_71 = arith.constant 480 : i32
    %add3A_72 = arith.addi %mul3A_70, %add3A_71 : i32
    "tpu.region"() ({
      %run_scoped3A = tpu.sem_alloc : memref<!tpu.dma_semaphore, #tpu.memory_space<semaphore_mem>>
      %dma_start3A = arith.constant 0 : i32
      %dma_start3A_73 = tpu.memref_slice %arg3[%arg0, %add3A_72, %dma_start3A] : memref<2x10240x128xf32, #tpu.memory_space<hbm>> -> memref<1x160x128xf32, #tpu.memory_space<hbm>>
      %dma_start3A_74 = tpu.memref_squeeze %dma_start3A_73 : memref<1x160x128xf32, #tpu.memory_space<hbm>> -> memref<160x128xf32, #tpu.memory_space<hbm>>
      %dma_start3A_75 = arith.constant 0 : i32
      %dma_start3A_76 = tpu.memref_slice %arg3[%arg0, %add3A_72, %dma_start3A_75] : memref<2x10240x128xf32, #tpu.memory_space<hbm>> -> memref<1x160x128xf32, #tpu.memory_space<hbm>>
      %dma_start3A_77 = tpu.memref_squeeze %dma_start3A_76 : memref<1x160x128xf32, #tpu.memory_space<hbm>> -> memref<160x128xf32, #tpu.memory_space<hbm>>
      tpu.enqueue_dma source(%arg6 : memref<160x128xf32, #tpu.memory_space<vmem>>) target(%dma_start3A_77 : memref<160x128xf32, #tpu.memory_space<hbm>>) target_semaphore(%run_scoped3A : memref<!tpu.dma_semaphore, #tpu.memory_space<semaphore_mem>>)
      %dma_wait3A = arith.constant 0 : i32
      %dma_wait3A_78 = tpu.memref_slice %arg3[%arg0, %add3A_72, %dma_wait3A] : memref<2x10240x128xf32, #tpu.memory_space<hbm>> -> memref<1x160x128xf32, #tpu.memory_space<hbm>>
      %dma_wait3A_79 = tpu.memref_squeeze %dma_wait3A_78 : memref<1x160x128xf32, #tpu.memory_space<hbm>> -> memref<160x128xf32, #tpu.memory_space<hbm>>
      %dma_wait3A_80 = arith.constant 0 : i32
      %dma_wait3A_81 = tpu.memref_slice %arg3[%arg0, %add3A_72, %dma_wait3A_80] : memref<2x10240x128xf32, #tpu.memory_space<hbm>> -> memref<1x160x128xf32, #tpu.memory_space<hbm>>
      %dma_wait3A_82 = tpu.memref_squeeze %dma_wait3A_81 : memref<1x160x128xf32, #tpu.memory_space<hbm>> -> memref<160x128xf32, #tpu.memory_space<hbm>>
      tpu.wait_dma2 semaphore(%run_scoped3A : memref<!tpu.dma_semaphore, #tpu.memory_space<semaphore_mem>>) src(%arg6 : memref<160x128xf32, #tpu.memory_space<vmem>>) dst(%dma_wait3A_82 : memref<160x128xf32, #tpu.memory_space<hbm>>)
      tpu.yield
    }) : () -> ()
    return
  }
}

#map = affine_map<(d0, d1) -> (0, 0)>
#map1 = affine_map<(d0, d1) -> (0)>
#map2 = affine_map<(d0, d1) -> (0, 0, 0)>
module attributes {stable_mosaic.version = 14 : i64} {
  func.func @scatter(%arg0: i32, %arg1: i32, %arg2: memref<10240x128xf32, #tpu.memory_space<hbm>>, %arg3: memref<323584xi32, #tpu.memory_space<hbm>>, %arg4: memref<323584xi32, #tpu.memory_space<hbm>>, %arg5: memref<2x10240x128xf32, #tpu.memory_space<hbm>>, %arg6: memref<128xi32, #tpu.memory_space<vmem>>, %arg7: memref<128xi32, #tpu.memory_space<vmem>>, %arg8: memref<128x128xf32, #tpu.memory_space<vmem>>, %arg9: memref<160x128xf32, #tpu.memory_space<vmem>>, %arg10: memref<10240x128xf32, #tpu.memory_space<vmem_shared>>, %arg11: memref<!tpu.dma_semaphore, #tpu.memory_space<semaphore_mem>>) attributes {dimension_semantics = [#tpu.dimension_semantics<core_parallel>, #tpu.dimension_semantics<subcore_parallel>], iteration_bounds = array<i64: 2, 16>, scalar_prefetch = 0 : i64, scratch_operands = 6 : i64, tpu.core_type = #tpu.core_type<sc_vector_subcore>, window_params = [{transform_indices = #map}, {transform_indices = #map1}, {transform_indices = #map1}, {transform_indices = #map2}]} {
    %mul3A = arith.constant 16 : i32
    %mul3A_0 = arith.muli %arg0, %mul3A : i32
    %add3A = arith.addi %mul3A_0, %arg1 : i32
    %broadcast_in_dim3A = arith.constant 0.000000e+00 : f32
    %broadcast_in_dim3A_1 = vector.broadcast %broadcast_in_dim3A : f32 to vector<16xf32>
    %scan3A = arith.constant 0 : i32
    %scan3A_2 = arith.constant 0 : i32
    %scan3A_3 = arith.constant 160 : i32
    %scan3A_4 = arith.addi %scan3A_2, %scan3A_3 : i32
    %scan3A_5 = arith.constant 1 : i32
    %scan3A_6 = scf.for %scan3A_64 = %scan3A_2 to %scan3A_4 step %scan3A_5 iter_args(%scan3A_65 = %scan3A) -> (i32)  : i32 {
      %swap3A = arith.index_cast %scan3A_64 : i32 to index
      %swap3A_66 = arith.constant 0 : index
      %swap3A_67 = tpu.vector_load %arg9[%swap3A, %swap3A_66] {strides = array<i32>} : memref<160x128xf32, #tpu.memory_space<vmem>>, vector<1x16xf32>,
      %swap3A_68 = vector.shape_cast %swap3A_67 : vector<1x16xf32> to vector<16xf32>
      %swap3A_69 = vector.shape_cast %broadcast_in_dim3A_1 : vector<16xf32> to vector<1x16xf32>
      tpu.vector_store %arg9[%swap3A, %swap3A_66], %swap3A_69 {strides = array<i32>} : memref<160x128xf32, #tpu.memory_space<vmem>>, vector<1x16xf32>,
      %swap3A_70 = arith.index_cast %scan3A_64 : i32 to index
      %swap3A_71 = arith.constant 16 : index
      %swap3A_72 = tpu.vector_load %arg9[%swap3A_70, %swap3A_71] {strides = array<i32>} : memref<160x128xf32, #tpu.memory_space<vmem>>, vector<1x16xf32>,
      %swap3A_73 = vector.shape_cast %swap3A_72 : vector<1x16xf32> to vector<16xf32>
      %swap3A_74 = vector.shape_cast %broadcast_in_dim3A_1 : vector<16xf32> to vector<1x16xf32>
      tpu.vector_store %arg9[%swap3A_70, %swap3A_71], %swap3A_74 {strides = array<i32>} : memref<160x128xf32, #tpu.memory_space<vmem>>, vector<1x16xf32>,
      %swap3A_75 = arith.index_cast %scan3A_64 : i32 to index
      %swap3A_76 = arith.constant 32 : index
      %swap3A_77 = tpu.vector_load %arg9[%swap3A_75, %swap3A_76] {strides = array<i32>} : memref<160x128xf32, #tpu.memory_space<vmem>>, vector<1x16xf32>,
      %swap3A_78 = vector.shape_cast %swap3A_77 : vector<1x16xf32> to vector<16xf32>
      %swap3A_79 = vector.shape_cast %broadcast_in_dim3A_1 : vector<16xf32> to vector<1x16xf32>
      tpu.vector_store %arg9[%swap3A_75, %swap3A_76], %swap3A_79 {strides = array<i32>} : memref<160x128xf32, #tpu.memory_space<vmem>>, vector<1x16xf32>,
      %swap3A_80 = arith.index_cast %scan3A_64 : i32 to index
      %swap3A_81 = arith.constant 48 : index
      %swap3A_82 = tpu.vector_load %arg9[%swap3A_80, %swap3A_81] {strides = array<i32>} : memref<160x128xf32, #tpu.memory_space<vmem>>, vector<1x16xf32>,
      %swap3A_83 = vector.shape_cast %swap3A_82 : vector<1x16xf32> to vector<16xf32>
      %swap3A_84 = vector.shape_cast %broadcast_in_dim3A_1 : vector<16xf32> to vector<1x16xf32>
      tpu.vector_store %arg9[%swap3A_80, %swap3A_81], %swap3A_84 {strides = array<i32>} : memref<160x128xf32, #tpu.memory_space<vmem>>, vector<1x16xf32>,
      %swap3A_85 = arith.index_cast %scan3A_64 : i32 to index
      %swap3A_86 = arith.constant 64 : index
      %swap3A_87 = tpu.vector_load %arg9[%swap3A_85, %swap3A_86] {strides = array<i32>} : memref<160x128xf32, #tpu.memory_space<vmem>>, vector<1x16xf32>,
      %swap3A_88 = vector.shape_cast %swap3A_87 : vector<1x16xf32> to vector<16xf32>
      %swap3A_89 = vector.shape_cast %broadcast_in_dim3A_1 : vector<16xf32> to vector<1x16xf32>
      tpu.vector_store %arg9[%swap3A_85, %swap3A_86], %swap3A_89 {strides = array<i32>} : memref<160x128xf32, #tpu.memory_space<vmem>>, vector<1x16xf32>,
      %swap3A_90 = arith.index_cast %scan3A_64 : i32 to index
      %swap3A_91 = arith.constant 80 : index
      %swap3A_92 = tpu.vector_load %arg9[%swap3A_90, %swap3A_91] {strides = array<i32>} : memref<160x128xf32, #tpu.memory_space<vmem>>, vector<1x16xf32>,
      %swap3A_93 = vector.shape_cast %swap3A_92 : vector<1x16xf32> to vector<16xf32>
      %swap3A_94 = vector.shape_cast %broadcast_in_dim3A_1 : vector<16xf32> to vector<1x16xf32>
      tpu.vector_store %arg9[%swap3A_90, %swap3A_91], %swap3A_94 {strides = array<i32>} : memref<160x128xf32, #tpu.memory_space<vmem>>, vector<1x16xf32>,
      %swap3A_95 = arith.index_cast %scan3A_64 : i32 to index
      %swap3A_96 = arith.constant 96 : index
      %swap3A_97 = tpu.vector_load %arg9[%swap3A_95, %swap3A_96] {strides = array<i32>} : memref<160x128xf32, #tpu.memory_space<vmem>>, vector<1x16xf32>,
      %swap3A_98 = vector.shape_cast %swap3A_97 : vector<1x16xf32> to vector<16xf32>
      %swap3A_99 = vector.shape_cast %broadcast_in_dim3A_1 : vector<16xf32> to vector<1x16xf32>
      tpu.vector_store %arg9[%swap3A_95, %swap3A_96], %swap3A_99 {strides = array<i32>} : memref<160x128xf32, #tpu.memory_space<vmem>>, vector<1x16xf32>,
      %swap3A_100 = arith.index_cast %scan3A_64 : i32 to index
      %swap3A_101 = arith.constant 112 : index
      %swap3A_102 = tpu.vector_load %arg9[%swap3A_100, %swap3A_101] {strides = array<i32>} : memref<160x128xf32, #tpu.memory_space<vmem>>, vector<1x16xf32>,
      %swap3A_103 = vector.shape_cast %swap3A_102 : vector<1x16xf32> to vector<16xf32>
      %swap3A_104 = vector.shape_cast %broadcast_in_dim3A_1 : vector<16xf32> to vector<1x16xf32>
      tpu.vector_store %arg9[%swap3A_100, %swap3A_101], %swap3A_104 {strides = array<i32>} : memref<160x128xf32, #tpu.memory_space<vmem>>, vector<1x16xf32>,
      %scan3A_105 = arith.constant 0 : i32
      scf.yield %scan3A_105 : i32
    }
    %scan3A_7 = arith.constant 160 : i32
    %mul3A_8 = arith.constant 640 : i32
    %mul3A_9 = arith.muli %arg1, %mul3A_8 : i32
    %add3A_10 = arith.constant 0 : i32
    %add3A_11 = arith.addi %mul3A_9, %add3A_10 : i32
    "tpu.region"() ({
      %run_scoped3A = tpu.sem_alloc : memref<!tpu.dma_semaphore, #tpu.memory_space<semaphore_mem>>
      %dma_start3A = arith.constant 0 : i32
      %dma_start3A_64 = tpu.memref_slice %arg10[%add3A_11, %dma_start3A] : memref<10240x128xf32, #tpu.memory_space<vmem_shared>> -> memref<160x128xf32, #tpu.memory_space<vmem_shared>>
      %dma_start3A_65 = arith.constant 0 : i32
      %dma_start3A_66 = tpu.memref_slice %arg10[%add3A_11, %dma_start3A_65] : memref<10240x128xf32, #tpu.memory_space<vmem_shared>> -> memref<160x128xf32, #tpu.memory_space<vmem_shared>>
      tpu.enqueue_dma source(%arg9 : memref<160x128xf32, #tpu.memory_space<vmem>>) target(%dma_start3A_66 : memref<160x128xf32, #tpu.memory_space<vmem_shared>>) target_semaphore(%run_scoped3A : memref<!tpu.dma_semaphore, #tpu.memory_space<semaphore_mem>>)
      %dma_wait3A = arith.constant 0 : i32
      %dma_wait3A_67 = tpu.memref_slice %arg10[%add3A_11, %dma_wait3A] : memref<10240x128xf32, #tpu.memory_space<vmem_shared>> -> memref<160x128xf32, #tpu.memory_space<vmem_shared>>
      %dma_wait3A_68 = arith.constant 0 : i32
      %dma_wait3A_69 = tpu.memref_slice %arg10[%add3A_11, %dma_wait3A_68] : memref<10240x128xf32, #tpu.memory_space<vmem_shared>> -> memref<160x128xf32, #tpu.memory_space<vmem_shared>>
      tpu.wait_dma2 semaphore(%run_scoped3A : memref<!tpu.dma_semaphore, #tpu.memory_space<semaphore_mem>>) src(%arg9 : memref<160x128xf32, #tpu.memory_space<vmem>>) dst(%dma_wait3A_69 : memref<160x128xf32, #tpu.memory_space<vmem_shared>>)
      tpu.yield
    }) : () -> ()
    %mul3A_12 = arith.constant 640 : i32
    %mul3A_13 = arith.muli %arg1, %mul3A_12 : i32
    %add3A_14 = arith.constant 160 : i32
    %add3A_15 = arith.addi %mul3A_13, %add3A_14 : i32
    "tpu.region"() ({
      %run_scoped3A = tpu.sem_alloc : memref<!tpu.dma_semaphore, #tpu.memory_space<semaphore_mem>>
      %dma_start3A = arith.constant 0 : i32
      %dma_start3A_64 = tpu.memref_slice %arg10[%add3A_15, %dma_start3A] : memref<10240x128xf32, #tpu.memory_space<vmem_shared>> -> memref<160x128xf32, #tpu.memory_space<vmem_shared>>
      %dma_start3A_65 = arith.constant 0 : i32
      %dma_start3A_66 = tpu.memref_slice %arg10[%add3A_15, %dma_start3A_65] : memref<10240x128xf32, #tpu.memory_space<vmem_shared>> -> memref<160x128xf32, #tpu.memory_space<vmem_shared>>
      tpu.enqueue_dma source(%arg9 : memref<160x128xf32, #tpu.memory_space<vmem>>) target(%dma_start3A_66 : memref<160x128xf32, #tpu.memory_space<vmem_shared>>) target_semaphore(%run_scoped3A : memref<!tpu.dma_semaphore, #tpu.memory_space<semaphore_mem>>)
      %dma_wait3A = arith.constant 0 : i32
      %dma_wait3A_67 = tpu.memref_slice %arg10[%add3A_15, %dma_wait3A] : memref<10240x128xf32, #tpu.memory_space<vmem_shared>> -> memref<160x128xf32, #tpu.memory_space<vmem_shared>>
      %dma_wait3A_68 = arith.constant 0 : i32
      %dma_wait3A_69 = tpu.memref_slice %arg10[%add3A_15, %dma_wait3A_68] : memref<10240x128xf32, #tpu.memory_space<vmem_shared>> -> memref<160x128xf32, #tpu.memory_space<vmem_shared>>
      tpu.wait_dma2 semaphore(%run_scoped3A : memref<!tpu.dma_semaphore, #tpu.memory_space<semaphore_mem>>) src(%arg9 : memref<160x128xf32, #tpu.memory_space<vmem>>) dst(%dma_wait3A_69 : memref<160x128xf32, #tpu.memory_space<vmem_shared>>)
      tpu.yield
    }) : () -> ()
    %mul3A_16 = arith.constant 640 : i32
    %mul3A_17 = arith.muli %arg1, %mul3A_16 : i32
    %add3A_18 = arith.constant 320 : i32
    %add3A_19 = arith.addi %mul3A_17, %add3A_18 : i32
    "tpu.region"() ({
      %run_scoped3A = tpu.sem_alloc : memref<!tpu.dma_semaphore, #tpu.memory_space<semaphore_mem>>
      %dma_start3A = arith.constant 0 : i32
      %dma_start3A_64 = tpu.memref_slice %arg10[%add3A_19, %dma_start3A] : memref<10240x128xf32, #tpu.memory_space<vmem_shared>> -> memref<160x128xf32, #tpu.memory_space<vmem_shared>>
      %dma_start3A_65 = arith.constant 0 : i32
      %dma_start3A_66 = tpu.memref_slice %arg10[%add3A_19, %dma_start3A_65] : memref<10240x128xf32, #tpu.memory_space<vmem_shared>> -> memref<160x128xf32, #tpu.memory_space<vmem_shared>>
      tpu.enqueue_dma source(%arg9 : memref<160x128xf32, #tpu.memory_space<vmem>>) target(%dma_start3A_66 : memref<160x128xf32, #tpu.memory_space<vmem_shared>>) target_semaphore(%run_scoped3A : memref<!tpu.dma_semaphore, #tpu.memory_space<semaphore_mem>>)
      %dma_wait3A = arith.constant 0 : i32
      %dma_wait3A_67 = tpu.memref_slice %arg10[%add3A_19, %dma_wait3A] : memref<10240x128xf32, #tpu.memory_space<vmem_shared>> -> memref<160x128xf32, #tpu.memory_space<vmem_shared>>
      %dma_wait3A_68 = arith.constant 0 : i32
      %dma_wait3A_69 = tpu.memref_slice %arg10[%add3A_19, %dma_wait3A_68] : memref<10240x128xf32, #tpu.memory_space<vmem_shared>> -> memref<160x128xf32, #tpu.memory_space<vmem_shared>>
      tpu.wait_dma2 semaphore(%run_scoped3A : memref<!tpu.dma_semaphore, #tpu.memory_space<semaphore_mem>>) src(%arg9 : memref<160x128xf32, #tpu.memory_space<vmem>>) dst(%dma_wait3A_69 : memref<160x128xf32, #tpu.memory_space<vmem_shared>>)
      tpu.yield
    }) : () -> ()
    %mul3A_20 = arith.constant 640 : i32
    %mul3A_21 = arith.muli %arg1, %mul3A_20 : i32
    %add3A_22 = arith.constant 480 : i32
    %add3A_23 = arith.addi %mul3A_21, %add3A_22 : i32
    "tpu.region"() ({
      %run_scoped3A = tpu.sem_alloc : memref<!tpu.dma_semaphore, #tpu.memory_space<semaphore_mem>>
      %dma_start3A = arith.constant 0 : i32
      %dma_start3A_64 = tpu.memref_slice %arg10[%add3A_23, %dma_start3A] : memref<10240x128xf32, #tpu.memory_space<vmem_shared>> -> memref<160x128xf32, #tpu.memory_space<vmem_shared>>
      %dma_start3A_65 = arith.constant 0 : i32
      %dma_start3A_66 = tpu.memref_slice %arg10[%add3A_23, %dma_start3A_65] : memref<10240x128xf32, #tpu.memory_space<vmem_shared>> -> memref<160x128xf32, #tpu.memory_space<vmem_shared>>
      tpu.enqueue_dma source(%arg9 : memref<160x128xf32, #tpu.memory_space<vmem>>) target(%dma_start3A_66 : memref<160x128xf32, #tpu.memory_space<vmem_shared>>) target_semaphore(%run_scoped3A : memref<!tpu.dma_semaphore, #tpu.memory_space<semaphore_mem>>)
      %dma_wait3A = arith.constant 0 : i32
      %dma_wait3A_67 = tpu.memref_slice %arg10[%add3A_23, %dma_wait3A] : memref<10240x128xf32, #tpu.memory_space<vmem_shared>> -> memref<160x128xf32, #tpu.memory_space<vmem_shared>>
      %dma_wait3A_68 = arith.constant 0 : i32
      %dma_wait3A_69 = tpu.memref_slice %arg10[%add3A_23, %dma_wait3A_68] : memref<10240x128xf32, #tpu.memory_space<vmem_shared>> -> memref<160x128xf32, #tpu.memory_space<vmem_shared>>
      tpu.wait_dma2 semaphore(%run_scoped3A : memref<!tpu.dma_semaphore, #tpu.memory_space<semaphore_mem>>) src(%arg9 : memref<160x128xf32, #tpu.memory_space<vmem>>) dst(%dma_wait3A_69 : memref<160x128xf32, #tpu.memory_space<vmem_shared>>)
      tpu.yield
    }) : () -> ()
    %barrier3A = arith.constant 0 : index
    tpu.barrier barrier_id(%barrier3A)
    %scan3A_24 = arith.constant 0 : i32
    %scan3A_25 = arith.constant 0 : i32
    %scan3A_26 = arith.constant 79 : i32
    %scan3A_27 = arith.addi %scan3A_25, %scan3A_26 : i32
    %scan3A_28 = arith.constant 1 : i32
    %scan3A_29 = scf.for %scan3A_64 = %scan3A_25 to %scan3A_27 step %scan3A_28 iter_args(%scan3A_65 = %scan3A_24) -> (i32)  : i32 {
      %mul3A_66 = arith.constant 10112 : i32
      %mul3A_67 = arith.muli %add3A, %mul3A_66 : i32
      %mul3A_68 = arith.constant 128 : i32
      %mul3A_69 = arith.muli %scan3A_64, %mul3A_68 : i32
      %add3A_70 = arith.addi %mul3A_67, %mul3A_69 : i32
      "tpu.region"() ({
        %run_scoped3A = tpu.sem_alloc : memref<!tpu.dma_semaphore, #tpu.memory_space<semaphore_mem>>
        %dma_start3A_76 = tpu.memref_slice %arg3[%add3A_70] : memref<323584xi32, #tpu.memory_space<hbm>> -> memref<128xi32, #tpu.memory_space<hbm>>
        %dma_start3A_77 = tpu.memref_slice %arg3[%add3A_70] : memref<323584xi32, #tpu.memory_space<hbm>> -> memref<128xi32, #tpu.memory_space<hbm>>
        tpu.enqueue_dma source(%dma_start3A_77 : memref<128xi32, #tpu.memory_space<hbm>>) target(%arg6 : memref<128xi32, #tpu.memory_space<vmem>>) target_semaphore(%run_scoped3A : memref<!tpu.dma_semaphore, #tpu.memory_space<semaphore_mem>>)
        %dma_wait3A_78 = tpu.memref_slice %arg3[%add3A_70] : memref<323584xi32, #tpu.memory_space<hbm>> -> memref<128xi32, #tpu.memory_space<hbm>>
        %dma_wait3A_79 = tpu.memref_slice %arg3[%add3A_70] : memref<323584xi32, #tpu.memory_space<hbm>> -> memref<128xi32, #tpu.memory_space<hbm>>
        tpu.wait_dma2 semaphore(%run_scoped3A : memref<!tpu.dma_semaphore, #tpu.memory_space<semaphore_mem>>) src(%dma_wait3A_79 : memref<128xi32, #tpu.memory_space<hbm>>) dst(%arg6 : memref<128xi32, #tpu.memory_space<vmem>>)
        tpu.yield
      }) : () -> ()
      "tpu.region"() ({
        %run_scoped3A = tpu.sem_alloc : memref<!tpu.dma_semaphore, #tpu.memory_space<semaphore_mem>>
        %dma_start3A_76 = tpu.memref_slice %arg4[%add3A_70] : memref<323584xi32, #tpu.memory_space<hbm>> -> memref<128xi32, #tpu.memory_space<hbm>>
        %dma_start3A_77 = tpu.memref_slice %arg4[%add3A_70] : memref<323584xi32, #tpu.memory_space<hbm>> -> memref<128xi32, #tpu.memory_space<hbm>>
        tpu.enqueue_dma source(%dma_start3A_77 : memref<128xi32, #tpu.memory_space<hbm>>) target(%arg7 : memref<128xi32, #tpu.memory_space<vmem>>) target_semaphore(%run_scoped3A : memref<!tpu.dma_semaphore, #tpu.memory_space<semaphore_mem>>)
        %dma_wait3A_78 = tpu.memref_slice %arg4[%add3A_70] : memref<323584xi32, #tpu.memory_space<hbm>> -> memref<128xi32, #tpu.memory_space<hbm>>
        %dma_wait3A_79 = tpu.memref_slice %arg4[%add3A_70] : memref<323584xi32, #tpu.memory_space<hbm>> -> memref<128xi32, #tpu.memory_space<hbm>>
        tpu.wait_dma2 semaphore(%run_scoped3A : memref<!tpu.dma_semaphore, #tpu.memory_space<semaphore_mem>>) src(%dma_wait3A_79 : memref<128xi32, #tpu.memory_space<hbm>>) dst(%arg7 : memref<128xi32, #tpu.memory_space<vmem>>)
        tpu.yield
      }) : () -> ()
      %dma_start3A = arith.constant 0 : i32
      %dma_start3A_71 = arith.constant 0 : i32
      %dma_start3A_72 = tpu.memref_slice %arg2[%dma_start3A, %dma_start3A_71] : memref<10240x128xf32, #tpu.memory_space<hbm>> -> memref<10240x128xf32, #tpu.memory_space<hbm>>
      tpu.enqueue_indirect_dma source(%dma_start3A_72 : memref<10240x128xf32, #tpu.memory_space<hbm>>) target(%arg8 : memref<128x128xf32, #tpu.memory_space<vmem>>) offsets(%arg6 : memref<128xi32, #tpu.memory_space<vmem>>) semaphore(%arg11 : memref<!tpu.dma_semaphore, #tpu.memory_space<semaphore_mem>>)
      %dma_wait3A = arith.constant 0 : i32
      %dma_wait3A_73 = arith.constant 0 : i32
      %dma_wait3A_74 = tpu.memref_slice %arg2[%dma_wait3A, %dma_wait3A_73] : memref<10240x128xf32, #tpu.memory_space<hbm>> -> memref<10240x128xf32, #tpu.memory_space<hbm>>
      tpu.wait_indirect_dma semaphore(%arg11 : memref<!tpu.dma_semaphore, #tpu.memory_space<semaphore_mem>>) src(%dma_wait3A_74 : memref<10240x128xf32, #tpu.memory_space<hbm>>) dst(%arg8 : memref<128x128xf32, #tpu.memory_space<vmem>>)
      "tpu.region"() ({
        %run_scoped3A = tpu.sem_alloc : memref<!tpu.dma_semaphore, #tpu.memory_space<semaphore_mem>>
        %dma_start3A_76 = arith.constant 0 : i32
        %dma_start3A_77 = arith.constant 0 : i32
        %dma_start3A_78 = tpu.memref_slice %arg10[%dma_start3A_76, %dma_start3A_77] : memref<10240x128xf32, #tpu.memory_space<vmem_shared>> -> memref<10240x128xf32, #tpu.memory_space<vmem_shared>>
        tpu.enqueue_indirect_dma source(%arg8 : memref<128x128xf32, #tpu.memory_space<vmem>>) target(%dma_start3A_78 : memref<10240x128xf32, #tpu.memory_space<vmem_shared>>) offsets(%arg7 : memref<128xi32, #tpu.memory_space<vmem>>) semaphore(%run_scoped3A : memref<!tpu.dma_semaphore, #tpu.memory_space<semaphore_mem>>) {add = true}
        %dma_wait3A_79 = arith.constant 0 : i32
        %dma_wait3A_80 = arith.constant 0 : i32
        %dma_wait3A_81 = tpu.memref_slice %arg10[%dma_wait3A_79, %dma_wait3A_80] : memref<10240x128xf32, #tpu.memory_space<vmem_shared>> -> memref<10240x128xf32, #tpu.memory_space<vmem_shared>>
        tpu.wait_indirect_dma semaphore(%run_scoped3A : memref<!tpu.dma_semaphore, #tpu.memory_space<semaphore_mem>>) src(%arg8 : memref<128x128xf32, #tpu.memory_space<vmem>>) dst(%dma_wait3A_81 : memref<10240x128xf32, #tpu.memory_space<vmem_shared>>)
        tpu.yield
      }) : () -> ()
      %scan3A_75 = arith.constant 0 : i32
      scf.yield %scan3A_75 : i32
    }
    %scan3A_30 = arith.constant 79 : i32
    %barrier3A_31 = arith.constant 0 : index
    tpu.barrier barrier_id(%barrier3A_31)
    %mul3A_32 = arith.constant 640 : i32
    %mul3A_33 = arith.muli %arg1, %mul3A_32 : i32
    %add3A_34 = arith.constant 0 : i32
    %add3A_35 = arith.addi %mul3A_33, %add3A_34 : i32
    "tpu.region"() ({
      %run_scoped3A = tpu.sem_alloc : memref<!tpu.dma_semaphore, #tpu.memory_space<semaphore_mem>>
      %dma_start3A = arith.constant 0 : i32
      %dma_start3A_64 = tpu.memref_slice %arg10[%add3A_35, %dma_start3A] : memref<10240x128xf32, #tpu.memory_space<vmem_shared>> -> memref<160x128xf32, #tpu.memory_space<vmem_shared>>
      %dma_start3A_65 = arith.constant 0 : i32
      %dma_start3A_66 = tpu.memref_slice %arg10[%add3A_35, %dma_start3A_65] : memref<10240x128xf32, #tpu.memory_space<vmem_shared>> -> memref<160x128xf32, #tpu.memory_space<vmem_shared>>
      tpu.enqueue_dma source(%dma_start3A_66 : memref<160x128xf32, #tpu.memory_space<vmem_shared>>) target(%arg9 : memref<160x128xf32, #tpu.memory_space<vmem>>) target_semaphore(%run_scoped3A : memref<!tpu.dma_semaphore, #tpu.memory_space<semaphore_mem>>)
      %dma_wait3A = arith.constant 0 : i32
      %dma_wait3A_67 = tpu.memref_slice %arg10[%add3A_35, %dma_wait3A] : memref<10240x128xf32, #tpu.memory_space<vmem_shared>> -> memref<160x128xf32, #tpu.memory_space<vmem_shared>>
      %dma_wait3A_68 = arith.constant 0 : i32
      %dma_wait3A_69 = tpu.memref_slice %arg10[%add3A_35, %dma_wait3A_68] : memref<10240x128xf32, #tpu.memory_space<vmem_shared>> -> memref<160x128xf32, #tpu.memory_space<vmem_shared>>
      tpu.wait_dma2 semaphore(%run_scoped3A : memref<!tpu.dma_semaphore, #tpu.memory_space<semaphore_mem>>) src(%dma_wait3A_69 : memref<160x128xf32, #tpu.memory_space<vmem_shared>>) dst(%arg9 : memref<160x128xf32, #tpu.memory_space<vmem>>)
      tpu.yield
    }) : () -> ()
    %mul3A_36 = arith.constant 640 : i32
    %mul3A_37 = arith.muli %arg1, %mul3A_36 : i32
    %add3A_38 = arith.constant 0 : i32
    %add3A_39 = arith.addi %mul3A_37, %add3A_38 : i32
    "tpu.region"() ({
      %run_scoped3A = tpu.sem_alloc : memref<!tpu.dma_semaphore, #tpu.memory_space<semaphore_mem>>
      %dma_start3A = arith.constant 0 : i32
      %dma_start3A_64 = tpu.memref_slice %arg5[%arg0, %add3A_39, %dma_start3A] : memref<2x10240x128xf32, #tpu.memory_space<hbm>> -> memref<1x160x128xf32, #tpu.memory_space<hbm>>
      %dma_start3A_65 = tpu.memref_squeeze %dma_start3A_64 : memref<1x160x128xf32, #tpu.memory_space<hbm>> -> memref<160x128xf32, #tpu.memory_space<hbm>>
      %dma_start3A_66 = arith.constant 0 : i32
      %dma_start3A_67 = tpu.memref_slice %arg5[%arg0, %add3A_39, %dma_start3A_66] : memref<2x10240x128xf32, #tpu.memory_space<hbm>> -> memref<1x160x128xf32, #tpu.memory_space<hbm>>
      %dma_start3A_68 = tpu.memref_squeeze %dma_start3A_67 : memref<1x160x128xf32, #tpu.memory_space<hbm>> -> memref<160x128xf32, #tpu.memory_space<hbm>>
      tpu.enqueue_dma source(%arg9 : memref<160x128xf32, #tpu.memory_space<vmem>>) target(%dma_start3A_68 : memref<160x128xf32, #tpu.memory_space<hbm>>) target_semaphore(%run_scoped3A : memref<!tpu.dma_semaphore, #tpu.memory_space<semaphore_mem>>)
      %dma_wait3A = arith.constant 0 : i32
      %dma_wait3A_69 = tpu.memref_slice %arg5[%arg0, %add3A_39, %dma_wait3A] : memref<2x10240x128xf32, #tpu.memory_space<hbm>> -> memref<1x160x128xf32, #tpu.memory_space<hbm>>
      %dma_wait3A_70 = tpu.memref_squeeze %dma_wait3A_69 : memref<1x160x128xf32, #tpu.memory_space<hbm>> -> memref<160x128xf32, #tpu.memory_space<hbm>>
      %dma_wait3A_71 = arith.constant 0 : i32
      %dma_wait3A_72 = tpu.memref_slice %arg5[%arg0, %add3A_39, %dma_wait3A_71] : memref<2x10240x128xf32, #tpu.memory_space<hbm>> -> memref<1x160x128xf32, #tpu.memory_space<hbm>>
      %dma_wait3A_73 = tpu.memref_squeeze %dma_wait3A_72 : memref<1x160x128xf32, #tpu.memory_space<hbm>> -> memref<160x128xf32, #tpu.memory_space<hbm>>
      tpu.wait_dma2 semaphore(%run_scoped3A : memref<!tpu.dma_semaphore, #tpu.memory_space<semaphore_mem>>) src(%arg9 : memref<160x128xf32, #tpu.memory_space<vmem>>) dst(%dma_wait3A_73 : memref<160x128xf32, #tpu.memory_space<hbm>>)
      tpu.yield
    }) : () -> ()
    %mul3A_40 = arith.constant 640 : i32
    %mul3A_41 = arith.muli %arg1, %mul3A_40 : i32
    %add3A_42 = arith.constant 160 : i32
    %add3A_43 = arith.addi %mul3A_41, %add3A_42 : i32
    "tpu.region"() ({
      %run_scoped3A = tpu.sem_alloc : memref<!tpu.dma_semaphore, #tpu.memory_space<semaphore_mem>>
      %dma_start3A = arith.constant 0 : i32
      %dma_start3A_64 = tpu.memref_slice %arg10[%add3A_43, %dma_start3A] : memref<10240x128xf32, #tpu.memory_space<vmem_shared>> -> memref<160x128xf32, #tpu.memory_space<vmem_shared>>
      %dma_start3A_65 = arith.constant 0 : i32
      %dma_start3A_66 = tpu.memref_slice %arg10[%add3A_43, %dma_start3A_65] : memref<10240x128xf32, #tpu.memory_space<vmem_shared>> -> memref<160x128xf32, #tpu.memory_space<vmem_shared>>
      tpu.enqueue_dma source(%dma_start3A_66 : memref<160x128xf32, #tpu.memory_space<vmem_shared>>) target(%arg9 : memref<160x128xf32, #tpu.memory_space<vmem>>) target_semaphore(%run_scoped3A : memref<!tpu.dma_semaphore, #tpu.memory_space<semaphore_mem>>)
      %dma_wait3A = arith.constant 0 : i32
      %dma_wait3A_67 = tpu.memref_slice %arg10[%add3A_43, %dma_wait3A] : memref<10240x128xf32, #tpu.memory_space<vmem_shared>> -> memref<160x128xf32, #tpu.memory_space<vmem_shared>>
      %dma_wait3A_68 = arith.constant 0 : i32
      %dma_wait3A_69 = tpu.memref_slice %arg10[%add3A_43, %dma_wait3A_68] : memref<10240x128xf32, #tpu.memory_space<vmem_shared>> -> memref<160x128xf32, #tpu.memory_space<vmem_shared>>
      tpu.wait_dma2 semaphore(%run_scoped3A : memref<!tpu.dma_semaphore, #tpu.memory_space<semaphore_mem>>) src(%dma_wait3A_69 : memref<160x128xf32, #tpu.memory_space<vmem_shared>>) dst(%arg9 : memref<160x128xf32, #tpu.memory_space<vmem>>)
      tpu.yield
    }) : () -> ()
    %mul3A_44 = arith.constant 640 : i32
    %mul3A_45 = arith.muli %arg1, %mul3A_44 : i32
    %add3A_46 = arith.constant 160 : i32
    %add3A_47 = arith.addi %mul3A_45, %add3A_46 : i32
    "tpu.region"() ({
      %run_scoped3A = tpu.sem_alloc : memref<!tpu.dma_semaphore, #tpu.memory_space<semaphore_mem>>
      %dma_start3A = arith.constant 0 : i32
      %dma_start3A_64 = tpu.memref_slice %arg5[%arg0, %add3A_47, %dma_start3A] : memref<2x10240x128xf32, #tpu.memory_space<hbm>> -> memref<1x160x128xf32, #tpu.memory_space<hbm>>
      %dma_start3A_65 = tpu.memref_squeeze %dma_start3A_64 : memref<1x160x128xf32, #tpu.memory_space<hbm>> -> memref<160x128xf32, #tpu.memory_space<hbm>>
      %dma_start3A_66 = arith.constant 0 : i32
      %dma_start3A_67 = tpu.memref_slice %arg5[%arg0, %add3A_47, %dma_start3A_66] : memref<2x10240x128xf32, #tpu.memory_space<hbm>> -> memref<1x160x128xf32, #tpu.memory_space<hbm>>
      %dma_start3A_68 = tpu.memref_squeeze %dma_start3A_67 : memref<1x160x128xf32, #tpu.memory_space<hbm>> -> memref<160x128xf32, #tpu.memory_space<hbm>>
      tpu.enqueue_dma source(%arg9 : memref<160x128xf32, #tpu.memory_space<vmem>>) target(%dma_start3A_68 : memref<160x128xf32, #tpu.memory_space<hbm>>) target_semaphore(%run_scoped3A : memref<!tpu.dma_semaphore, #tpu.memory_space<semaphore_mem>>)
      %dma_wait3A = arith.constant 0 : i32
      %dma_wait3A_69 = tpu.memref_slice %arg5[%arg0, %add3A_47, %dma_wait3A] : memref<2x10240x128xf32, #tpu.memory_space<hbm>> -> memref<1x160x128xf32, #tpu.memory_space<hbm>>
      %dma_wait3A_70 = tpu.memref_squeeze %dma_wait3A_69 : memref<1x160x128xf32, #tpu.memory_space<hbm>> -> memref<160x128xf32, #tpu.memory_space<hbm>>
      %dma_wait3A_71 = arith.constant 0 : i32
      %dma_wait3A_72 = tpu.memref_slice %arg5[%arg0, %add3A_47, %dma_wait3A_71] : memref<2x10240x128xf32, #tpu.memory_space<hbm>> -> memref<1x160x128xf32, #tpu.memory_space<hbm>>
      %dma_wait3A_73 = tpu.memref_squeeze %dma_wait3A_72 : memref<1x160x128xf32, #tpu.memory_space<hbm>> -> memref<160x128xf32, #tpu.memory_space<hbm>>
      tpu.wait_dma2 semaphore(%run_scoped3A : memref<!tpu.dma_semaphore, #tpu.memory_space<semaphore_mem>>) src(%arg9 : memref<160x128xf32, #tpu.memory_space<vmem>>) dst(%dma_wait3A_73 : memref<160x128xf32, #tpu.memory_space<hbm>>)
      tpu.yield
    }) : () -> ()
    %mul3A_48 = arith.constant 640 : i32
    %mul3A_49 = arith.muli %arg1, %mul3A_48 : i32
    %add3A_50 = arith.constant 320 : i32
    %add3A_51 = arith.addi %mul3A_49, %add3A_50 : i32
    "tpu.region"() ({
      %run_scoped3A = tpu.sem_alloc : memref<!tpu.dma_semaphore, #tpu.memory_space<semaphore_mem>>
      %dma_start3A = arith.constant 0 : i32
      %dma_start3A_64 = tpu.memref_slice %arg10[%add3A_51, %dma_start3A] : memref<10240x128xf32, #tpu.memory_space<vmem_shared>> -> memref<160x128xf32, #tpu.memory_space<vmem_shared>>
      %dma_start3A_65 = arith.constant 0 : i32
      %dma_start3A_66 = tpu.memref_slice %arg10[%add3A_51, %dma_start3A_65] : memref<10240x128xf32, #tpu.memory_space<vmem_shared>> -> memref<160x128xf32, #tpu.memory_space<vmem_shared>>
      tpu.enqueue_dma source(%dma_start3A_66 : memref<160x128xf32, #tpu.memory_space<vmem_shared>>) target(%arg9 : memref<160x128xf32, #tpu.memory_space<vmem>>) target_semaphore(%run_scoped3A : memref<!tpu.dma_semaphore, #tpu.memory_space<semaphore_mem>>)
      %dma_wait3A = arith.constant 0 : i32
      %dma_wait3A_67 = tpu.memref_slice %arg10[%add3A_51, %dma_wait3A] : memref<10240x128xf32, #tpu.memory_space<vmem_shared>> -> memref<160x128xf32, #tpu.memory_space<vmem_shared>>
      %dma_wait3A_68 = arith.constant 0 : i32
      %dma_wait3A_69 = tpu.memref_slice %arg10[%add3A_51, %dma_wait3A_68] : memref<10240x128xf32, #tpu.memory_space<vmem_shared>> -> memref<160x128xf32, #tpu.memory_space<vmem_shared>>
      tpu.wait_dma2 semaphore(%run_scoped3A : memref<!tpu.dma_semaphore, #tpu.memory_space<semaphore_mem>>) src(%dma_wait3A_69 : memref<160x128xf32, #tpu.memory_space<vmem_shared>>) dst(%arg9 : memref<160x128xf32, #tpu.memory_space<vmem>>)
      tpu.yield
    }) : () -> ()
    %mul3A_52 = arith.constant 640 : i32
    %mul3A_53 = arith.muli %arg1, %mul3A_52 : i32
    %add3A_54 = arith.constant 320 : i32
    %add3A_55 = arith.addi %mul3A_53, %add3A_54 : i32
    "tpu.region"() ({
      %run_scoped3A = tpu.sem_alloc : memref<!tpu.dma_semaphore, #tpu.memory_space<semaphore_mem>>
      %dma_start3A = arith.constant 0 : i32
      %dma_start3A_64 = tpu.memref_slice %arg5[%arg0, %add3A_55, %dma_start3A] : memref<2x10240x128xf32, #tpu.memory_space<hbm>> -> memref<1x160x128xf32, #tpu.memory_space<hbm>>
      %dma_start3A_65 = tpu.memref_squeeze %dma_start3A_64 : memref<1x160x128xf32, #tpu.memory_space<hbm>> -> memref<160x128xf32, #tpu.memory_space<hbm>>
      %dma_start3A_66 = arith.constant 0 : i32
      %dma_start3A_67 = tpu.memref_slice %arg5[%arg0, %add3A_55, %dma_start3A_66] : memref<2x10240x128xf32, #tpu.memory_space<hbm>> -> memref<1x160x128xf32, #tpu.memory_space<hbm>>
      %dma_start3A_68 = tpu.memref_squeeze %dma_start3A_67 : memref<1x160x128xf32, #tpu.memory_space<hbm>> -> memref<160x128xf32, #tpu.memory_space<hbm>>
      tpu.enqueue_dma source(%arg9 : memref<160x128xf32, #tpu.memory_space<vmem>>) target(%dma_start3A_68 : memref<160x128xf32, #tpu.memory_space<hbm>>) target_semaphore(%run_scoped3A : memref<!tpu.dma_semaphore, #tpu.memory_space<semaphore_mem>>)
      %dma_wait3A = arith.constant 0 : i32
      %dma_wait3A_69 = tpu.memref_slice %arg5[%arg0, %add3A_55, %dma_wait3A] : memref<2x10240x128xf32, #tpu.memory_space<hbm>> -> memref<1x160x128xf32, #tpu.memory_space<hbm>>
      %dma_wait3A_70 = tpu.memref_squeeze %dma_wait3A_69 : memref<1x160x128xf32, #tpu.memory_space<hbm>> -> memref<160x128xf32, #tpu.memory_space<hbm>>
      %dma_wait3A_71 = arith.constant 0 : i32
      %dma_wait3A_72 = tpu.memref_slice %arg5[%arg0, %add3A_55, %dma_wait3A_71] : memref<2x10240x128xf32, #tpu.memory_space<hbm>> -> memref<1x160x128xf32, #tpu.memory_space<hbm>>
      %dma_wait3A_73 = tpu.memref_squeeze %dma_wait3A_72 : memref<1x160x128xf32, #tpu.memory_space<hbm>> -> memref<160x128xf32, #tpu.memory_space<hbm>>
      tpu.wait_dma2 semaphore(%run_scoped3A : memref<!tpu.dma_semaphore, #tpu.memory_space<semaphore_mem>>) src(%arg9 : memref<160x128xf32, #tpu.memory_space<vmem>>) dst(%dma_wait3A_73 : memref<160x128xf32, #tpu.memory_space<hbm>>)
      tpu.yield
    }) : () -> ()
    %mul3A_56 = arith.constant 640 : i32
    %mul3A_57 = arith.muli %arg1, %mul3A_56 : i32
    %add3A_58 = arith.constant 480 : i32
    %add3A_59 = arith.addi %mul3A_57, %add3A_58 : i32
    "tpu.region"() ({
      %run_scoped3A = tpu.sem_alloc : memref<!tpu.dma_semaphore, #tpu.memory_space<semaphore_mem>>
      %dma_start3A = arith.constant 0 : i32
      %dma_start3A_64 = tpu.memref_slice %arg10[%add3A_59, %dma_start3A] : memref<10240x128xf32, #tpu.memory_space<vmem_shared>> -> memref<160x128xf32, #tpu.memory_space<vmem_shared>>
      %dma_start3A_65 = arith.constant 0 : i32
      %dma_start3A_66 = tpu.memref_slice %arg10[%add3A_59, %dma_start3A_65] : memref<10240x128xf32, #tpu.memory_space<vmem_shared>> -> memref<160x128xf32, #tpu.memory_space<vmem_shared>>
      tpu.enqueue_dma source(%dma_start3A_66 : memref<160x128xf32, #tpu.memory_space<vmem_shared>>) target(%arg9 : memref<160x128xf32, #tpu.memory_space<vmem>>) target_semaphore(%run_scoped3A : memref<!tpu.dma_semaphore, #tpu.memory_space<semaphore_mem>>)
      %dma_wait3A = arith.constant 0 : i32
      %dma_wait3A_67 = tpu.memref_slice %arg10[%add3A_59, %dma_wait3A] : memref<10240x128xf32, #tpu.memory_space<vmem_shared>> -> memref<160x128xf32, #tpu.memory_space<vmem_shared>>
      %dma_wait3A_68 = arith.constant 0 : i32
      %dma_wait3A_69 = tpu.memref_slice %arg10[%add3A_59, %dma_wait3A_68] : memref<10240x128xf32, #tpu.memory_space<vmem_shared>> -> memref<160x128xf32, #tpu.memory_space<vmem_shared>>
      tpu.wait_dma2 semaphore(%run_scoped3A : memref<!tpu.dma_semaphore, #tpu.memory_space<semaphore_mem>>) src(%dma_wait3A_69 : memref<160x128xf32, #tpu.memory_space<vmem_shared>>) dst(%arg9 : memref<160x128xf32, #tpu.memory_space<vmem>>)
      tpu.yield
    }) : () -> ()
    %mul3A_60 = arith.constant 640 : i32
    %mul3A_61 = arith.muli %arg1, %mul3A_60 : i32
    %add3A_62 = arith.constant 480 : i32
    %add3A_63 = arith.addi %mul3A_61, %add3A_62 : i32
    "tpu.region"() ({
      %run_scoped3A = tpu.sem_alloc : memref<!tpu.dma_semaphore, #tpu.memory_space<semaphore_mem>>
      %dma_start3A = arith.constant 0 : i32
      %dma_start3A_64 = tpu.memref_slice %arg5[%arg0, %add3A_63, %dma_start3A] : memref<2x10240x128xf32, #tpu.memory_space<hbm>> -> memref<1x160x128xf32, #tpu.memory_space<hbm>>
      %dma_start3A_65 = tpu.memref_squeeze %dma_start3A_64 : memref<1x160x128xf32, #tpu.memory_space<hbm>> -> memref<160x128xf32, #tpu.memory_space<hbm>>
      %dma_start3A_66 = arith.constant 0 : i32
      %dma_start3A_67 = tpu.memref_slice %arg5[%arg0, %add3A_63, %dma_start3A_66] : memref<2x10240x128xf32, #tpu.memory_space<hbm>> -> memref<1x160x128xf32, #tpu.memory_space<hbm>>
      %dma_start3A_68 = tpu.memref_squeeze %dma_start3A_67 : memref<1x160x128xf32, #tpu.memory_space<hbm>> -> memref<160x128xf32, #tpu.memory_space<hbm>>
      tpu.enqueue_dma source(%arg9 : memref<160x128xf32, #tpu.memory_space<vmem>>) target(%dma_start3A_68 : memref<160x128xf32, #tpu.memory_space<hbm>>) target_semaphore(%run_scoped3A : memref<!tpu.dma_semaphore, #tpu.memory_space<semaphore_mem>>)
      %dma_wait3A = arith.constant 0 : i32
      %dma_wait3A_69 = tpu.memref_slice %arg5[%arg0, %add3A_63, %dma_wait3A] : memref<2x10240x128xf32, #tpu.memory_space<hbm>> -> memref<1x160x128xf32, #tpu.memory_space<hbm>>
      %dma_wait3A_70 = tpu.memref_squeeze %dma_wait3A_69 : memref<1x160x128xf32, #tpu.memory_space<hbm>> -> memref<160x128xf32, #tpu.memory_space<hbm>>
      %dma_wait3A_71 = arith.constant 0 : i32
      %dma_wait3A_72 = tpu.memref_slice %arg5[%arg0, %add3A_63, %dma_wait3A_71] : memref<2x10240x128xf32, #tpu.memory_space<hbm>> -> memref<1x160x128xf32, #tpu.memory_space<hbm>>
      %dma_wait3A_73 = tpu.memref_squeeze %dma_wait3A_72 : memref<1x160x128xf32, #tpu.memory_space<hbm>> -> memref<160x128xf32, #tpu.memory_space<hbm>>
      tpu.wait_dma2 semaphore(%run_scoped3A : memref<!tpu.dma_semaphore, #tpu.memory_space<semaphore_mem>>) src(%arg9 : memref<160x128xf32, #tpu.memory_space<vmem>>) dst(%dma_wait3A_73 : memref<160x128xf32, #tpu.memory_space<hbm>>)
      tpu.yield
    }) : () -> ()
    return
  }
}

#map = affine_map<(d0, d1) -> (0, 0)>
#map1 = affine_map<(d0, d1) -> (0)>
module attributes {stable_mosaic.version = 14 : i64} {
  func.func @edge_score(%arg0: i32, %arg1: i32, %arg2: memref<10240x128xf32, #tpu.memory_space<hbm>>, %arg3: memref<10240x128xf32, #tpu.memory_space<hbm>>, %arg4: memref<323584xi32, #tpu.memory_space<hbm>>, %arg5: memref<323584xi32, #tpu.memory_space<hbm>>, %arg6: memref<128xf32, #tpu.memory_space<hbm>>, %arg7: memref<323584x16xf32, #tpu.memory_space<hbm>>, %arg8: memref<128xi32, #tpu.memory_space<vmem>>, %arg9: memref<128xi32, #tpu.memory_space<vmem>>, %arg10: memref<128x128xf32, #tpu.memory_space<vmem>>, %arg11: memref<128x128xf32, #tpu.memory_space<vmem>>, %arg12: memref<128x16xf32, #tpu.memory_space<vmem>>, %arg13: memref<128xf32, #tpu.memory_space<vmem>>, %arg14: memref<!tpu.dma_semaphore, #tpu.memory_space<semaphore_mem>>, %arg15: memref<!tpu.dma_semaphore, #tpu.memory_space<semaphore_mem>>) attributes {dimension_semantics = [#tpu.dimension_semantics<core_parallel>, #tpu.dimension_semantics<subcore_parallel>], iteration_bounds = array<i64: 2, 16>, scalar_prefetch = 0 : i64, scratch_operands = 8 : i64, tpu.core_type = #tpu.core_type<sc_vector_subcore>, window_params = [{transform_indices = #map}, {transform_indices = #map}, {transform_indices = #map1}, {transform_indices = #map1}, {transform_indices = #map1}, {transform_indices = #map}]} {
    %mul3A = arith.constant 16 : i32
    %mul3A_0 = arith.muli %arg0, %mul3A : i32
    %add3A = arith.addi %mul3A_0, %arg1 : i32
    "tpu.region"() ({
      %run_scoped3A = tpu.sem_alloc : memref<!tpu.dma_semaphore, #tpu.memory_space<semaphore_mem>>
      tpu.enqueue_dma source(%arg6 : memref<128xf32, #tpu.memory_space<hbm>>) target(%arg13 : memref<128xf32, #tpu.memory_space<vmem>>) target_semaphore(%run_scoped3A : memref<!tpu.dma_semaphore, #tpu.memory_space<semaphore_mem>>)
      tpu.wait_dma2 semaphore(%run_scoped3A : memref<!tpu.dma_semaphore, #tpu.memory_space<semaphore_mem>>) src(%arg6 : memref<128xf32, #tpu.memory_space<hbm>>) dst(%arg13 : memref<128xf32, #tpu.memory_space<vmem>>)
      tpu.yield
    }) : () -> ()
    %broadcast_in_dim3A = arith.constant 0.000000e+00 : f32
    %broadcast_in_dim3A_1 = vector.broadcast %broadcast_in_dim3A : f32 to vector<16xf32>
    %scan3A = arith.constant 0 : i32
    %scan3A_2 = arith.constant 0 : i32
    %scan3A_3 = arith.constant 79 : i32
    %scan3A_4 = arith.addi %scan3A_2, %scan3A_3 : i32
    %scan3A_5 = arith.constant 1 : i32
    %scan3A_6 = scf.for %scan3A_8 = %scan3A_2 to %scan3A_4 step %scan3A_5 iter_args(%scan3A_9 = %scan3A) -> (i32)  : i32 {
      %mul3A_10 = arith.constant 10112 : i32
      %mul3A_11 = arith.muli %add3A, %mul3A_10 : i32
      %mul3A_12 = arith.constant 128 : i32
      %mul3A_13 = arith.muli %scan3A_8, %mul3A_12 : i32
      %add3A_14 = arith.addi %mul3A_11, %mul3A_13 : i32
      "tpu.region"() ({
        %run_scoped3A = tpu.sem_alloc : memref<!tpu.dma_semaphore, #tpu.memory_space<semaphore_mem>>
        %dma_start3A_33 = tpu.memref_slice %arg4[%add3A_14] : memref<323584xi32, #tpu.memory_space<hbm>> -> memref<128xi32, #tpu.memory_space<hbm>>
        %dma_start3A_34 = tpu.memref_slice %arg4[%add3A_14] : memref<323584xi32, #tpu.memory_space<hbm>> -> memref<128xi32, #tpu.memory_space<hbm>>
        tpu.enqueue_dma source(%dma_start3A_34 : memref<128xi32, #tpu.memory_space<hbm>>) target(%arg8 : memref<128xi32, #tpu.memory_space<vmem>>) target_semaphore(%run_scoped3A : memref<!tpu.dma_semaphore, #tpu.memory_space<semaphore_mem>>)
        %dma_wait3A_35 = tpu.memref_slice %arg4[%add3A_14] : memref<323584xi32, #tpu.memory_space<hbm>> -> memref<128xi32, #tpu.memory_space<hbm>>
        %dma_wait3A_36 = tpu.memref_slice %arg4[%add3A_14] : memref<323584xi32, #tpu.memory_space<hbm>> -> memref<128xi32, #tpu.memory_space<hbm>>
        tpu.wait_dma2 semaphore(%run_scoped3A : memref<!tpu.dma_semaphore, #tpu.memory_space<semaphore_mem>>) src(%dma_wait3A_36 : memref<128xi32, #tpu.memory_space<hbm>>) dst(%arg8 : memref<128xi32, #tpu.memory_space<vmem>>)
        tpu.yield
      }) : () -> ()
      "tpu.region"() ({
        %run_scoped3A = tpu.sem_alloc : memref<!tpu.dma_semaphore, #tpu.memory_space<semaphore_mem>>
        %dma_start3A_33 = tpu.memref_slice %arg5[%add3A_14] : memref<323584xi32, #tpu.memory_space<hbm>> -> memref<128xi32, #tpu.memory_space<hbm>>
        %dma_start3A_34 = tpu.memref_slice %arg5[%add3A_14] : memref<323584xi32, #tpu.memory_space<hbm>> -> memref<128xi32, #tpu.memory_space<hbm>>
        tpu.enqueue_dma source(%dma_start3A_34 : memref<128xi32, #tpu.memory_space<hbm>>) target(%arg9 : memref<128xi32, #tpu.memory_space<vmem>>) target_semaphore(%run_scoped3A : memref<!tpu.dma_semaphore, #tpu.memory_space<semaphore_mem>>)
        %dma_wait3A_35 = tpu.memref_slice %arg5[%add3A_14] : memref<323584xi32, #tpu.memory_space<hbm>> -> memref<128xi32, #tpu.memory_space<hbm>>
        %dma_wait3A_36 = tpu.memref_slice %arg5[%add3A_14] : memref<323584xi32, #tpu.memory_space<hbm>> -> memref<128xi32, #tpu.memory_space<hbm>>
        tpu.wait_dma2 semaphore(%run_scoped3A : memref<!tpu.dma_semaphore, #tpu.memory_space<semaphore_mem>>) src(%dma_wait3A_36 : memref<128xi32, #tpu.memory_space<hbm>>) dst(%arg9 : memref<128xi32, #tpu.memory_space<vmem>>)
        tpu.yield
      }) : () -> ()
      %dma_start3A = arith.constant 0 : i32
      %dma_start3A_15 = arith.constant 0 : i32
      %dma_start3A_16 = tpu.memref_slice %arg2[%dma_start3A, %dma_start3A_15] : memref<10240x128xf32, #tpu.memory_space<hbm>> -> memref<10240x128xf32, #tpu.memory_space<hbm>>
      tpu.enqueue_indirect_dma source(%dma_start3A_16 : memref<10240x128xf32, #tpu.memory_space<hbm>>) target(%arg10 : memref<128x128xf32, #tpu.memory_space<vmem>>) offsets(%arg8 : memref<128xi32, #tpu.memory_space<vmem>>) semaphore(%arg14 : memref<!tpu.dma_semaphore, #tpu.memory_space<semaphore_mem>>)
      %dma_start3A_17 = arith.constant 0 : i32
      %dma_start3A_18 = arith.constant 0 : i32
      %dma_start3A_19 = tpu.memref_slice %arg3[%dma_start3A_17, %dma_start3A_18] : memref<10240x128xf32, #tpu.memory_space<hbm>> -> memref<10240x128xf32, #tpu.memory_space<hbm>>
      tpu.enqueue_indirect_dma source(%dma_start3A_19 : memref<10240x128xf32, #tpu.memory_space<hbm>>) target(%arg11 : memref<128x128xf32, #tpu.memory_space<vmem>>) offsets(%arg9 : memref<128xi32, #tpu.memory_space<vmem>>) semaphore(%arg15 : memref<!tpu.dma_semaphore, #tpu.memory_space<semaphore_mem>>)
      %dma_wait3A = arith.constant 0 : i32
      %dma_wait3A_20 = arith.constant 0 : i32
      %dma_wait3A_21 = tpu.memref_slice %arg2[%dma_wait3A, %dma_wait3A_20] : memref<10240x128xf32, #tpu.memory_space<hbm>> -> memref<10240x128xf32, #tpu.memory_space<hbm>>
      tpu.wait_indirect_dma semaphore(%arg14 : memref<!tpu.dma_semaphore, #tpu.memory_space<semaphore_mem>>) src(%dma_wait3A_21 : memref<10240x128xf32, #tpu.memory_space<hbm>>) dst(%arg10 : memref<128x128xf32, #tpu.memory_space<vmem>>)
      %dma_wait3A_22 = arith.constant 0 : i32
      %dma_wait3A_23 = arith.constant 0 : i32
      %dma_wait3A_24 = tpu.memref_slice %arg3[%dma_wait3A_22, %dma_wait3A_23] : memref<10240x128xf32, #tpu.memory_space<hbm>> -> memref<10240x128xf32, #tpu.memory_space<hbm>>
      tpu.wait_indirect_dma semaphore(%arg15 : memref<!tpu.dma_semaphore, #tpu.memory_space<semaphore_mem>>) src(%dma_wait3A_24 : memref<10240x128xf32, #tpu.memory_space<hbm>>) dst(%arg11 : memref<128x128xf32, #tpu.memory_space<vmem>>)
      %scan3A_25 = arith.constant 0 : i32
      %scan3A_26 = arith.constant 0 : i32
      %scan3A_27 = arith.constant 128 : i32
      %scan3A_28 = arith.addi %scan3A_26, %scan3A_27 : i32
      %scan3A_29 = arith.constant 1 : i32
      %scan3A_30 = scf.for %scan3A_33 = %scan3A_26 to %scan3A_28 step %scan3A_29 iter_args(%scan3A_34 = %scan3A_25) -> (i32)  : i32 {
        %get3A = arith.index_cast %scan3A_33 : i32 to index
        %get3A_35 = arith.constant 0 : index
        %get3A_36 = tpu.vector_load %arg10[%get3A, %get3A_35] {strides = array<i32>} : memref<128x128xf32, #tpu.memory_space<vmem>>, vector<1x16xf32>,
        %get3A_37 = vector.shape_cast %get3A_36 : vector<1x16xf32> to vector<16xf32>
        %get3A_38 = arith.index_cast %scan3A_33 : i32 to index
        %get3A_39 = arith.constant 0 : index
        %get3A_40 = tpu.vector_load %arg11[%get3A_38, %get3A_39] {strides = array<i32>} : memref<128x128xf32, #tpu.memory_space<vmem>>, vector<1x16xf32>,
        %get3A_41 = vector.shape_cast %get3A_40 : vector<1x16xf32> to vector<16xf32>
        %add3A_42 = arith.addf %get3A_37, %get3A_41 : vector<16xf32>
        %max3A = arith.constant 0.000000e+00 : f32
        %max3A_43 = vector.broadcast %max3A : f32 to vector<16xf32>
        %max3A_44 = arith.maximumf %add3A_42, %max3A_43 : vector<16xf32>
        %get3A_45 = arith.constant 0 : index
        %get3A_46 = tpu.vector_load %arg13[%get3A_45] {strides = array<i32>} : memref<128xf32, #tpu.memory_space<vmem>>, vector<16xf32>,
        %get3A_47 = vector.shape_cast %get3A_46 : vector<16xf32> to vector<16xf32>
        %mul3A_48 = arith.mulf %max3A_44, %get3A_47 : vector<16xf32>
        %add3A_49 = arith.addf %broadcast_in_dim3A_1, %mul3A_48 : vector<16xf32>
        %get3A_50 = arith.index_cast %scan3A_33 : i32 to index
        %get3A_51 = arith.constant 16 : index
        %get3A_52 = tpu.vector_load %arg10[%get3A_50, %get3A_51] {strides = array<i32>} : memref<128x128xf32, #tpu.memory_space<vmem>>, vector<1x16xf32>,
        %get3A_53 = vector.shape_cast %get3A_52 : vector<1x16xf32> to vector<16xf32>
        %get3A_54 = arith.index_cast %scan3A_33 : i32 to index
        %get3A_55 = arith.constant 16 : index
        %get3A_56 = tpu.vector_load %arg11[%get3A_54, %get3A_55] {strides = array<i32>} : memref<128x128xf32, #tpu.memory_space<vmem>>, vector<1x16xf32>,
        %get3A_57 = vector.shape_cast %get3A_56 : vector<1x16xf32> to vector<16xf32>
        %add3A_58 = arith.addf %get3A_53, %get3A_57 : vector<16xf32>
        %max3A_59 = arith.constant 0.000000e+00 : f32
        %max3A_60 = vector.broadcast %max3A_59 : f32 to vector<16xf32>
        %max3A_61 = arith.maximumf %add3A_58, %max3A_60 : vector<16xf32>
        %get3A_62 = arith.constant 16 : index
        %get3A_63 = tpu.vector_load %arg13[%get3A_62] {strides = array<i32>} : memref<128xf32, #tpu.memory_space<vmem>>, vector<16xf32>,
        %get3A_64 = vector.shape_cast %get3A_63 : vector<16xf32> to vector<16xf32>
        %mul3A_65 = arith.mulf %max3A_61, %get3A_64 : vector<16xf32>
        %add3A_66 = arith.addf %add3A_49, %mul3A_65 : vector<16xf32>
        %get3A_67 = arith.index_cast %scan3A_33 : i32 to index
        %get3A_68 = arith.constant 32 : index
        %get3A_69 = tpu.vector_load %arg10[%get3A_67, %get3A_68] {strides = array<i32>} : memref<128x128xf32, #tpu.memory_space<vmem>>, vector<1x16xf32>,
        %get3A_70 = vector.shape_cast %get3A_69 : vector<1x16xf32> to vector<16xf32>
        %get3A_71 = arith.index_cast %scan3A_33 : i32 to index
        %get3A_72 = arith.constant 32 : index
        %get3A_73 = tpu.vector_load %arg11[%get3A_71, %get3A_72] {strides = array<i32>} : memref<128x128xf32, #tpu.memory_space<vmem>>, vector<1x16xf32>,
        %get3A_74 = vector.shape_cast %get3A_73 : vector<1x16xf32> to vector<16xf32>
        %add3A_75 = arith.addf %get3A_70, %get3A_74 : vector<16xf32>
        %max3A_76 = arith.constant 0.000000e+00 : f32
        %max3A_77 = vector.broadcast %max3A_76 : f32 to vector<16xf32>
        %max3A_78 = arith.maximumf %add3A_75, %max3A_77 : vector<16xf32>
        %get3A_79 = arith.constant 32 : index
        %get3A_80 = tpu.vector_load %arg13[%get3A_79] {strides = array<i32>} : memref<128xf32, #tpu.memory_space<vmem>>, vector<16xf32>,
        %get3A_81 = vector.shape_cast %get3A_80 : vector<16xf32> to vector<16xf32>
        %mul3A_82 = arith.mulf %max3A_78, %get3A_81 : vector<16xf32>
        %add3A_83 = arith.addf %add3A_66, %mul3A_82 : vector<16xf32>
        %get3A_84 = arith.index_cast %scan3A_33 : i32 to index
        %get3A_85 = arith.constant 48 : index
        %get3A_86 = tpu.vector_load %arg10[%get3A_84, %get3A_85] {strides = array<i32>} : memref<128x128xf32, #tpu.memory_space<vmem>>, vector<1x16xf32>,
        %get3A_87 = vector.shape_cast %get3A_86 : vector<1x16xf32> to vector<16xf32>
        %get3A_88 = arith.index_cast %scan3A_33 : i32 to index
        %get3A_89 = arith.constant 48 : index
        %get3A_90 = tpu.vector_load %arg11[%get3A_88, %get3A_89] {strides = array<i32>} : memref<128x128xf32, #tpu.memory_space<vmem>>, vector<1x16xf32>,
        %get3A_91 = vector.shape_cast %get3A_90 : vector<1x16xf32> to vector<16xf32>
        %add3A_92 = arith.addf %get3A_87, %get3A_91 : vector<16xf32>
        %max3A_93 = arith.constant 0.000000e+00 : f32
        %max3A_94 = vector.broadcast %max3A_93 : f32 to vector<16xf32>
        %max3A_95 = arith.maximumf %add3A_92, %max3A_94 : vector<16xf32>
        %get3A_96 = arith.constant 48 : index
        %get3A_97 = tpu.vector_load %arg13[%get3A_96] {strides = array<i32>} : memref<128xf32, #tpu.memory_space<vmem>>, vector<16xf32>,
        %get3A_98 = vector.shape_cast %get3A_97 : vector<16xf32> to vector<16xf32>
        %mul3A_99 = arith.mulf %max3A_95, %get3A_98 : vector<16xf32>
        %add3A_100 = arith.addf %add3A_83, %mul3A_99 : vector<16xf32>
        %get3A_101 = arith.index_cast %scan3A_33 : i32 to index
        %get3A_102 = arith.constant 64 : index
        %get3A_103 = tpu.vector_load %arg10[%get3A_101, %get3A_102] {strides = array<i32>} : memref<128x128xf32, #tpu.memory_space<vmem>>, vector<1x16xf32>,
        %get3A_104 = vector.shape_cast %get3A_103 : vector<1x16xf32> to vector<16xf32>
        %get3A_105 = arith.index_cast %scan3A_33 : i32 to index
        %get3A_106 = arith.constant 64 : index
        %get3A_107 = tpu.vector_load %arg11[%get3A_105, %get3A_106] {strides = array<i32>} : memref<128x128xf32, #tpu.memory_space<vmem>>, vector<1x16xf32>,
        %get3A_108 = vector.shape_cast %get3A_107 : vector<1x16xf32> to vector<16xf32>
        %add3A_109 = arith.addf %get3A_104, %get3A_108 : vector<16xf32>
        %max3A_110 = arith.constant 0.000000e+00 : f32
        %max3A_111 = vector.broadcast %max3A_110 : f32 to vector<16xf32>
        %max3A_112 = arith.maximumf %add3A_109, %max3A_111 : vector<16xf32>
        %get3A_113 = arith.constant 64 : index
        %get3A_114 = tpu.vector_load %arg13[%get3A_113] {strides = array<i32>} : memref<128xf32, #tpu.memory_space<vmem>>, vector<16xf32>,
        %get3A_115 = vector.shape_cast %get3A_114 : vector<16xf32> to vector<16xf32>
        %mul3A_116 = arith.mulf %max3A_112, %get3A_115 : vector<16xf32>
        %add3A_117 = arith.addf %add3A_100, %mul3A_116 : vector<16xf32>
        %get3A_118 = arith.index_cast %scan3A_33 : i32 to index
        %get3A_119 = arith.constant 80 : index
        %get3A_120 = tpu.vector_load %arg10[%get3A_118, %get3A_119] {strides = array<i32>} : memref<128x128xf32, #tpu.memory_space<vmem>>, vector<1x16xf32>,
        %get3A_121 = vector.shape_cast %get3A_120 : vector<1x16xf32> to vector<16xf32>
        %get3A_122 = arith.index_cast %scan3A_33 : i32 to index
        %get3A_123 = arith.constant 80 : index
        %get3A_124 = tpu.vector_load %arg11[%get3A_122, %get3A_123] {strides = array<i32>} : memref<128x128xf32, #tpu.memory_space<vmem>>, vector<1x16xf32>,
        %get3A_125 = vector.shape_cast %get3A_124 : vector<1x16xf32> to vector<16xf32>
        %add3A_126 = arith.addf %get3A_121, %get3A_125 : vector<16xf32>
        %max3A_127 = arith.constant 0.000000e+00 : f32
        %max3A_128 = vector.broadcast %max3A_127 : f32 to vector<16xf32>
        %max3A_129 = arith.maximumf %add3A_126, %max3A_128 : vector<16xf32>
        %get3A_130 = arith.constant 80 : index
        %get3A_131 = tpu.vector_load %arg13[%get3A_130] {strides = array<i32>} : memref<128xf32, #tpu.memory_space<vmem>>, vector<16xf32>,
        %get3A_132 = vector.shape_cast %get3A_131 : vector<16xf32> to vector<16xf32>
        %mul3A_133 = arith.mulf %max3A_129, %get3A_132 : vector<16xf32>
        %add3A_134 = arith.addf %add3A_117, %mul3A_133 : vector<16xf32>
        %get3A_135 = arith.index_cast %scan3A_33 : i32 to index
        %get3A_136 = arith.constant 96 : index
        %get3A_137 = tpu.vector_load %arg10[%get3A_135, %get3A_136] {strides = array<i32>} : memref<128x128xf32, #tpu.memory_space<vmem>>, vector<1x16xf32>,
        %get3A_138 = vector.shape_cast %get3A_137 : vector<1x16xf32> to vector<16xf32>
        %get3A_139 = arith.index_cast %scan3A_33 : i32 to index
        %get3A_140 = arith.constant 96 : index
        %get3A_141 = tpu.vector_load %arg11[%get3A_139, %get3A_140] {strides = array<i32>} : memref<128x128xf32, #tpu.memory_space<vmem>>, vector<1x16xf32>,
        %get3A_142 = vector.shape_cast %get3A_141 : vector<1x16xf32> to vector<16xf32>
        %add3A_143 = arith.addf %get3A_138, %get3A_142 : vector<16xf32>
        %max3A_144 = arith.constant 0.000000e+00 : f32
        %max3A_145 = vector.broadcast %max3A_144 : f32 to vector<16xf32>
        %max3A_146 = arith.maximumf %add3A_143, %max3A_145 : vector<16xf32>
        %get3A_147 = arith.constant 96 : index
        %get3A_148 = tpu.vector_load %arg13[%get3A_147] {strides = array<i32>} : memref<128xf32, #tpu.memory_space<vmem>>, vector<16xf32>,
        %get3A_149 = vector.shape_cast %get3A_148 : vector<16xf32> to vector<16xf32>
        %mul3A_150 = arith.mulf %max3A_146, %get3A_149 : vector<16xf32>
        %add3A_151 = arith.addf %add3A_134, %mul3A_150 : vector<16xf32>
        %get3A_152 = arith.index_cast %scan3A_33 : i32 to index
        %get3A_153 = arith.constant 112 : index
        %get3A_154 = tpu.vector_load %arg10[%get3A_152, %get3A_153] {strides = array<i32>} : memref<128x128xf32, #tpu.memory_space<vmem>>, vector<1x16xf32>,
        %get3A_155 = vector.shape_cast %get3A_154 : vector<1x16xf32> to vector<16xf32>
        %get3A_156 = arith.index_cast %scan3A_33 : i32 to index
        %get3A_157 = arith.constant 112 : index
        %get3A_158 = tpu.vector_load %arg11[%get3A_156, %get3A_157] {strides = array<i32>} : memref<128x128xf32, #tpu.memory_space<vmem>>, vector<1x16xf32>,
        %get3A_159 = vector.shape_cast %get3A_158 : vector<1x16xf32> to vector<16xf32>
        %add3A_160 = arith.addf %get3A_155, %get3A_159 : vector<16xf32>
        %max3A_161 = arith.constant 0.000000e+00 : f32
        %max3A_162 = vector.broadcast %max3A_161 : f32 to vector<16xf32>
        %max3A_163 = arith.maximumf %add3A_160, %max3A_162 : vector<16xf32>
        %get3A_164 = arith.constant 112 : index
        %get3A_165 = tpu.vector_load %arg13[%get3A_164] {strides = array<i32>} : memref<128xf32, #tpu.memory_space<vmem>>, vector<16xf32>,
        %get3A_166 = vector.shape_cast %get3A_165 : vector<16xf32> to vector<16xf32>
        %mul3A_167 = arith.mulf %max3A_163, %get3A_166 : vector<16xf32>
        %add3A_168 = arith.addf %add3A_151, %mul3A_167 : vector<16xf32>
        %swap3A = arith.index_cast %scan3A_33 : i32 to index
        %swap3A_169 = arith.constant 0 : index
        %swap3A_170 = tpu.vector_load %arg12[%swap3A, %swap3A_169] {strides = array<i32>} : memref<128x16xf32, #tpu.memory_space<vmem>>, vector<1x16xf32>,
        %swap3A_171 = vector.shape_cast %swap3A_170 : vector<1x16xf32> to vector<16xf32>
        %swap3A_172 = vector.shape_cast %add3A_168 : vector<16xf32> to vector<1x16xf32>
        tpu.vector_store %arg12[%swap3A, %swap3A_169], %swap3A_172 {strides = array<i32>} : memref<128x16xf32, #tpu.memory_space<vmem>>, vector<1x16xf32>,
        %scan3A_173 = arith.constant 0 : i32
        scf.yield %scan3A_173 : i32
      }
      %scan3A_31 = arith.constant 128 : i32
      "tpu.region"() ({
        %run_scoped3A = tpu.sem_alloc : memref<!tpu.dma_semaphore, #tpu.memory_space<semaphore_mem>>
        %dma_start3A_33 = arith.constant 0 : i32
        %dma_start3A_34 = tpu.memref_slice %arg7[%add3A_14, %dma_start3A_33] : memref<323584x16xf32, #tpu.memory_space<hbm>> -> memref<128x16xf32, #tpu.memory_space<hbm>>
        %dma_start3A_35 = arith.constant 0 : i32
        %dma_start3A_36 = tpu.memref_slice %arg7[%add3A_14, %dma_start3A_35] : memref<323584x16xf32, #tpu.memory_space<hbm>> -> memref<128x16xf32, #tpu.memory_space<hbm>>
        tpu.enqueue_dma source(%arg12 : memref<128x16xf32, #tpu.memory_space<vmem>>) target(%dma_start3A_36 : memref<128x16xf32, #tpu.memory_space<hbm>>) target_semaphore(%run_scoped3A : memref<!tpu.dma_semaphore, #tpu.memory_space<semaphore_mem>>)
        %dma_wait3A_37 = arith.constant 0 : i32
        %dma_wait3A_38 = tpu.memref_slice %arg7[%add3A_14, %dma_wait3A_37] : memref<323584x16xf32, #tpu.memory_space<hbm>> -> memref<128x16xf32, #tpu.memory_space<hbm>>
        %dma_wait3A_39 = arith.constant 0 : i32
        %dma_wait3A_40 = tpu.memref_slice %arg7[%add3A_14, %dma_wait3A_39] : memref<323584x16xf32, #tpu.memory_space<hbm>> -> memref<128x16xf32, #tpu.memory_space<hbm>>
        tpu.wait_dma2 semaphore(%run_scoped3A : memref<!tpu.dma_semaphore, #tpu.memory_space<semaphore_mem>>) src(%arg12 : memref<128x16xf32, #tpu.memory_space<vmem>>) dst(%dma_wait3A_40 : memref<128x16xf32, #tpu.memory_space<hbm>>)
        tpu.yield
      }) : () -> ()
      %scan3A_32 = arith.constant 0 : i32
      scf.yield %scan3A_32 : i32
    }
    %scan3A_7 = arith.constant 79 : i32
    return
  }
}

#map = affine_map<(d0, d1) -> (0, 0)>
#map1 = affine_map<(d0, d1) -> (0)>
#map2 = affine_map<(d0, d1) -> (0, 0, 0)>
module attributes {stable_mosaic.version = 14 : i64} {
  func.func @scatter(%arg0: i32, %arg1: i32, %arg2: memref<10240x128xf32, #tpu.memory_space<hbm>>, %arg3: memref<323584xi32, #tpu.memory_space<hbm>>, %arg4: memref<323584xi32, #tpu.memory_space<hbm>>, %arg5: memref<2x10240x128xf32, #tpu.memory_space<hbm>>, %arg6: memref<128xi32, #tpu.memory_space<vmem>>, %arg7: memref<128xi32, #tpu.memory_space<vmem>>, %arg8: memref<128x128xf32, #tpu.memory_space<vmem>>, %arg9: memref<160x128xf32, #tpu.memory_space<vmem>>, %arg10: memref<10240x128xf32, #tpu.memory_space<vmem_shared>>, %arg11: memref<!tpu.dma_semaphore, #tpu.memory_space<semaphore_mem>>) attributes {dimension_semantics = [#tpu.dimension_semantics<core_parallel>, #tpu.dimension_semantics<subcore_parallel>], iteration_bounds = array<i64: 2, 16>, scalar_prefetch = 0 : i64, scratch_operands = 6 : i64, tpu.core_type = #tpu.core_type<sc_vector_subcore>, window_params = [{transform_indices = #map}, {transform_indices = #map1}, {transform_indices = #map1}, {transform_indices = #map2}]} {
    %mul3A = arith.constant 16 : i32
    %mul3A_0 = arith.muli %arg0, %mul3A : i32
    %add3A = arith.addi %mul3A_0, %arg1 : i32
    %broadcast_in_dim3A = arith.constant 0.000000e+00 : f32
    %broadcast_in_dim3A_1 = vector.broadcast %broadcast_in_dim3A : f32 to vector<16xf32>
    %scan3A = arith.constant 0 : i32
    %scan3A_2 = arith.constant 0 : i32
    %scan3A_3 = arith.constant 160 : i32
    %scan3A_4 = arith.addi %scan3A_2, %scan3A_3 : i32
    %scan3A_5 = arith.constant 1 : i32
    %scan3A_6 = scf.for %scan3A_64 = %scan3A_2 to %scan3A_4 step %scan3A_5 iter_args(%scan3A_65 = %scan3A) -> (i32)  : i32 {
      %swap3A = arith.index_cast %scan3A_64 : i32 to index
      %swap3A_66 = arith.constant 0 : index
      %swap3A_67 = tpu.vector_load %arg9[%swap3A, %swap3A_66] {strides = array<i32>} : memref<160x128xf32, #tpu.memory_space<vmem>>, vector<1x16xf32>,
      %swap3A_68 = vector.shape_cast %swap3A_67 : vector<1x16xf32> to vector<16xf32>
      %swap3A_69 = vector.shape_cast %broadcast_in_dim3A_1 : vector<16xf32> to vector<1x16xf32>
      tpu.vector_store %arg9[%swap3A, %swap3A_66], %swap3A_69 {strides = array<i32>} : memref<160x128xf32, #tpu.memory_space<vmem>>, vector<1x16xf32>,
      %swap3A_70 = arith.index_cast %scan3A_64 : i32 to index
      %swap3A_71 = arith.constant 16 : index
      %swap3A_72 = tpu.vector_load %arg9[%swap3A_70, %swap3A_71] {strides = array<i32>} : memref<160x128xf32, #tpu.memory_space<vmem>>, vector<1x16xf32>,
      %swap3A_73 = vector.shape_cast %swap3A_72 : vector<1x16xf32> to vector<16xf32>
      %swap3A_74 = vector.shape_cast %broadcast_in_dim3A_1 : vector<16xf32> to vector<1x16xf32>
      tpu.vector_store %arg9[%swap3A_70, %swap3A_71], %swap3A_74 {strides = array<i32>} : memref<160x128xf32, #tpu.memory_space<vmem>>, vector<1x16xf32>,
      %swap3A_75 = arith.index_cast %scan3A_64 : i32 to index
      %swap3A_76 = arith.constant 32 : index
      %swap3A_77 = tpu.vector_load %arg9[%swap3A_75, %swap3A_76] {strides = array<i32>} : memref<160x128xf32, #tpu.memory_space<vmem>>, vector<1x16xf32>,
      %swap3A_78 = vector.shape_cast %swap3A_77 : vector<1x16xf32> to vector<16xf32>
      %swap3A_79 = vector.shape_cast %broadcast_in_dim3A_1 : vector<16xf32> to vector<1x16xf32>
      tpu.vector_store %arg9[%swap3A_75, %swap3A_76], %swap3A_79 {strides = array<i32>} : memref<160x128xf32, #tpu.memory_space<vmem>>, vector<1x16xf32>,
      %swap3A_80 = arith.index_cast %scan3A_64 : i32 to index
      %swap3A_81 = arith.constant 48 : index
      %swap3A_82 = tpu.vector_load %arg9[%swap3A_80, %swap3A_81] {strides = array<i32>} : memref<160x128xf32, #tpu.memory_space<vmem>>, vector<1x16xf32>,
      %swap3A_83 = vector.shape_cast %swap3A_82 : vector<1x16xf32> to vector<16xf32>
      %swap3A_84 = vector.shape_cast %broadcast_in_dim3A_1 : vector<16xf32> to vector<1x16xf32>
      tpu.vector_store %arg9[%swap3A_80, %swap3A_81], %swap3A_84 {strides = array<i32>} : memref<160x128xf32, #tpu.memory_space<vmem>>, vector<1x16xf32>,
      %swap3A_85 = arith.index_cast %scan3A_64 : i32 to index
      %swap3A_86 = arith.constant 64 : index
      %swap3A_87 = tpu.vector_load %arg9[%swap3A_85, %swap3A_86] {strides = array<i32>} : memref<160x128xf32, #tpu.memory_space<vmem>>, vector<1x16xf32>,
      %swap3A_88 = vector.shape_cast %swap3A_87 : vector<1x16xf32> to vector<16xf32>
      %swap3A_89 = vector.shape_cast %broadcast_in_dim3A_1 : vector<16xf32> to vector<1x16xf32>
      tpu.vector_store %arg9[%swap3A_85, %swap3A_86], %swap3A_89 {strides = array<i32>} : memref<160x128xf32, #tpu.memory_space<vmem>>, vector<1x16xf32>,
      %swap3A_90 = arith.index_cast %scan3A_64 : i32 to index
      %swap3A_91 = arith.constant 80 : index
      %swap3A_92 = tpu.vector_load %arg9[%swap3A_90, %swap3A_91] {strides = array<i32>} : memref<160x128xf32, #tpu.memory_space<vmem>>, vector<1x16xf32>,
      %swap3A_93 = vector.shape_cast %swap3A_92 : vector<1x16xf32> to vector<16xf32>
      %swap3A_94 = vector.shape_cast %broadcast_in_dim3A_1 : vector<16xf32> to vector<1x16xf32>
      tpu.vector_store %arg9[%swap3A_90, %swap3A_91], %swap3A_94 {strides = array<i32>} : memref<160x128xf32, #tpu.memory_space<vmem>>, vector<1x16xf32>,
      %swap3A_95 = arith.index_cast %scan3A_64 : i32 to index
      %swap3A_96 = arith.constant 96 : index
      %swap3A_97 = tpu.vector_load %arg9[%swap3A_95, %swap3A_96] {strides = array<i32>} : memref<160x128xf32, #tpu.memory_space<vmem>>, vector<1x16xf32>,
      %swap3A_98 = vector.shape_cast %swap3A_97 : vector<1x16xf32> to vector<16xf32>
      %swap3A_99 = vector.shape_cast %broadcast_in_dim3A_1 : vector<16xf32> to vector<1x16xf32>
      tpu.vector_store %arg9[%swap3A_95, %swap3A_96], %swap3A_99 {strides = array<i32>} : memref<160x128xf32, #tpu.memory_space<vmem>>, vector<1x16xf32>,
      %swap3A_100 = arith.index_cast %scan3A_64 : i32 to index
      %swap3A_101 = arith.constant 112 : index
      %swap3A_102 = tpu.vector_load %arg9[%swap3A_100, %swap3A_101] {strides = array<i32>} : memref<160x128xf32, #tpu.memory_space<vmem>>, vector<1x16xf32>,
      %swap3A_103 = vector.shape_cast %swap3A_102 : vector<1x16xf32> to vector<16xf32>
      %swap3A_104 = vector.shape_cast %broadcast_in_dim3A_1 : vector<16xf32> to vector<1x16xf32>
      tpu.vector_store %arg9[%swap3A_100, %swap3A_101], %swap3A_104 {strides = array<i32>} : memref<160x128xf32, #tpu.memory_space<vmem>>, vector<1x16xf32>,
      %scan3A_105 = arith.constant 0 : i32
      scf.yield %scan3A_105 : i32
    }
    %scan3A_7 = arith.constant 160 : i32
    %mul3A_8 = arith.constant 640 : i32
    %mul3A_9 = arith.muli %arg1, %mul3A_8 : i32
    %add3A_10 = arith.constant 0 : i32
    %add3A_11 = arith.addi %mul3A_9, %add3A_10 : i32
    "tpu.region"() ({
      %run_scoped3A = tpu.sem_alloc : memref<!tpu.dma_semaphore, #tpu.memory_space<semaphore_mem>>
      %dma_start3A = arith.constant 0 : i32
      %dma_start3A_64 = tpu.memref_slice %arg10[%add3A_11, %dma_start3A] : memref<10240x128xf32, #tpu.memory_space<vmem_shared>> -> memref<160x128xf32, #tpu.memory_space<vmem_shared>>
      %dma_start3A_65 = arith.constant 0 : i32
      %dma_start3A_66 = tpu.memref_slice %arg10[%add3A_11, %dma_start3A_65] : memref<10240x128xf32, #tpu.memory_space<vmem_shared>> -> memref<160x128xf32, #tpu.memory_space<vmem_shared>>
      tpu.enqueue_dma source(%arg9 : memref<160x128xf32, #tpu.memory_space<vmem>>) target(%dma_start3A_66 : memref<160x128xf32, #tpu.memory_space<vmem_shared>>) target_semaphore(%run_scoped3A : memref<!tpu.dma_semaphore, #tpu.memory_space<semaphore_mem>>)
      %dma_wait3A = arith.constant 0 : i32
      %dma_wait3A_67 = tpu.memref_slice %arg10[%add3A_11, %dma_wait3A] : memref<10240x128xf32, #tpu.memory_space<vmem_shared>> -> memref<160x128xf32, #tpu.memory_space<vmem_shared>>
      %dma_wait3A_68 = arith.constant 0 : i32
      %dma_wait3A_69 = tpu.memref_slice %arg10[%add3A_11, %dma_wait3A_68] : memref<10240x128xf32, #tpu.memory_space<vmem_shared>> -> memref<160x128xf32, #tpu.memory_space<vmem_shared>>
      tpu.wait_dma2 semaphore(%run_scoped3A : memref<!tpu.dma_semaphore, #tpu.memory_space<semaphore_mem>>) src(%arg9 : memref<160x128xf32, #tpu.memory_space<vmem>>) dst(%dma_wait3A_69 : memref<160x128xf32, #tpu.memory_space<vmem_shared>>)
      tpu.yield
    }) : () -> ()
    %mul3A_12 = arith.constant 640 : i32
    %mul3A_13 = arith.muli %arg1, %mul3A_12 : i32
    %add3A_14 = arith.constant 160 : i32
    %add3A_15 = arith.addi %mul3A_13, %add3A_14 : i32
    "tpu.region"() ({
      %run_scoped3A = tpu.sem_alloc : memref<!tpu.dma_semaphore, #tpu.memory_space<semaphore_mem>>
      %dma_start3A = arith.constant 0 : i32
      %dma_start3A_64 = tpu.memref_slice %arg10[%add3A_15, %dma_start3A] : memref<10240x128xf32, #tpu.memory_space<vmem_shared>> -> memref<160x128xf32, #tpu.memory_space<vmem_shared>>
      %dma_start3A_65 = arith.constant 0 : i32
      %dma_start3A_66 = tpu.memref_slice %arg10[%add3A_15, %dma_start3A_65] : memref<10240x128xf32, #tpu.memory_space<vmem_shared>> -> memref<160x128xf32, #tpu.memory_space<vmem_shared>>
      tpu.enqueue_dma source(%arg9 : memref<160x128xf32, #tpu.memory_space<vmem>>) target(%dma_start3A_66 : memref<160x128xf32, #tpu.memory_space<vmem_shared>>) target_semaphore(%run_scoped3A : memref<!tpu.dma_semaphore, #tpu.memory_space<semaphore_mem>>)
      %dma_wait3A = arith.constant 0 : i32
      %dma_wait3A_67 = tpu.memref_slice %arg10[%add3A_15, %dma_wait3A] : memref<10240x128xf32, #tpu.memory_space<vmem_shared>> -> memref<160x128xf32, #tpu.memory_space<vmem_shared>>
      %dma_wait3A_68 = arith.constant 0 : i32
      %dma_wait3A_69 = tpu.memref_slice %arg10[%add3A_15, %dma_wait3A_68] : memref<10240x128xf32, #tpu.memory_space<vmem_shared>> -> memref<160x128xf32, #tpu.memory_space<vmem_shared>>
      tpu.wait_dma2 semaphore(%run_scoped3A : memref<!tpu.dma_semaphore, #tpu.memory_space<semaphore_mem>>) src(%arg9 : memref<160x128xf32, #tpu.memory_space<vmem>>) dst(%dma_wait3A_69 : memref<160x128xf32, #tpu.memory_space<vmem_shared>>)
      tpu.yield
    }) : () -> ()
    %mul3A_16 = arith.constant 640 : i32
    %mul3A_17 = arith.muli %arg1, %mul3A_16 : i32
    %add3A_18 = arith.constant 320 : i32
    %add3A_19 = arith.addi %mul3A_17, %add3A_18 : i32
    "tpu.region"() ({
      %run_scoped3A = tpu.sem_alloc : memref<!tpu.dma_semaphore, #tpu.memory_space<semaphore_mem>>
      %dma_start3A = arith.constant 0 : i32
      %dma_start3A_64 = tpu.memref_slice %arg10[%add3A_19, %dma_start3A] : memref<10240x128xf32, #tpu.memory_space<vmem_shared>> -> memref<160x128xf32, #tpu.memory_space<vmem_shared>>
      %dma_start3A_65 = arith.constant 0 : i32
      %dma_start3A_66 = tpu.memref_slice %arg10[%add3A_19, %dma_start3A_65] : memref<10240x128xf32, #tpu.memory_space<vmem_shared>> -> memref<160x128xf32, #tpu.memory_space<vmem_shared>>
      tpu.enqueue_dma source(%arg9 : memref<160x128xf32, #tpu.memory_space<vmem>>) target(%dma_start3A_66 : memref<160x128xf32, #tpu.memory_space<vmem_shared>>) target_semaphore(%run_scoped3A : memref<!tpu.dma_semaphore, #tpu.memory_space<semaphore_mem>>)
      %dma_wait3A = arith.constant 0 : i32
      %dma_wait3A_67 = tpu.memref_slice %arg10[%add3A_19, %dma_wait3A] : memref<10240x128xf32, #tpu.memory_space<vmem_shared>> -> memref<160x128xf32, #tpu.memory_space<vmem_shared>>
      %dma_wait3A_68 = arith.constant 0 : i32
      %dma_wait3A_69 = tpu.memref_slice %arg10[%add3A_19, %dma_wait3A_68] : memref<10240x128xf32, #tpu.memory_space<vmem_shared>> -> memref<160x128xf32, #tpu.memory_space<vmem_shared>>
      tpu.wait_dma2 semaphore(%run_scoped3A : memref<!tpu.dma_semaphore, #tpu.memory_space<semaphore_mem>>) src(%arg9 : memref<160x128xf32, #tpu.memory_space<vmem>>) dst(%dma_wait3A_69 : memref<160x128xf32, #tpu.memory_space<vmem_shared>>)
      tpu.yield
    }) : () -> ()
    %mul3A_20 = arith.constant 640 : i32
    %mul3A_21 = arith.muli %arg1, %mul3A_20 : i32
    %add3A_22 = arith.constant 480 : i32
    %add3A_23 = arith.addi %mul3A_21, %add3A_22 : i32
    "tpu.region"() ({
      %run_scoped3A = tpu.sem_alloc : memref<!tpu.dma_semaphore, #tpu.memory_space<semaphore_mem>>
      %dma_start3A = arith.constant 0 : i32
      %dma_start3A_64 = tpu.memref_slice %arg10[%add3A_23, %dma_start3A] : memref<10240x128xf32, #tpu.memory_space<vmem_shared>> -> memref<160x128xf32, #tpu.memory_space<vmem_shared>>
      %dma_start3A_65 = arith.constant 0 : i32
      %dma_start3A_66 = tpu.memref_slice %arg10[%add3A_23, %dma_start3A_65] : memref<10240x128xf32, #tpu.memory_space<vmem_shared>> -> memref<160x128xf32, #tpu.memory_space<vmem_shared>>
      tpu.enqueue_dma source(%arg9 : memref<160x128xf32, #tpu.memory_space<vmem>>) target(%dma_start3A_66 : memref<160x128xf32, #tpu.memory_space<vmem_shared>>) target_semaphore(%run_scoped3A : memref<!tpu.dma_semaphore, #tpu.memory_space<semaphore_mem>>)
      %dma_wait3A = arith.constant 0 : i32
      %dma_wait3A_67 = tpu.memref_slice %arg10[%add3A_23, %dma_wait3A] : memref<10240x128xf32, #tpu.memory_space<vmem_shared>> -> memref<160x128xf32, #tpu.memory_space<vmem_shared>>
      %dma_wait3A_68 = arith.constant 0 : i32
      %dma_wait3A_69 = tpu.memref_slice %arg10[%add3A_23, %dma_wait3A_68] : memref<10240x128xf32, #tpu.memory_space<vmem_shared>> -> memref<160x128xf32, #tpu.memory_space<vmem_shared>>
      tpu.wait_dma2 semaphore(%run_scoped3A : memref<!tpu.dma_semaphore, #tpu.memory_space<semaphore_mem>>) src(%arg9 : memref<160x128xf32, #tpu.memory_space<vmem>>) dst(%dma_wait3A_69 : memref<160x128xf32, #tpu.memory_space<vmem_shared>>)
      tpu.yield
    }) : () -> ()
    %barrier3A = arith.constant 0 : index
    tpu.barrier barrier_id(%barrier3A)
    %scan3A_24 = arith.constant 0 : i32
    %scan3A_25 = arith.constant 0 : i32
    %scan3A_26 = arith.constant 79 : i32
    %scan3A_27 = arith.addi %scan3A_25, %scan3A_26 : i32
    %scan3A_28 = arith.constant 1 : i32
    %scan3A_29 = scf.for %scan3A_64 = %scan3A_25 to %scan3A_27 step %scan3A_28 iter_args(%scan3A_65 = %scan3A_24) -> (i32)  : i32 {
      %mul3A_66 = arith.constant 10112 : i32
      %mul3A_67 = arith.muli %add3A, %mul3A_66 : i32
      %mul3A_68 = arith.constant 128 : i32
      %mul3A_69 = arith.muli %scan3A_64, %mul3A_68 : i32
      %add3A_70 = arith.addi %mul3A_67, %mul3A_69 : i32
      "tpu.region"() ({
        %run_scoped3A = tpu.sem_alloc : memref<!tpu.dma_semaphore, #tpu.memory_space<semaphore_mem>>
        %dma_start3A_76 = tpu.memref_slice %arg3[%add3A_70] : memref<323584xi32, #tpu.memory_space<hbm>> -> memref<128xi32, #tpu.memory_space<hbm>>
        %dma_start3A_77 = tpu.memref_slice %arg3[%add3A_70] : memref<323584xi32, #tpu.memory_space<hbm>> -> memref<128xi32, #tpu.memory_space<hbm>>
        tpu.enqueue_dma source(%dma_start3A_77 : memref<128xi32, #tpu.memory_space<hbm>>) target(%arg6 : memref<128xi32, #tpu.memory_space<vmem>>) target_semaphore(%run_scoped3A : memref<!tpu.dma_semaphore, #tpu.memory_space<semaphore_mem>>)
        %dma_wait3A_78 = tpu.memref_slice %arg3[%add3A_70] : memref<323584xi32, #tpu.memory_space<hbm>> -> memref<128xi32, #tpu.memory_space<hbm>>
        %dma_wait3A_79 = tpu.memref_slice %arg3[%add3A_70] : memref<323584xi32, #tpu.memory_space<hbm>> -> memref<128xi32, #tpu.memory_space<hbm>>
        tpu.wait_dma2 semaphore(%run_scoped3A : memref<!tpu.dma_semaphore, #tpu.memory_space<semaphore_mem>>) src(%dma_wait3A_79 : memref<128xi32, #tpu.memory_space<hbm>>) dst(%arg6 : memref<128xi32, #tpu.memory_space<vmem>>)
        tpu.yield
      }) : () -> ()
      "tpu.region"() ({
        %run_scoped3A = tpu.sem_alloc : memref<!tpu.dma_semaphore, #tpu.memory_space<semaphore_mem>>
        %dma_start3A_76 = tpu.memref_slice %arg4[%add3A_70] : memref<323584xi32, #tpu.memory_space<hbm>> -> memref<128xi32, #tpu.memory_space<hbm>>
        %dma_start3A_77 = tpu.memref_slice %arg4[%add3A_70] : memref<323584xi32, #tpu.memory_space<hbm>> -> memref<128xi32, #tpu.memory_space<hbm>>
        tpu.enqueue_dma source(%dma_start3A_77 : memref<128xi32, #tpu.memory_space<hbm>>) target(%arg7 : memref<128xi32, #tpu.memory_space<vmem>>) target_semaphore(%run_scoped3A : memref<!tpu.dma_semaphore, #tpu.memory_space<semaphore_mem>>)
        %dma_wait3A_78 = tpu.memref_slice %arg4[%add3A_70] : memref<323584xi32, #tpu.memory_space<hbm>> -> memref<128xi32, #tpu.memory_space<hbm>>
        %dma_wait3A_79 = tpu.memref_slice %arg4[%add3A_70] : memref<323584xi32, #tpu.memory_space<hbm>> -> memref<128xi32, #tpu.memory_space<hbm>>
        tpu.wait_dma2 semaphore(%run_scoped3A : memref<!tpu.dma_semaphore, #tpu.memory_space<semaphore_mem>>) src(%dma_wait3A_79 : memref<128xi32, #tpu.memory_space<hbm>>) dst(%arg7 : memref<128xi32, #tpu.memory_space<vmem>>)
        tpu.yield
      }) : () -> ()
      %dma_start3A = arith.constant 0 : i32
      %dma_start3A_71 = arith.constant 0 : i32
      %dma_start3A_72 = tpu.memref_slice %arg2[%dma_start3A, %dma_start3A_71] : memref<10240x128xf32, #tpu.memory_space<hbm>> -> memref<10240x128xf32, #tpu.memory_space<hbm>>
      tpu.enqueue_indirect_dma source(%dma_start3A_72 : memref<10240x128xf32, #tpu.memory_space<hbm>>) target(%arg8 : memref<128x128xf32, #tpu.memory_space<vmem>>) offsets(%arg6 : memref<128xi32, #tpu.memory_space<vmem>>) semaphore(%arg11 : memref<!tpu.dma_semaphore, #tpu.memory_space<semaphore_mem>>)
      %dma_wait3A = arith.constant 0 : i32
      %dma_wait3A_73 = arith.constant 0 : i32
      %dma_wait3A_74 = tpu.memref_slice %arg2[%dma_wait3A, %dma_wait3A_73] : memref<10240x128xf32, #tpu.memory_space<hbm>> -> memref<10240x128xf32, #tpu.memory_space<hbm>>
      tpu.wait_indirect_dma semaphore(%arg11 : memref<!tpu.dma_semaphore, #tpu.memory_space<semaphore_mem>>) src(%dma_wait3A_74 : memref<10240x128xf32, #tpu.memory_space<hbm>>) dst(%arg8 : memref<128x128xf32, #tpu.memory_space<vmem>>)
      "tpu.region"() ({
        %run_scoped3A = tpu.sem_alloc : memref<!tpu.dma_semaphore, #tpu.memory_space<semaphore_mem>>
        %dma_start3A_76 = arith.constant 0 : i32
        %dma_start3A_77 = arith.constant 0 : i32
        %dma_start3A_78 = tpu.memref_slice %arg10[%dma_start3A_76, %dma_start3A_77] : memref<10240x128xf32, #tpu.memory_space<vmem_shared>> -> memref<10240x128xf32, #tpu.memory_space<vmem_shared>>
        tpu.enqueue_indirect_dma source(%arg8 : memref<128x128xf32, #tpu.memory_space<vmem>>) target(%dma_start3A_78 : memref<10240x128xf32, #tpu.memory_space<vmem_shared>>) offsets(%arg7 : memref<128xi32, #tpu.memory_space<vmem>>) semaphore(%run_scoped3A : memref<!tpu.dma_semaphore, #tpu.memory_space<semaphore_mem>>) {add = true}
        %dma_wait3A_79 = arith.constant 0 : i32
        %dma_wait3A_80 = arith.constant 0 : i32
        %dma_wait3A_81 = tpu.memref_slice %arg10[%dma_wait3A_79, %dma_wait3A_80] : memref<10240x128xf32, #tpu.memory_space<vmem_shared>> -> memref<10240x128xf32, #tpu.memory_space<vmem_shared>>
        tpu.wait_indirect_dma semaphore(%run_scoped3A : memref<!tpu.dma_semaphore, #tpu.memory_space<semaphore_mem>>) src(%arg8 : memref<128x128xf32, #tpu.memory_space<vmem>>) dst(%dma_wait3A_81 : memref<10240x128xf32, #tpu.memory_space<vmem_shared>>)
        tpu.yield
      }) : () -> ()
      %scan3A_75 = arith.constant 0 : i32
      scf.yield %scan3A_75 : i32
    }
    %scan3A_30 = arith.constant 79 : i32
    %barrier3A_31 = arith.constant 0 : index
    tpu.barrier barrier_id(%barrier3A_31)
    %mul3A_32 = arith.constant 640 : i32
    %mul3A_33 = arith.muli %arg1, %mul3A_32 : i32
    %add3A_34 = arith.constant 0 : i32
    %add3A_35 = arith.addi %mul3A_33, %add3A_34 : i32
    "tpu.region"() ({
      %run_scoped3A = tpu.sem_alloc : memref<!tpu.dma_semaphore, #tpu.memory_space<semaphore_mem>>
      %dma_start3A = arith.constant 0 : i32
      %dma_start3A_64 = tpu.memref_slice %arg10[%add3A_35, %dma_start3A] : memref<10240x128xf32, #tpu.memory_space<vmem_shared>> -> memref<160x128xf32, #tpu.memory_space<vmem_shared>>
      %dma_start3A_65 = arith.constant 0 : i32
      %dma_start3A_66 = tpu.memref_slice %arg10[%add3A_35, %dma_start3A_65] : memref<10240x128xf32, #tpu.memory_space<vmem_shared>> -> memref<160x128xf32, #tpu.memory_space<vmem_shared>>
      tpu.enqueue_dma source(%dma_start3A_66 : memref<160x128xf32, #tpu.memory_space<vmem_shared>>) target(%arg9 : memref<160x128xf32, #tpu.memory_space<vmem>>) target_semaphore(%run_scoped3A : memref<!tpu.dma_semaphore, #tpu.memory_space<semaphore_mem>>)
      %dma_wait3A = arith.constant 0 : i32
      %dma_wait3A_67 = tpu.memref_slice %arg10[%add3A_35, %dma_wait3A] : memref<10240x128xf32, #tpu.memory_space<vmem_shared>> -> memref<160x128xf32, #tpu.memory_space<vmem_shared>>
      %dma_wait3A_68 = arith.constant 0 : i32
      %dma_wait3A_69 = tpu.memref_slice %arg10[%add3A_35, %dma_wait3A_68] : memref<10240x128xf32, #tpu.memory_space<vmem_shared>> -> memref<160x128xf32, #tpu.memory_space<vmem_shared>>
      tpu.wait_dma2 semaphore(%run_scoped3A : memref<!tpu.dma_semaphore, #tpu.memory_space<semaphore_mem>>) src(%dma_wait3A_69 : memref<160x128xf32, #tpu.memory_space<vmem_shared>>) dst(%arg9 : memref<160x128xf32, #tpu.memory_space<vmem>>)
      tpu.yield
    }) : () -> ()
    %mul3A_36 = arith.constant 640 : i32
    %mul3A_37 = arith.muli %arg1, %mul3A_36 : i32
    %add3A_38 = arith.constant 0 : i32
    %add3A_39 = arith.addi %mul3A_37, %add3A_38 : i32
    "tpu.region"() ({
      %run_scoped3A = tpu.sem_alloc : memref<!tpu.dma_semaphore, #tpu.memory_space<semaphore_mem>>
      %dma_start3A = arith.constant 0 : i32
      %dma_start3A_64 = tpu.memref_slice %arg5[%arg0, %add3A_39, %dma_start3A] : memref<2x10240x128xf32, #tpu.memory_space<hbm>> -> memref<1x160x128xf32, #tpu.memory_space<hbm>>
      %dma_start3A_65 = tpu.memref_squeeze %dma_start3A_64 : memref<1x160x128xf32, #tpu.memory_space<hbm>> -> memref<160x128xf32, #tpu.memory_space<hbm>>
      %dma_start3A_66 = arith.constant 0 : i32
      %dma_start3A_67 = tpu.memref_slice %arg5[%arg0, %add3A_39, %dma_start3A_66] : memref<2x10240x128xf32, #tpu.memory_space<hbm>> -> memref<1x160x128xf32, #tpu.memory_space<hbm>>
      %dma_start3A_68 = tpu.memref_squeeze %dma_start3A_67 : memref<1x160x128xf32, #tpu.memory_space<hbm>> -> memref<160x128xf32, #tpu.memory_space<hbm>>
      tpu.enqueue_dma source(%arg9 : memref<160x128xf32, #tpu.memory_space<vmem>>) target(%dma_start3A_68 : memref<160x128xf32, #tpu.memory_space<hbm>>) target_semaphore(%run_scoped3A : memref<!tpu.dma_semaphore, #tpu.memory_space<semaphore_mem>>)
      %dma_wait3A = arith.constant 0 : i32
      %dma_wait3A_69 = tpu.memref_slice %arg5[%arg0, %add3A_39, %dma_wait3A] : memref<2x10240x128xf32, #tpu.memory_space<hbm>> -> memref<1x160x128xf32, #tpu.memory_space<hbm>>
      %dma_wait3A_70 = tpu.memref_squeeze %dma_wait3A_69 : memref<1x160x128xf32, #tpu.memory_space<hbm>> -> memref<160x128xf32, #tpu.memory_space<hbm>>
      %dma_wait3A_71 = arith.constant 0 : i32
      %dma_wait3A_72 = tpu.memref_slice %arg5[%arg0, %add3A_39, %dma_wait3A_71] : memref<2x10240x128xf32, #tpu.memory_space<hbm>> -> memref<1x160x128xf32, #tpu.memory_space<hbm>>
      %dma_wait3A_73 = tpu.memref_squeeze %dma_wait3A_72 : memref<1x160x128xf32, #tpu.memory_space<hbm>> -> memref<160x128xf32, #tpu.memory_space<hbm>>
      tpu.wait_dma2 semaphore(%run_scoped3A : memref<!tpu.dma_semaphore, #tpu.memory_space<semaphore_mem>>) src(%arg9 : memref<160x128xf32, #tpu.memory_space<vmem>>) dst(%dma_wait3A_73 : memref<160x128xf32, #tpu.memory_space<hbm>>)
      tpu.yield
    }) : () -> ()
    %mul3A_40 = arith.constant 640 : i32
    %mul3A_41 = arith.muli %arg1, %mul3A_40 : i32
    %add3A_42 = arith.constant 160 : i32
    %add3A_43 = arith.addi %mul3A_41, %add3A_42 : i32
    "tpu.region"() ({
      %run_scoped3A = tpu.sem_alloc : memref<!tpu.dma_semaphore, #tpu.memory_space<semaphore_mem>>
      %dma_start3A = arith.constant 0 : i32
      %dma_start3A_64 = tpu.memref_slice %arg10[%add3A_43, %dma_start3A] : memref<10240x128xf32, #tpu.memory_space<vmem_shared>> -> memref<160x128xf32, #tpu.memory_space<vmem_shared>>
      %dma_start3A_65 = arith.constant 0 : i32
      %dma_start3A_66 = tpu.memref_slice %arg10[%add3A_43, %dma_start3A_65] : memref<10240x128xf32, #tpu.memory_space<vmem_shared>> -> memref<160x128xf32, #tpu.memory_space<vmem_shared>>
      tpu.enqueue_dma source(%dma_start3A_66 : memref<160x128xf32, #tpu.memory_space<vmem_shared>>) target(%arg9 : memref<160x128xf32, #tpu.memory_space<vmem>>) target_semaphore(%run_scoped3A : memref<!tpu.dma_semaphore, #tpu.memory_space<semaphore_mem>>)
      %dma_wait3A = arith.constant 0 : i32
      %dma_wait3A_67 = tpu.memref_slice %arg10[%add3A_43, %dma_wait3A] : memref<10240x128xf32, #tpu.memory_space<vmem_shared>> -> memref<160x128xf32, #tpu.memory_space<vmem_shared>>
      %dma_wait3A_68 = arith.constant 0 : i32
      %dma_wait3A_69 = tpu.memref_slice %arg10[%add3A_43, %dma_wait3A_68] : memref<10240x128xf32, #tpu.memory_space<vmem_shared>> -> memref<160x128xf32, #tpu.memory_space<vmem_shared>>
      tpu.wait_dma2 semaphore(%run_scoped3A : memref<!tpu.dma_semaphore, #tpu.memory_space<semaphore_mem>>) src(%dma_wait3A_69 : memref<160x128xf32, #tpu.memory_space<vmem_shared>>) dst(%arg9 : memref<160x128xf32, #tpu.memory_space<vmem>>)
      tpu.yield
    }) : () -> ()
    %mul3A_44 = arith.constant 640 : i32
    %mul3A_45 = arith.muli %arg1, %mul3A_44 : i32
    %add3A_46 = arith.constant 160 : i32
    %add3A_47 = arith.addi %mul3A_45, %add3A_46 : i32
    "tpu.region"() ({
      %run_scoped3A = tpu.sem_alloc : memref<!tpu.dma_semaphore, #tpu.memory_space<semaphore_mem>>
      %dma_start3A = arith.constant 0 : i32
      %dma_start3A_64 = tpu.memref_slice %arg5[%arg0, %add3A_47, %dma_start3A] : memref<2x10240x128xf32, #tpu.memory_space<hbm>> -> memref<1x160x128xf32, #tpu.memory_space<hbm>>
      %dma_start3A_65 = tpu.memref_squeeze %dma_start3A_64 : memref<1x160x128xf32, #tpu.memory_space<hbm>> -> memref<160x128xf32, #tpu.memory_space<hbm>>
      %dma_start3A_66 = arith.constant 0 : i32
      %dma_start3A_67 = tpu.memref_slice %arg5[%arg0, %add3A_47, %dma_start3A_66] : memref<2x10240x128xf32, #tpu.memory_space<hbm>> -> memref<1x160x128xf32, #tpu.memory_space<hbm>>
      %dma_start3A_68 = tpu.memref_squeeze %dma_start3A_67 : memref<1x160x128xf32, #tpu.memory_space<hbm>> -> memref<160x128xf32, #tpu.memory_space<hbm>>
      tpu.enqueue_dma source(%arg9 : memref<160x128xf32, #tpu.memory_space<vmem>>) target(%dma_start3A_68 : memref<160x128xf32, #tpu.memory_space<hbm>>) target_semaphore(%run_scoped3A : memref<!tpu.dma_semaphore, #tpu.memory_space<semaphore_mem>>)
      %dma_wait3A = arith.constant 0 : i32
      %dma_wait3A_69 = tpu.memref_slice %arg5[%arg0, %add3A_47, %dma_wait3A] : memref<2x10240x128xf32, #tpu.memory_space<hbm>> -> memref<1x160x128xf32, #tpu.memory_space<hbm>>
      %dma_wait3A_70 = tpu.memref_squeeze %dma_wait3A_69 : memref<1x160x128xf32, #tpu.memory_space<hbm>> -> memref<160x128xf32, #tpu.memory_space<hbm>>
      %dma_wait3A_71 = arith.constant 0 : i32
      %dma_wait3A_72 = tpu.memref_slice %arg5[%arg0, %add3A_47, %dma_wait3A_71] : memref<2x10240x128xf32, #tpu.memory_space<hbm>> -> memref<1x160x128xf32, #tpu.memory_space<hbm>>
      %dma_wait3A_73 = tpu.memref_squeeze %dma_wait3A_72 : memref<1x160x128xf32, #tpu.memory_space<hbm>> -> memref<160x128xf32, #tpu.memory_space<hbm>>
      tpu.wait_dma2 semaphore(%run_scoped3A : memref<!tpu.dma_semaphore, #tpu.memory_space<semaphore_mem>>) src(%arg9 : memref<160x128xf32, #tpu.memory_space<vmem>>) dst(%dma_wait3A_73 : memref<160x128xf32, #tpu.memory_space<hbm>>)
      tpu.yield
    }) : () -> ()
    %mul3A_48 = arith.constant 640 : i32
    %mul3A_49 = arith.muli %arg1, %mul3A_48 : i32
    %add3A_50 = arith.constant 320 : i32
    %add3A_51 = arith.addi %mul3A_49, %add3A_50 : i32
    "tpu.region"() ({
      %run_scoped3A = tpu.sem_alloc : memref<!tpu.dma_semaphore, #tpu.memory_space<semaphore_mem>>
      %dma_start3A = arith.constant 0 : i32
      %dma_start3A_64 = tpu.memref_slice %arg10[%add3A_51, %dma_start3A] : memref<10240x128xf32, #tpu.memory_space<vmem_shared>> -> memref<160x128xf32, #tpu.memory_space<vmem_shared>>
      %dma_start3A_65 = arith.constant 0 : i32
      %dma_start3A_66 = tpu.memref_slice %arg10[%add3A_51, %dma_start3A_65] : memref<10240x128xf32, #tpu.memory_space<vmem_shared>> -> memref<160x128xf32, #tpu.memory_space<vmem_shared>>
      tpu.enqueue_dma source(%dma_start3A_66 : memref<160x128xf32, #tpu.memory_space<vmem_shared>>) target(%arg9 : memref<160x128xf32, #tpu.memory_space<vmem>>) target_semaphore(%run_scoped3A : memref<!tpu.dma_semaphore, #tpu.memory_space<semaphore_mem>>)
      %dma_wait3A = arith.constant 0 : i32
      %dma_wait3A_67 = tpu.memref_slice %arg10[%add3A_51, %dma_wait3A] : memref<10240x128xf32, #tpu.memory_space<vmem_shared>> -> memref<160x128xf32, #tpu.memory_space<vmem_shared>>
      %dma_wait3A_68 = arith.constant 0 : i32
      %dma_wait3A_69 = tpu.memref_slice %arg10[%add3A_51, %dma_wait3A_68] : memref<10240x128xf32, #tpu.memory_space<vmem_shared>> -> memref<160x128xf32, #tpu.memory_space<vmem_shared>>
      tpu.wait_dma2 semaphore(%run_scoped3A : memref<!tpu.dma_semaphore, #tpu.memory_space<semaphore_mem>>) src(%dma_wait3A_69 : memref<160x128xf32, #tpu.memory_space<vmem_shared>>) dst(%arg9 : memref<160x128xf32, #tpu.memory_space<vmem>>)
      tpu.yield
    }) : () -> ()
    %mul3A_52 = arith.constant 640 : i32
    %mul3A_53 = arith.muli %arg1, %mul3A_52 : i32
    %add3A_54 = arith.constant 320 : i32
    %add3A_55 = arith.addi %mul3A_53, %add3A_54 : i32
    "tpu.region"() ({
      %run_scoped3A = tpu.sem_alloc : memref<!tpu.dma_semaphore, #tpu.memory_space<semaphore_mem>>
      %dma_start3A = arith.constant 0 : i32
      %dma_start3A_64 = tpu.memref_slice %arg5[%arg0, %add3A_55, %dma_start3A] : memref<2x10240x128xf32, #tpu.memory_space<hbm>> -> memref<1x160x128xf32, #tpu.memory_space<hbm>>
      %dma_start3A_65 = tpu.memref_squeeze %dma_start3A_64 : memref<1x160x128xf32, #tpu.memory_space<hbm>> -> memref<160x128xf32, #tpu.memory_space<hbm>>
      %dma_start3A_66 = arith.constant 0 : i32
      %dma_start3A_67 = tpu.memref_slice %arg5[%arg0, %add3A_55, %dma_start3A_66] : memref<2x10240x128xf32, #tpu.memory_space<hbm>> -> memref<1x160x128xf32, #tpu.memory_space<hbm>>
      %dma_start3A_68 = tpu.memref_squeeze %dma_start3A_67 : memref<1x160x128xf32, #tpu.memory_space<hbm>> -> memref<160x128xf32, #tpu.memory_space<hbm>>
      tpu.enqueue_dma source(%arg9 : memref<160x128xf32, #tpu.memory_space<vmem>>) target(%dma_start3A_68 : memref<160x128xf32, #tpu.memory_space<hbm>>) target_semaphore(%run_scoped3A : memref<!tpu.dma_semaphore, #tpu.memory_space<semaphore_mem>>)
      %dma_wait3A = arith.constant 0 : i32
      %dma_wait3A_69 = tpu.memref_slice %arg5[%arg0, %add3A_55, %dma_wait3A] : memref<2x10240x128xf32, #tpu.memory_space<hbm>> -> memref<1x160x128xf32, #tpu.memory_space<hbm>>
      %dma_wait3A_70 = tpu.memref_squeeze %dma_wait3A_69 : memref<1x160x128xf32, #tpu.memory_space<hbm>> -> memref<160x128xf32, #tpu.memory_space<hbm>>
      %dma_wait3A_71 = arith.constant 0 : i32
      %dma_wait3A_72 = tpu.memref_slice %arg5[%arg0, %add3A_55, %dma_wait3A_71] : memref<2x10240x128xf32, #tpu.memory_space<hbm>> -> memref<1x160x128xf32, #tpu.memory_space<hbm>>
      %dma_wait3A_73 = tpu.memref_squeeze %dma_wait3A_72 : memref<1x160x128xf32, #tpu.memory_space<hbm>> -> memref<160x128xf32, #tpu.memory_space<hbm>>
      tpu.wait_dma2 semaphore(%run_scoped3A : memref<!tpu.dma_semaphore, #tpu.memory_space<semaphore_mem>>) src(%arg9 : memref<160x128xf32, #tpu.memory_space<vmem>>) dst(%dma_wait3A_73 : memref<160x128xf32, #tpu.memory_space<hbm>>)
      tpu.yield
    }) : () -> ()
    %mul3A_56 = arith.constant 640 : i32
    %mul3A_57 = arith.muli %arg1, %mul3A_56 : i32
    %add3A_58 = arith.constant 480 : i32
    %add3A_59 = arith.addi %mul3A_57, %add3A_58 : i32
    "tpu.region"() ({
      %run_scoped3A = tpu.sem_alloc : memref<!tpu.dma_semaphore, #tpu.memory_space<semaphore_mem>>
      %dma_start3A = arith.constant 0 : i32
      %dma_start3A_64 = tpu.memref_slice %arg10[%add3A_59, %dma_start3A] : memref<10240x128xf32, #tpu.memory_space<vmem_shared>> -> memref<160x128xf32, #tpu.memory_space<vmem_shared>>
      %dma_start3A_65 = arith.constant 0 : i32
      %dma_start3A_66 = tpu.memref_slice %arg10[%add3A_59, %dma_start3A_65] : memref<10240x128xf32, #tpu.memory_space<vmem_shared>> -> memref<160x128xf32, #tpu.memory_space<vmem_shared>>
      tpu.enqueue_dma source(%dma_start3A_66 : memref<160x128xf32, #tpu.memory_space<vmem_shared>>) target(%arg9 : memref<160x128xf32, #tpu.memory_space<vmem>>) target_semaphore(%run_scoped3A : memref<!tpu.dma_semaphore, #tpu.memory_space<semaphore_mem>>)
      %dma_wait3A = arith.constant 0 : i32
      %dma_wait3A_67 = tpu.memref_slice %arg10[%add3A_59, %dma_wait3A] : memref<10240x128xf32, #tpu.memory_space<vmem_shared>> -> memref<160x128xf32, #tpu.memory_space<vmem_shared>>
      %dma_wait3A_68 = arith.constant 0 : i32
      %dma_wait3A_69 = tpu.memref_slice %arg10[%add3A_59, %dma_wait3A_68] : memref<10240x128xf32, #tpu.memory_space<vmem_shared>> -> memref<160x128xf32, #tpu.memory_space<vmem_shared>>
      tpu.wait_dma2 semaphore(%run_scoped3A : memref<!tpu.dma_semaphore, #tpu.memory_space<semaphore_mem>>) src(%dma_wait3A_69 : memref<160x128xf32, #tpu.memory_space<vmem_shared>>) dst(%arg9 : memref<160x128xf32, #tpu.memory_space<vmem>>)
      tpu.yield
    }) : () -> ()
    %mul3A_60 = arith.constant 640 : i32
    %mul3A_61 = arith.muli %arg1, %mul3A_60 : i32
    %add3A_62 = arith.constant 480 : i32
    %add3A_63 = arith.addi %mul3A_61, %add3A_62 : i32
    "tpu.region"() ({
      %run_scoped3A = tpu.sem_alloc : memref<!tpu.dma_semaphore, #tpu.memory_space<semaphore_mem>>
      %dma_start3A = arith.constant 0 : i32
      %dma_start3A_64 = tpu.memref_slice %arg5[%arg0, %add3A_63, %dma_start3A] : memref<2x10240x128xf32, #tpu.memory_space<hbm>> -> memref<1x160x128xf32, #tpu.memory_space<hbm>>
      %dma_start3A_65 = tpu.memref_squeeze %dma_start3A_64 : memref<1x160x128xf32, #tpu.memory_space<hbm>> -> memref<160x128xf32, #tpu.memory_space<hbm>>
      %dma_start3A_66 = arith.constant 0 : i32
      %dma_start3A_67 = tpu.memref_slice %arg5[%arg0, %add3A_63, %dma_start3A_66] : memref<2x10240x128xf32, #tpu.memory_space<hbm>> -> memref<1x160x128xf32, #tpu.memory_space<hbm>>
      %dma_start3A_68 = tpu.memref_squeeze %dma_start3A_67 : memref<1x160x128xf32, #tpu.memory_space<hbm>> -> memref<160x128xf32, #tpu.memory_space<hbm>>
      tpu.enqueue_dma source(%arg9 : memref<160x128xf32, #tpu.memory_space<vmem>>) target(%dma_start3A_68 : memref<160x128xf32, #tpu.memory_space<hbm>>) target_semaphore(%run_scoped3A : memref<!tpu.dma_semaphore, #tpu.memory_space<semaphore_mem>>)
      %dma_wait3A = arith.constant 0 : i32
      %dma_wait3A_69 = tpu.memref_slice %arg5[%arg0, %add3A_63, %dma_wait3A] : memref<2x10240x128xf32, #tpu.memory_space<hbm>> -> memref<1x160x128xf32, #tpu.memory_space<hbm>>
      %dma_wait3A_70 = tpu.memref_squeeze %dma_wait3A_69 : memref<1x160x128xf32, #tpu.memory_space<hbm>> -> memref<160x128xf32, #tpu.memory_space<hbm>>
      %dma_wait3A_71 = arith.constant 0 : i32
      %dma_wait3A_72 = tpu.memref_slice %arg5[%arg0, %add3A_63, %dma_wait3A_71] : memref<2x10240x128xf32, #tpu.memory_space<hbm>> -> memref<1x160x128xf32, #tpu.memory_space<hbm>>
      %dma_wait3A_73 = tpu.memref_squeeze %dma_wait3A_72 : memref<1x160x128xf32, #tpu.memory_space<hbm>> -> memref<160x128xf32, #tpu.memory_space<hbm>>
      tpu.wait_dma2 semaphore(%run_scoped3A : memref<!tpu.dma_semaphore, #tpu.memory_space<semaphore_mem>>) src(%arg9 : memref<160x128xf32, #tpu.memory_space<vmem>>) dst(%dma_wait3A_73 : memref<160x128xf32, #tpu.memory_space<hbm>>)
      tpu.yield
    }) : () -> ()
    return
  }
}

module attributes {stable_mosaic.version = 14 : i64} {
  func.func @_tc1_body(%arg0: i32, %arg1: memref<2x1024x128xf32, #tpu.memory_space<vmem>>, %arg2: memref<1024x128xf32, #tpu.memory_space<vmem>>, %arg3: memref<128x128xf32, #tpu.memory_space<vmem>>, %arg4: memref<1024x128xf32, #tpu.memory_space<vmem>>) attributes {dimension_semantics = [#tpu.dimension_semantics<arbitrary>], iteration_bounds = array<i64: 10>, scalar_prefetch = 0 : i64, scratch_operands = 0 : i64, tpu.core_type = #tpu.core_type<tc>, window_params = [{transform_indices = @transform_0, window_bounds = array<i64: 2, 1024, 128>}, {transform_indices = @transform_1, window_bounds = array<i64: 1024, 128>}, {pipeline_mode = #tpu.pipeline_mode<synchronous>, transform_indices = @transform_2, window_bounds = array<i64: 128, 128>}, {transform_indices = @transform_3, window_bounds = array<i64: 1024, 128>}]} {
    %get3A = arith.constant 0 : index
    %get3A_0 = arith.constant 0 : index
    %get3A_1 = arith.constant 0 : index
    %get3A_2 = vector.load %arg1[%get3A, %get3A_0, %get3A_1] : memref<2x1024x128xf32, #tpu.memory_space<vmem>>, vector<1x1024x128xf32>
    %get3A_3 = vector.shape_cast %get3A_2 : vector<1x1024x128xf32> to vector<1024x128xf32>
    %get3A_4 = arith.constant 1 : index
    %get3A_5 = arith.constant 0 : index
    %get3A_6 = arith.constant 0 : index
    %get3A_7 = vector.load %arg1[%get3A_4, %get3A_5, %get3A_6] : memref<2x1024x128xf32, #tpu.memory_space<vmem>>, vector<1x1024x128xf32>
    %get3A_8 = vector.shape_cast %get3A_7 : vector<1x1024x128xf32> to vector<1024x128xf32>
    %slice3A = vector.extract_strided_slice %get3A_3 {offsets = [0, 0], sizes = [1024, 1], strides = [1, 1]} : vector<1024x128xf32> to vector<1024x1xf32>
    %slice3A_9 = vector.extract_strided_slice %get3A_8 {offsets = [0, 0], sizes = [1024, 1], strides = [1, 1]} : vector<1024x128xf32> to vector<1024x1xf32>
    %add3A = arith.addf %slice3A, %slice3A_9 : vector<1024x1xf32>
    %add3A_10 = arith.constant 1.000000e+00 : f32
    %add3A_11 = vector.broadcast %add3A_10 : f32 to vector<1024x1xf32>
    %add3A_12 = arith.addf %add3A, %add3A_11 : vector<1024x1xf32>
    %rsqrt3A = math.rsqrt %add3A_12 : vector<1024x1xf32>
    %get3A_13 = arith.constant 0 : index
    %get3A_14 = arith.constant 0 : index
    %get3A_15 = vector.load %arg2[%get3A_13, %get3A_14] : memref<1024x128xf32, #tpu.memory_space<vmem>>, vector<1024x128xf32>
    %get3A_16 = arith.constant 0 : index
    %get3A_17 = arith.constant 0 : index
    %get3A_18 = vector.load %arg3[%get3A_16, %get3A_17] : memref<128x128xf32, #tpu.memory_space<vmem>>, vector<128x128xf32>
    %dot_general3A = arith.constant dense<0.000000e+00> : vector<1024x128xf32>
    %dot_general3A_19 = tpu.matmul %get3A_15, %get3A_18, %dot_general3A {dimension_numbers = #tpu.dot_dimension_numbers<[1], [1], [0], [0], [0, 0, 1, 0], [], []>, transpose_lhs_hint = false} : vector<1024x128xf32>, vector<128x128xf32>, vector<1024x128xf32> -> vector<1024x128xf32>
    %mul3A = vector.broadcast %rsqrt3A : vector<1024x1xf32> to vector<1024x128xf32>
    %mul3A_20 = arith.mulf %dot_general3A_19, %mul3A : vector<1024x128xf32>
    %swap3A = arith.constant 0 : index
    %swap3A_21 = arith.constant 0 : index
    %swap3A_22 = vector.load %arg4[%swap3A, %swap3A_21] : memref<1024x128xf32, #tpu.memory_space<vmem>>, vector<1024x128xf32>
    tpu.vector_store %arg4[%swap3A, %swap3A_21], %mul3A_20 {strides = array<i32>} : memref<1024x128xf32, #tpu.memory_space<vmem>>, vector<1024x128xf32>,
    return
  }
  func.func @transform_0(%arg0: i32) -> (i32, i32, i32) {
    %c0_i32 = arith.constant 0 : i32
    %c0_i32_0 = arith.constant 0 : i32
    %c0_i32_1 = arith.constant 0 : i32
    return %c0_i32, %arg0, %c0_i32_0 : i32, i32, i32
  }
  func.func @transform_1(%arg0: i32) -> (i32, i32) {
    %c0_i32 = arith.constant 0 : i32
    %c0_i32_0 = arith.constant 0 : i32
    return %arg0, %c0_i32 : i32, i32
  }
  func.func @transform_2(%arg0: i32) -> (i32, i32) {
    %c0_i32 = arith.constant 0 : i32
    %c0_i32_0 = arith.constant 0 : i32
    %c0_i32_1 = arith.constant 0 : i32
    return %c0_i32, %c0_i32_0 : i32, i32
  }
  func.func @transform_3(%arg0: i32) -> (i32, i32) {
    %c0_i32 = arith.constant 0 : i32
    %c0_i32_0 = arith.constant 0 : i32
    return %arg0, %c0_i32 : i32, i32
  }
}

module attributes {stable_mosaic.version = 14 : i64} {
  func.func @_tc2_body(%arg0: i32, %arg1: memref<2x1024x128xf32, #tpu.memory_space<vmem>>, %arg2: memref<2x1024x128xf32, #tpu.memory_space<vmem>>, %arg3: memref<1024x128xf32, #tpu.memory_space<vmem>>, %arg4: memref<128x128xf32, #tpu.memory_space<vmem>>, %arg5: memref<1x128xf32, #tpu.memory_space<vmem>>, %arg6: memref<1024x128xf32, #tpu.memory_space<vmem>>) attributes {dimension_semantics = [#tpu.dimension_semantics<arbitrary>], iteration_bounds = array<i64: 10>, scalar_prefetch = 0 : i64, scratch_operands = 0 : i64, tpu.core_type = #tpu.core_type<tc>, window_params = [{transform_indices = @transform_0, window_bounds = array<i64: 2, 1024, 128>}, {transform_indices = @transform_1, window_bounds = array<i64: 2, 1024, 128>}, {transform_indices = @transform_2, window_bounds = array<i64: 1024, 128>}, {pipeline_mode = #tpu.pipeline_mode<synchronous>, transform_indices = @transform_3, window_bounds = array<i64: 128, 128>}, {pipeline_mode = #tpu.pipeline_mode<synchronous>, transform_indices = @transform_4, window_bounds = array<i64: 1, 128>}, {transform_indices = @transform_5, window_bounds = array<i64: 1024, 128>}]} {
    %get3A = arith.constant 0 : index
    %get3A_0 = arith.constant 0 : index
    %get3A_1 = arith.constant 0 : index
    %get3A_2 = vector.load %arg1[%get3A, %get3A_0, %get3A_1] : memref<2x1024x128xf32, #tpu.memory_space<vmem>>, vector<1x1024x128xf32>
    %get3A_3 = vector.shape_cast %get3A_2 : vector<1x1024x128xf32> to vector<1024x128xf32>
    %get3A_4 = arith.constant 1 : index
    %get3A_5 = arith.constant 0 : index
    %get3A_6 = arith.constant 0 : index
    %get3A_7 = vector.load %arg1[%get3A_4, %get3A_5, %get3A_6] : memref<2x1024x128xf32, #tpu.memory_space<vmem>>, vector<1x1024x128xf32>
    %get3A_8 = vector.shape_cast %get3A_7 : vector<1x1024x128xf32> to vector<1024x128xf32>
    %slice3A = vector.extract_strided_slice %get3A_3 {offsets = [0, 0], sizes = [1024, 1], strides = [1, 1]} : vector<1024x128xf32> to vector<1024x1xf32>
    %slice3A_9 = vector.extract_strided_slice %get3A_8 {offsets = [0, 0], sizes = [1024, 1], strides = [1, 1]} : vector<1024x128xf32> to vector<1024x1xf32>
    %add3A = arith.addf %slice3A, %slice3A_9 : vector<1024x1xf32>
    %add3A_10 = arith.constant 1.000000e+00 : f32
    %add3A_11 = vector.broadcast %add3A_10 : f32 to vector<1024x1xf32>
    %add3A_12 = arith.addf %add3A, %add3A_11 : vector<1024x1xf32>
    %rsqrt3A = math.rsqrt %add3A_12 : vector<1024x1xf32>
    %get3A_13 = arith.constant 0 : index
    %get3A_14 = arith.constant 0 : index
    %get3A_15 = arith.constant 0 : index
    %get3A_16 = vector.load %arg2[%get3A_13, %get3A_14, %get3A_15] : memref<2x1024x128xf32, #tpu.memory_space<vmem>>, vector<1x1024x128xf32>
    %get3A_17 = vector.shape_cast %get3A_16 : vector<1x1024x128xf32> to vector<1024x128xf32>
    %get3A_18 = arith.constant 1 : index
    %get3A_19 = arith.constant 0 : index
    %get3A_20 = arith.constant 0 : index
    %get3A_21 = vector.load %arg2[%get3A_18, %get3A_19, %get3A_20] : memref<2x1024x128xf32, #tpu.memory_space<vmem>>, vector<1x1024x128xf32>
    %get3A_22 = vector.shape_cast %get3A_21 : vector<1x1024x128xf32> to vector<1024x128xf32>
    %add3A_23 = arith.addf %get3A_17, %get3A_22 : vector<1024x128xf32>
    %get3A_24 = arith.constant 0 : index
    %get3A_25 = arith.constant 0 : index
    %get3A_26 = vector.load %arg3[%get3A_24, %get3A_25] : memref<1024x128xf32, #tpu.memory_space<vmem>>, vector<1024x128xf32>
    %add3A_27 = arith.addf %add3A_23, %get3A_26 : vector<1024x128xf32>
    %mul3A = vector.broadcast %rsqrt3A : vector<1024x1xf32> to vector<1024x128xf32>
    %mul3A_28 = arith.mulf %add3A_27, %mul3A : vector<1024x128xf32>
    %get3A_29 = arith.constant 0 : index
    %get3A_30 = arith.constant 0 : index
    %get3A_31 = vector.load %arg5[%get3A_29, %get3A_30] : memref<1x128xf32, #tpu.memory_space<vmem>>, vector<1x128xf32>
    %add3A_32 = vector.broadcast %get3A_31 : vector<1x128xf32> to vector<1024x128xf32>
    %add3A_33 = arith.addf %mul3A_28, %add3A_32 : vector<1024x128xf32>
    %max3A = arith.constant 0.000000e+00 : f32
    %max3A_34 = vector.broadcast %max3A : f32 to vector<1024x128xf32>
    %max3A_35 = arith.maximumf %add3A_33, %max3A_34 : vector<1024x128xf32>
    %get3A_36 = arith.constant 0 : index
    %get3A_37 = arith.constant 0 : index
    %get3A_38 = vector.load %arg4[%get3A_36, %get3A_37] : memref<128x128xf32, #tpu.memory_space<vmem>>, vector<128x128xf32>
    %dot_general3A = arith.constant dense<0.000000e+00> : vector<1024x128xf32>
    %dot_general3A_39 = tpu.matmul %max3A_35, %get3A_38, %dot_general3A {dimension_numbers = #tpu.dot_dimension_numbers<[1], [1], [0], [0], [0, 0, 1, 0], [], []>, transpose_lhs_hint = false} : vector<1024x128xf32>, vector<128x128xf32>, vector<1024x128xf32> -> vector<1024x128xf32>
    %mul3A_40 = vector.broadcast %rsqrt3A : vector<1024x1xf32> to vector<1024x128xf32>
    %mul3A_41 = arith.mulf %dot_general3A_39, %mul3A_40 : vector<1024x128xf32>
    %swap3A = arith.constant 0 : index
    %swap3A_42 = arith.constant 0 : index
    %swap3A_43 = vector.load %arg6[%swap3A, %swap3A_42] : memref<1024x128xf32, #tpu.memory_space<vmem>>, vector<1024x128xf32>
    tpu.vector_store %arg6[%swap3A, %swap3A_42], %mul3A_41 {strides = array<i32>} : memref<1024x128xf32, #tpu.memory_space<vmem>>, vector<1024x128xf32>,
    return
  }
  func.func @transform_0(%arg0: i32) -> (i32, i32, i32) {
    %c0_i32 = arith.constant 0 : i32
    %c0_i32_0 = arith.constant 0 : i32
    %c0_i32_1 = arith.constant 0 : i32
    return %c0_i32, %arg0, %c0_i32_0 : i32, i32, i32
  }
  func.func @transform_1(%arg0: i32) -> (i32, i32, i32) {
    %c0_i32 = arith.constant 0 : i32
    %c0_i32_0 = arith.constant 0 : i32
    %c0_i32_1 = arith.constant 0 : i32
    return %c0_i32, %arg0, %c0_i32_0 : i32, i32, i32
  }
  func.func @transform_2(%arg0: i32) -> (i32, i32) {
    %c0_i32 = arith.constant 0 : i32
    %c0_i32_0 = arith.constant 0 : i32
    return %arg0, %c0_i32 : i32, i32
  }
  func.func @transform_3(%arg0: i32) -> (i32, i32) {
    %c0_i32 = arith.constant 0 : i32
    %c0_i32_0 = arith.constant 0 : i32
    %c0_i32_1 = arith.constant 0 : i32
    return %c0_i32, %c0_i32_0 : i32, i32
  }
  func.func @transform_4(%arg0: i32) -> (i32, i32) {
    %c0_i32 = arith.constant 0 : i32
    %c0_i32_0 = arith.constant 0 : i32
    %c0_i32_1 = arith.constant 0 : i32
    return %c0_i32, %c0_i32_0 : i32, i32
  }
  func.func @transform_5(%arg0: i32) -> (i32, i32) {
    %c0_i32 = arith.constant 0 : i32
    %c0_i32_0 = arith.constant 0 : i32
    return %arg0, %c0_i32 : i32, i32
  }
}

module attributes {stable_mosaic.version = 14 : i64} {
  func.func @_tc3_body(%arg0: i32, %arg1: memref<2x1024x128xf32, #tpu.memory_space<vmem>>, %arg2: memref<2x1024x128xf32, #tpu.memory_space<vmem>>, %arg3: memref<1024x128xf32, #tpu.memory_space<vmem>>, %arg4: memref<128x128xf32, #tpu.memory_space<vmem>>, %arg5: memref<128x128xf32, #tpu.memory_space<vmem>>, %arg6: memref<1x128xf32, #tpu.memory_space<vmem>>, %arg7: memref<1x128xf32, #tpu.memory_space<vmem>>, %arg8: memref<1024x128xf32, #tpu.memory_space<vmem>>, %arg9: memref<1024x128xf32, #tpu.memory_space<vmem>>) attributes {dimension_semantics = [#tpu.dimension_semantics<arbitrary>], iteration_bounds = array<i64: 10>, scalar_prefetch = 0 : i64, scratch_operands = 0 : i64, tpu.core_type = #tpu.core_type<tc>, window_params = [{transform_indices = @transform_0, window_bounds = array<i64: 2, 1024, 128>}, {transform_indices = @transform_1, window_bounds = array<i64: 2, 1024, 128>}, {transform_indices = @transform_2, window_bounds = array<i64: 1024, 128>}, {pipeline_mode = #tpu.pipeline_mode<synchronous>, transform_indices = @transform_3, window_bounds = array<i64: 128, 128>}, {pipeline_mode = #tpu.pipeline_mode<synchronous>, transform_indices = @transform_4, window_bounds = array<i64: 128, 128>}, {pipeline_mode = #tpu.pipeline_mode<synchronous>, transform_indices = @transform_5, window_bounds = array<i64: 1, 128>}, {pipeline_mode = #tpu.pipeline_mode<synchronous>, transform_indices = @transform_6, window_bounds = array<i64: 1, 128>}, {transform_indices = @transform_7, window_bounds = array<i64: 1024, 128>}, {transform_indices = @transform_8, window_bounds = array<i64: 1024, 128>}]} {
    %get3A = arith.constant 0 : index
    %get3A_0 = arith.constant 0 : index
    %get3A_1 = arith.constant 0 : index
    %get3A_2 = vector.load %arg1[%get3A, %get3A_0, %get3A_1] : memref<2x1024x128xf32, #tpu.memory_space<vmem>>, vector<1x1024x128xf32>
    %get3A_3 = vector.shape_cast %get3A_2 : vector<1x1024x128xf32> to vector<1024x128xf32>
    %get3A_4 = arith.constant 1 : index
    %get3A_5 = arith.constant 0 : index
    %get3A_6 = arith.constant 0 : index
    %get3A_7 = vector.load %arg1[%get3A_4, %get3A_5, %get3A_6] : memref<2x1024x128xf32, #tpu.memory_space<vmem>>, vector<1x1024x128xf32>
    %get3A_8 = vector.shape_cast %get3A_7 : vector<1x1024x128xf32> to vector<1024x128xf32>
    %slice3A = vector.extract_strided_slice %get3A_3 {offsets = [0, 0], sizes = [1024, 1], strides = [1, 1]} : vector<1024x128xf32> to vector<1024x1xf32>
    %slice3A_9 = vector.extract_strided_slice %get3A_8 {offsets = [0, 0], sizes = [1024, 1], strides = [1, 1]} : vector<1024x128xf32> to vector<1024x1xf32>
    %add3A = arith.addf %slice3A, %slice3A_9 : vector<1024x1xf32>
    %add3A_10 = arith.constant 1.000000e+00 : f32
    %add3A_11 = vector.broadcast %add3A_10 : f32 to vector<1024x1xf32>
    %add3A_12 = arith.addf %add3A, %add3A_11 : vector<1024x1xf32>
    %rsqrt3A = math.rsqrt %add3A_12 : vector<1024x1xf32>
    %get3A_13 = arith.constant 0 : index
    %get3A_14 = arith.constant 0 : index
    %get3A_15 = arith.constant 0 : index
    %get3A_16 = vector.load %arg2[%get3A_13, %get3A_14, %get3A_15] : memref<2x1024x128xf32, #tpu.memory_space<vmem>>, vector<1x1024x128xf32>
    %get3A_17 = vector.shape_cast %get3A_16 : vector<1x1024x128xf32> to vector<1024x128xf32>
    %get3A_18 = arith.constant 1 : index
    %get3A_19 = arith.constant 0 : index
    %get3A_20 = arith.constant 0 : index
    %get3A_21 = vector.load %arg2[%get3A_18, %get3A_19, %get3A_20] : memref<2x1024x128xf32, #tpu.memory_space<vmem>>, vector<1x1024x128xf32>
    %get3A_22 = vector.shape_cast %get3A_21 : vector<1x1024x128xf32> to vector<1024x128xf32>
    %add3A_23 = arith.addf %get3A_17, %get3A_22 : vector<1024x128xf32>
    %get3A_24 = arith.constant 0 : index
    %get3A_25 = arith.constant 0 : index
    %get3A_26 = vector.load %arg3[%get3A_24, %get3A_25] : memref<1024x128xf32, #tpu.memory_space<vmem>>, vector<1024x128xf32>
    %add3A_27 = arith.addf %add3A_23, %get3A_26 : vector<1024x128xf32>
    %mul3A = vector.broadcast %rsqrt3A : vector<1024x1xf32> to vector<1024x128xf32>
    %mul3A_28 = arith.mulf %add3A_27, %mul3A : vector<1024x128xf32>
    %get3A_29 = arith.constant 0 : index
    %get3A_30 = arith.constant 0 : index
    %get3A_31 = vector.load %arg6[%get3A_29, %get3A_30] : memref<1x128xf32, #tpu.memory_space<vmem>>, vector<1x128xf32>
    %add3A_32 = vector.broadcast %get3A_31 : vector<1x128xf32> to vector<1024x128xf32>
    %add3A_33 = arith.addf %mul3A_28, %add3A_32 : vector<1024x128xf32>
    %get3A_34 = arith.constant 0 : index
    %get3A_35 = arith.constant 0 : index
    %get3A_36 = vector.load %arg4[%get3A_34, %get3A_35] : memref<128x128xf32, #tpu.memory_space<vmem>>, vector<128x128xf32>
    %dot_general3A = arith.constant dense<0.000000e+00> : vector<1024x128xf32>
    %dot_general3A_37 = tpu.matmul %add3A_33, %get3A_36, %dot_general3A {dimension_numbers = #tpu.dot_dimension_numbers<[1], [1], [0], [0], [0, 0, 1, 0], [], []>, transpose_lhs_hint = false} : vector<1024x128xf32>, vector<128x128xf32>, vector<1024x128xf32> -> vector<1024x128xf32>
    %get3A_38 = arith.constant 0 : index
    %get3A_39 = arith.constant 0 : index
    %get3A_40 = vector.load %arg7[%get3A_38, %get3A_39] : memref<1x128xf32, #tpu.memory_space<vmem>>, vector<1x128xf32>
    %add3A_41 = vector.broadcast %get3A_40 : vector<1x128xf32> to vector<1024x128xf32>
    %add3A_42 = arith.addf %dot_general3A_37, %add3A_41 : vector<1024x128xf32>
    %swap3A = arith.constant 0 : index
    %swap3A_43 = arith.constant 0 : index
    %swap3A_44 = vector.load %arg8[%swap3A, %swap3A_43] : memref<1024x128xf32, #tpu.memory_space<vmem>>, vector<1024x128xf32>
    tpu.vector_store %arg8[%swap3A, %swap3A_43], %add3A_42 {strides = array<i32>} : memref<1024x128xf32, #tpu.memory_space<vmem>>, vector<1024x128xf32>,
    %get3A_45 = arith.constant 0 : index
    %get3A_46 = arith.constant 0 : index
    %get3A_47 = vector.load %arg5[%get3A_45, %get3A_46] : memref<128x128xf32, #tpu.memory_space<vmem>>, vector<128x128xf32>
    %dot_general3A_48 = arith.constant dense<0.000000e+00> : vector<1024x128xf32>
    %dot_general3A_49 = tpu.matmul %add3A_33, %get3A_47, %dot_general3A_48 {dimension_numbers = #tpu.dot_dimension_numbers<[1], [1], [0], [0], [0, 0, 1, 0], [], []>, transpose_lhs_hint = false} : vector<1024x128xf32>, vector<128x128xf32>, vector<1024x128xf32> -> vector<1024x128xf32>
    %swap3A_50 = arith.constant 0 : index
    %swap3A_51 = arith.constant 0 : index
    %swap3A_52 = vector.load %arg9[%swap3A_50, %swap3A_51] : memref<1024x128xf32, #tpu.memory_space<vmem>>, vector<1024x128xf32>
    tpu.vector_store %arg9[%swap3A_50, %swap3A_51], %dot_general3A_49 {strides = array<i32>} : memref<1024x128xf32, #tpu.memory_space<vmem>>, vector<1024x128xf32>,
    return
  }
  func.func @transform_0(%arg0: i32) -> (i32, i32, i32) {
    %c0_i32 = arith.constant 0 : i32
    %c0_i32_0 = arith.constant 0 : i32
    %c0_i32_1 = arith.constant 0 : i32
    return %c0_i32, %arg0, %c0_i32_0 : i32, i32, i32
  }
  func.func @transform_1(%arg0: i32) -> (i32, i32, i32) {
    %c0_i32 = arith.constant 0 : i32
    %c0_i32_0 = arith.constant 0 : i32
    %c0_i32_1 = arith.constant 0 : i32
    return %c0_i32, %arg0, %c0_i32_0 : i32, i32, i32
  }
  func.func @transform_2(%arg0: i32) -> (i32, i32) {
    %c0_i32 = arith.constant 0 : i32
    %c0_i32_0 = arith.constant 0 : i32
    return %arg0, %c0_i32 : i32, i32
  }
  func.func @transform_3(%arg0: i32) -> (i32, i32) {
    %c0_i32 = arith.constant 0 : i32
    %c0_i32_0 = arith.constant 0 : i32
    %c0_i32_1 = arith.constant 0 : i32
    return %c0_i32, %c0_i32_0 : i32, i32
  }
  func.func @transform_4(%arg0: i32) -> (i32, i32) {
    %c0_i32 = arith.constant 0 : i32
    %c0_i32_0 = arith.constant 0 : i32
    %c0_i32_1 = arith.constant 0 : i32
    return %c0_i32, %c0_i32_0 : i32, i32
  }
  func.func @transform_5(%arg0: i32) -> (i32, i32) {
    %c0_i32 = arith.constant 0 : i32
    %c0_i32_0 = arith.constant 0 : i32
    %c0_i32_1 = arith.constant 0 : i32
    return %c0_i32, %c0_i32_0 : i32, i32
  }
  func.func @transform_6(%arg0: i32) -> (i32, i32) {
    %c0_i32 = arith.constant 0 : i32
    %c0_i32_0 = arith.constant 0 : i32
    %c0_i32_1 = arith.constant 0 : i32
    return %c0_i32, %c0_i32_0 : i32, i32
  }
  func.func @transform_7(%arg0: i32) -> (i32, i32) {
    %c0_i32 = arith.constant 0 : i32
    %c0_i32_0 = arith.constant 0 : i32
    return %arg0, %c0_i32 : i32, i32
  }
  func.func @transform_8(%arg0: i32) -> (i32, i32) {
    %c0_i32 = arith.constant 0 : i32
    %c0_i32_0 = arith.constant 0 : i32
    return %arg0, %c0_i32 : i32, i32
  }
}

module attributes {stable_mosaic.version = 14 : i64} {
  func.func @_tc4_body(%arg0: i32, %arg1: memref<16x128x16xf32, #tpu.memory_space<vmem>>, %arg2: memref<1xf32, #tpu.memory_space<smem>>, %arg3: memref<16x128xf32, #tpu.memory_space<vmem>>) attributes {dimension_semantics = [#tpu.dimension_semantics<arbitrary>], iteration_bounds = array<i64: 158>, scalar_prefetch = 0 : i64, scratch_operands = 0 : i64, tpu.core_type = #tpu.core_type<tc>, window_params = [{transform_indices = @transform_0, window_bounds = array<i64: 16, 128, 16>}, {transform_indices = @transform_1, window_bounds = array<i64: 1>}, {transform_indices = @transform_2, window_bounds = array<i64: 16, 128>}]} {
    %broadcast_in_dim3A = arith.constant 1.000000e+00 : f32
    %broadcast_in_dim3A_0 = vector.broadcast %broadcast_in_dim3A : f32 to vector<1x16xf32>
    %get3A = arith.constant 0 : index
    %get3A_1 = arith.constant 0 : index
    %get3A_2 = arith.constant 0 : index
    %get3A_3 = vector.load %arg1[%get3A, %get3A_1, %get3A_2] : memref<16x128x16xf32, #tpu.memory_space<vmem>>, vector<1x128x16xf32>
    %get3A_4 = vector.shape_cast %get3A_3 : vector<1x128x16xf32> to vector<128x16xf32>
    %dot_general3A = arith.constant dense<0.000000e+00> : vector<1x128xf32>
    %dot_general3A_5 = tpu.matmul %broadcast_in_dim3A_0, %get3A_4, %dot_general3A {dimension_numbers = #tpu.dot_dimension_numbers<[1], [1], [0], [0], [0, 0, 1, 0], [], []>, transpose_lhs_hint = false} : vector<1x16xf32>, vector<128x16xf32>, vector<1x128xf32> -> vector<1x128xf32>
    %get3A_6 = arith.constant 0 : index
    %get3A_7 = memref.load %arg2[%get3A_6] : memref<1xf32, #tpu.memory_space<smem>>
    %add3A = vector.broadcast %get3A_7 : f32 to vector<1x128xf32>
    %add3A_8 = arith.addf %dot_general3A_5, %add3A : vector<1x128xf32>
    %squeeze3A = vector.shape_cast %add3A_8 : vector<1x128xf32> to vector<128xf32>
    %swap3A = arith.constant 0 : index
    %swap3A_9 = arith.constant 0 : index
    %swap3A_10 = vector.load %arg3[%swap3A, %swap3A_9] : memref<16x128xf32, #tpu.memory_space<vmem>>, vector<1x128xf32>
    %swap3A_11 = vector.shape_cast %swap3A_10 : vector<1x128xf32> to vector<128xf32>
    %swap3A_12 = vector.shape_cast %squeeze3A : vector<128xf32> to vector<1x128xf32>
    tpu.vector_store %arg3[%swap3A, %swap3A_9], %swap3A_12 {strides = array<i32>} : memref<16x128xf32, #tpu.memory_space<vmem>>, vector<1x128xf32>,
    %get3A_13 = arith.constant 1 : index
    %get3A_14 = arith.constant 0 : index
    %get3A_15 = arith.constant 0 : index
    %get3A_16 = vector.load %arg1[%get3A_13, %get3A_14, %get3A_15] : memref<16x128x16xf32, #tpu.memory_space<vmem>>, vector<1x128x16xf32>
    %get3A_17 = vector.shape_cast %get3A_16 : vector<1x128x16xf32> to vector<128x16xf32>
    %dot_general3A_18 = arith.constant dense<0.000000e+00> : vector<1x128xf32>
    %dot_general3A_19 = tpu.matmul %broadcast_in_dim3A_0, %get3A_17, %dot_general3A_18 {dimension_numbers = #tpu.dot_dimension_numbers<[1], [1], [0], [0], [0, 0, 1, 0], [], []>, transpose_lhs_hint = false} : vector<1x16xf32>, vector<128x16xf32>, vector<1x128xf32> -> vector<1x128xf32>
    %get3A_20 = arith.constant 0 : index
    %get3A_21 = memref.load %arg2[%get3A_20] : memref<1xf32, #tpu.memory_space<smem>>
    %add3A_22 = vector.broadcast %get3A_21 : f32 to vector<1x128xf32>
    %add3A_23 = arith.addf %dot_general3A_19, %add3A_22 : vector<1x128xf32>
    %squeeze3A_24 = vector.shape_cast %add3A_23 : vector<1x128xf32> to vector<128xf32>
    %swap3A_25 = arith.constant 1 : index
    %swap3A_26 = arith.constant 0 : index
    %swap3A_27 = vector.load %arg3[%swap3A_25, %swap3A_26] : memref<16x128xf32, #tpu.memory_space<vmem>>, vector<1x128xf32>
    %swap3A_28 = vector.shape_cast %swap3A_27 : vector<1x128xf32> to vector<128xf32>
    %swap3A_29 = vector.shape_cast %squeeze3A_24 : vector<128xf32> to vector<1x128xf32>
    tpu.vector_store %arg3[%swap3A_25, %swap3A_26], %swap3A_29 {strides = array<i32>} : memref<16x128xf32, #tpu.memory_space<vmem>>, vector<1x128xf32>,
    %get3A_30 = arith.constant 2 : index
    %get3A_31 = arith.constant 0 : index
    %get3A_32 = arith.constant 0 : index
    %get3A_33 = vector.load %arg1[%get3A_30, %get3A_31, %get3A_32] : memref<16x128x16xf32, #tpu.memory_space<vmem>>, vector<1x128x16xf32>
    %get3A_34 = vector.shape_cast %get3A_33 : vector<1x128x16xf32> to vector<128x16xf32>
    %dot_general3A_35 = arith.constant dense<0.000000e+00> : vector<1x128xf32>
    %dot_general3A_36 = tpu.matmul %broadcast_in_dim3A_0, %get3A_34, %dot_general3A_35 {dimension_numbers = #tpu.dot_dimension_numbers<[1], [1], [0], [0], [0, 0, 1, 0], [], []>, transpose_lhs_hint = false} : vector<1x16xf32>, vector<128x16xf32>, vector<1x128xf32> -> vector<1x128xf32>
    %get3A_37 = arith.constant 0 : index
    %get3A_38 = memref.load %arg2[%get3A_37] : memref<1xf32, #tpu.memory_space<smem>>
    %add3A_39 = vector.broadcast %get3A_38 : f32 to vector<1x128xf32>
    %add3A_40 = arith.addf %dot_general3A_36, %add3A_39 : vector<1x128xf32>
    %squeeze3A_41 = vector.shape_cast %add3A_40 : vector<1x128xf32> to vector<128xf32>
    %swap3A_42 = arith.constant 2 : index
    %swap3A_43 = arith.constant 0 : index
    %swap3A_44 = vector.load %arg3[%swap3A_42, %swap3A_43] : memref<16x128xf32, #tpu.memory_space<vmem>>, vector<1x128xf32>
    %swap3A_45 = vector.shape_cast %swap3A_44 : vector<1x128xf32> to vector<128xf32>
    %swap3A_46 = vector.shape_cast %squeeze3A_41 : vector<128xf32> to vector<1x128xf32>
    tpu.vector_store %arg3[%swap3A_42, %swap3A_43], %swap3A_46 {strides = array<i32>} : memref<16x128xf32, #tpu.memory_space<vmem>>, vector<1x128xf32>,
    %get3A_47 = arith.constant 3 : index
    %get3A_48 = arith.constant 0 : index
    %get3A_49 = arith.constant 0 : index
    %get3A_50 = vector.load %arg1[%get3A_47, %get3A_48, %get3A_49] : memref<16x128x16xf32, #tpu.memory_space<vmem>>, vector<1x128x16xf32>
    %get3A_51 = vector.shape_cast %get3A_50 : vector<1x128x16xf32> to vector<128x16xf32>
    %dot_general3A_52 = arith.constant dense<0.000000e+00> : vector<1x128xf32>
    %dot_general3A_53 = tpu.matmul %broadcast_in_dim3A_0, %get3A_51, %dot_general3A_52 {dimension_numbers = #tpu.dot_dimension_numbers<[1], [1], [0], [0], [0, 0, 1, 0], [], []>, transpose_lhs_hint = false} : vector<1x16xf32>, vector<128x16xf32>, vector<1x128xf32> -> vector<1x128xf32>
    %get3A_54 = arith.constant 0 : index
    %get3A_55 = memref.load %arg2[%get3A_54] : memref<1xf32, #tpu.memory_space<smem>>
    %add3A_56 = vector.broadcast %get3A_55 : f32 to vector<1x128xf32>
    %add3A_57 = arith.addf %dot_general3A_53, %add3A_56 : vector<1x128xf32>
    %squeeze3A_58 = vector.shape_cast %add3A_57 : vector<1x128xf32> to vector<128xf32>
    %swap3A_59 = arith.constant 3 : index
    %swap3A_60 = arith.constant 0 : index
    %swap3A_61 = vector.load %arg3[%swap3A_59, %swap3A_60] : memref<16x128xf32, #tpu.memory_space<vmem>>, vector<1x128xf32>
    %swap3A_62 = vector.shape_cast %swap3A_61 : vector<1x128xf32> to vector<128xf32>
    %swap3A_63 = vector.shape_cast %squeeze3A_58 : vector<128xf32> to vector<1x128xf32>
    tpu.vector_store %arg3[%swap3A_59, %swap3A_60], %swap3A_63 {strides = array<i32>} : memref<16x128xf32, #tpu.memory_space<vmem>>, vector<1x128xf32>,
    %get3A_64 = arith.constant 4 : index
    %get3A_65 = arith.constant 0 : index
    %get3A_66 = arith.constant 0 : index
    %get3A_67 = vector.load %arg1[%get3A_64, %get3A_65, %get3A_66] : memref<16x128x16xf32, #tpu.memory_space<vmem>>, vector<1x128x16xf32>
    %get3A_68 = vector.shape_cast %get3A_67 : vector<1x128x16xf32> to vector<128x16xf32>
    %dot_general3A_69 = arith.constant dense<0.000000e+00> : vector<1x128xf32>
    %dot_general3A_70 = tpu.matmul %broadcast_in_dim3A_0, %get3A_68, %dot_general3A_69 {dimension_numbers = #tpu.dot_dimension_numbers<[1], [1], [0], [0], [0, 0, 1, 0], [], []>, transpose_lhs_hint = false} : vector<1x16xf32>, vector<128x16xf32>, vector<1x128xf32> -> vector<1x128xf32>
    %get3A_71 = arith.constant 0 : index
    %get3A_72 = memref.load %arg2[%get3A_71] : memref<1xf32, #tpu.memory_space<smem>>
    %add3A_73 = vector.broadcast %get3A_72 : f32 to vector<1x128xf32>
    %add3A_74 = arith.addf %dot_general3A_70, %add3A_73 : vector<1x128xf32>
    %squeeze3A_75 = vector.shape_cast %add3A_74 : vector<1x128xf32> to vector<128xf32>
    %swap3A_76 = arith.constant 4 : index
    %swap3A_77 = arith.constant 0 : index
    %swap3A_78 = vector.load %arg3[%swap3A_76, %swap3A_77] : memref<16x128xf32, #tpu.memory_space<vmem>>, vector<1x128xf32>
    %swap3A_79 = vector.shape_cast %swap3A_78 : vector<1x128xf32> to vector<128xf32>
    %swap3A_80 = vector.shape_cast %squeeze3A_75 : vector<128xf32> to vector<1x128xf32>
    tpu.vector_store %arg3[%swap3A_76, %swap3A_77], %swap3A_80 {strides = array<i32>} : memref<16x128xf32, #tpu.memory_space<vmem>>, vector<1x128xf32>,
    %get3A_81 = arith.constant 5 : index
    %get3A_82 = arith.constant 0 : index
    %get3A_83 = arith.constant 0 : index
    %get3A_84 = vector.load %arg1[%get3A_81, %get3A_82, %get3A_83] : memref<16x128x16xf32, #tpu.memory_space<vmem>>, vector<1x128x16xf32>
    %get3A_85 = vector.shape_cast %get3A_84 : vector<1x128x16xf32> to vector<128x16xf32>
    %dot_general3A_86 = arith.constant dense<0.000000e+00> : vector<1x128xf32>
    %dot_general3A_87 = tpu.matmul %broadcast_in_dim3A_0, %get3A_85, %dot_general3A_86 {dimension_numbers = #tpu.dot_dimension_numbers<[1], [1], [0], [0], [0, 0, 1, 0], [], []>, transpose_lhs_hint = false} : vector<1x16xf32>, vector<128x16xf32>, vector<1x128xf32> -> vector<1x128xf32>
    %get3A_88 = arith.constant 0 : index
    %get3A_89 = memref.load %arg2[%get3A_88] : memref<1xf32, #tpu.memory_space<smem>>
    %add3A_90 = vector.broadcast %get3A_89 : f32 to vector<1x128xf32>
    %add3A_91 = arith.addf %dot_general3A_87, %add3A_90 : vector<1x128xf32>
    %squeeze3A_92 = vector.shape_cast %add3A_91 : vector<1x128xf32> to vector<128xf32>
    %swap3A_93 = arith.constant 5 : index
    %swap3A_94 = arith.constant 0 : index
    %swap3A_95 = vector.load %arg3[%swap3A_93, %swap3A_94] : memref<16x128xf32, #tpu.memory_space<vmem>>, vector<1x128xf32>
    %swap3A_96 = vector.shape_cast %swap3A_95 : vector<1x128xf32> to vector<128xf32>
    %swap3A_97 = vector.shape_cast %squeeze3A_92 : vector<128xf32> to vector<1x128xf32>
    tpu.vector_store %arg3[%swap3A_93, %swap3A_94], %swap3A_97 {strides = array<i32>} : memref<16x128xf32, #tpu.memory_space<vmem>>, vector<1x128xf32>,
    %get3A_98 = arith.constant 6 : index
    %get3A_99 = arith.constant 0 : index
    %get3A_100 = arith.constant 0 : index
    %get3A_101 = vector.load %arg1[%get3A_98, %get3A_99, %get3A_100] : memref<16x128x16xf32, #tpu.memory_space<vmem>>, vector<1x128x16xf32>
    %get3A_102 = vector.shape_cast %get3A_101 : vector<1x128x16xf32> to vector<128x16xf32>
    %dot_general3A_103 = arith.constant dense<0.000000e+00> : vector<1x128xf32>
    %dot_general3A_104 = tpu.matmul %broadcast_in_dim3A_0, %get3A_102, %dot_general3A_103 {dimension_numbers = #tpu.dot_dimension_numbers<[1], [1], [0], [0], [0, 0, 1, 0], [], []>, transpose_lhs_hint = false} : vector<1x16xf32>, vector<128x16xf32>, vector<1x128xf32> -> vector<1x128xf32>
    %get3A_105 = arith.constant 0 : index
    %get3A_106 = memref.load %arg2[%get3A_105] : memref<1xf32, #tpu.memory_space<smem>>
    %add3A_107 = vector.broadcast %get3A_106 : f32 to vector<1x128xf32>
    %add3A_108 = arith.addf %dot_general3A_104, %add3A_107 : vector<1x128xf32>
    %squeeze3A_109 = vector.shape_cast %add3A_108 : vector<1x128xf32> to vector<128xf32>
    %swap3A_110 = arith.constant 6 : index
    %swap3A_111 = arith.constant 0 : index
    %swap3A_112 = vector.load %arg3[%swap3A_110, %swap3A_111] : memref<16x128xf32, #tpu.memory_space<vmem>>, vector<1x128xf32>
    %swap3A_113 = vector.shape_cast %swap3A_112 : vector<1x128xf32> to vector<128xf32>
    %swap3A_114 = vector.shape_cast %squeeze3A_109 : vector<128xf32> to vector<1x128xf32>
    tpu.vector_store %arg3[%swap3A_110, %swap3A_111], %swap3A_114 {strides = array<i32>} : memref<16x128xf32, #tpu.memory_space<vmem>>, vector<1x128xf32>,
    %get3A_115 = arith.constant 7 : index
    %get3A_116 = arith.constant 0 : index
    %get3A_117 = arith.constant 0 : index
    %get3A_118 = vector.load %arg1[%get3A_115, %get3A_116, %get3A_117] : memref<16x128x16xf32, #tpu.memory_space<vmem>>, vector<1x128x16xf32>
    %get3A_119 = vector.shape_cast %get3A_118 : vector<1x128x16xf32> to vector<128x16xf32>
    %dot_general3A_120 = arith.constant dense<0.000000e+00> : vector<1x128xf32>
    %dot_general3A_121 = tpu.matmul %broadcast_in_dim3A_0, %get3A_119, %dot_general3A_120 {dimension_numbers = #tpu.dot_dimension_numbers<[1], [1], [0], [0], [0, 0, 1, 0], [], []>, transpose_lhs_hint = false} : vector<1x16xf32>, vector<128x16xf32>, vector<1x128xf32> -> vector<1x128xf32>
    %get3A_122 = arith.constant 0 : index
    %get3A_123 = memref.load %arg2[%get3A_122] : memref<1xf32, #tpu.memory_space<smem>>
    %add3A_124 = vector.broadcast %get3A_123 : f32 to vector<1x128xf32>
    %add3A_125 = arith.addf %dot_general3A_121, %add3A_124 : vector<1x128xf32>
    %squeeze3A_126 = vector.shape_cast %add3A_125 : vector<1x128xf32> to vector<128xf32>
    %swap3A_127 = arith.constant 7 : index
    %swap3A_128 = arith.constant 0 : index
    %swap3A_129 = vector.load %arg3[%swap3A_127, %swap3A_128] : memref<16x128xf32, #tpu.memory_space<vmem>>, vector<1x128xf32>
    %swap3A_130 = vector.shape_cast %swap3A_129 : vector<1x128xf32> to vector<128xf32>
    %swap3A_131 = vector.shape_cast %squeeze3A_126 : vector<128xf32> to vector<1x128xf32>
    tpu.vector_store %arg3[%swap3A_127, %swap3A_128], %swap3A_131 {strides = array<i32>} : memref<16x128xf32, #tpu.memory_space<vmem>>, vector<1x128xf32>,
    %get3A_132 = arith.constant 8 : index
    %get3A_133 = arith.constant 0 : index
    %get3A_134 = arith.constant 0 : index
    %get3A_135 = vector.load %arg1[%get3A_132, %get3A_133, %get3A_134] : memref<16x128x16xf32, #tpu.memory_space<vmem>>, vector<1x128x16xf32>
    %get3A_136 = vector.shape_cast %get3A_135 : vector<1x128x16xf32> to vector<128x16xf32>
    %dot_general3A_137 = arith.constant dense<0.000000e+00> : vector<1x128xf32>
    %dot_general3A_138 = tpu.matmul %broadcast_in_dim3A_0, %get3A_136, %dot_general3A_137 {dimension_numbers = #tpu.dot_dimension_numbers<[1], [1], [0], [0], [0, 0, 1, 0], [], []>, transpose_lhs_hint = false} : vector<1x16xf32>, vector<128x16xf32>, vector<1x128xf32> -> vector<1x128xf32>
    %get3A_139 = arith.constant 0 : index
    %get3A_140 = memref.load %arg2[%get3A_139] : memref<1xf32, #tpu.memory_space<smem>>
    %add3A_141 = vector.broadcast %get3A_140 : f32 to vector<1x128xf32>
    %add3A_142 = arith.addf %dot_general3A_138, %add3A_141 : vector<1x128xf32>
    %squeeze3A_143 = vector.shape_cast %add3A_142 : vector<1x128xf32> to vector<128xf32>
    %swap3A_144 = arith.constant 8 : index
    %swap3A_145 = arith.constant 0 : index
    %swap3A_146 = vector.load %arg3[%swap3A_144, %swap3A_145] : memref<16x128xf32, #tpu.memory_space<vmem>>, vector<1x128xf32>
    %swap3A_147 = vector.shape_cast %swap3A_146 : vector<1x128xf32> to vector<128xf32>
    %swap3A_148 = vector.shape_cast %squeeze3A_143 : vector<128xf32> to vector<1x128xf32>
    tpu.vector_store %arg3[%swap3A_144, %swap3A_145], %swap3A_148 {strides = array<i32>} : memref<16x128xf32, #tpu.memory_space<vmem>>, vector<1x128xf32>,
    %get3A_149 = arith.constant 9 : index
    %get3A_150 = arith.constant 0 : index
    %get3A_151 = arith.constant 0 : index
    %get3A_152 = vector.load %arg1[%get3A_149, %get3A_150, %get3A_151] : memref<16x128x16xf32, #tpu.memory_space<vmem>>, vector<1x128x16xf32>
    %get3A_153 = vector.shape_cast %get3A_152 : vector<1x128x16xf32> to vector<128x16xf32>
    %dot_general3A_154 = arith.constant dense<0.000000e+00> : vector<1x128xf32>
    %dot_general3A_155 = tpu.matmul %broadcast_in_dim3A_0, %get3A_153, %dot_general3A_154 {dimension_numbers = #tpu.dot_dimension_numbers<[1], [1], [0], [0], [0, 0, 1, 0], [], []>, transpose_lhs_hint = false} : vector<1x16xf32>, vector<128x16xf32>, vector<1x128xf32> -> vector<1x128xf32>
    %get3A_156 = arith.constant 0 : index
    %get3A_157 = memref.load %arg2[%get3A_156] : memref<1xf32, #tpu.memory_space<smem>>
    %add3A_158 = vector.broadcast %get3A_157 : f32 to vector<1x128xf32>
    %add3A_159 = arith.addf %dot_general3A_155, %add3A_158 : vector<1x128xf32>
    %squeeze3A_160 = vector.shape_cast %add3A_159 : vector<1x128xf32> to vector<128xf32>
    %swap3A_161 = arith.constant 9 : index
    %swap3A_162 = arith.constant 0 : index
    %swap3A_163 = vector.load %arg3[%swap3A_161, %swap3A_162] : memref<16x128xf32, #tpu.memory_space<vmem>>, vector<1x128xf32>
    %swap3A_164 = vector.shape_cast %swap3A_163 : vector<1x128xf32> to vector<128xf32>
    %swap3A_165 = vector.shape_cast %squeeze3A_160 : vector<128xf32> to vector<1x128xf32>
    tpu.vector_store %arg3[%swap3A_161, %swap3A_162], %swap3A_165 {strides = array<i32>} : memref<16x128xf32, #tpu.memory_space<vmem>>, vector<1x128xf32>,
    %get3A_166 = arith.constant 10 : index
    %get3A_167 = arith.constant 0 : index
    %get3A_168 = arith.constant 0 : index
    %get3A_169 = vector.load %arg1[%get3A_166, %get3A_167, %get3A_168] : memref<16x128x16xf32, #tpu.memory_space<vmem>>, vector<1x128x16xf32>
    %get3A_170 = vector.shape_cast %get3A_169 : vector<1x128x16xf32> to vector<128x16xf32>
    %dot_general3A_171 = arith.constant dense<0.000000e+00> : vector<1x128xf32>
    %dot_general3A_172 = tpu.matmul %broadcast_in_dim3A_0, %get3A_170, %dot_general3A_171 {dimension_numbers = #tpu.dot_dimension_numbers<[1], [1], [0], [0], [0, 0, 1, 0], [], []>, transpose_lhs_hint = false} : vector<1x16xf32>, vector<128x16xf32>, vector<1x128xf32> -> vector<1x128xf32>
    %get3A_173 = arith.constant 0 : index
    %get3A_174 = memref.load %arg2[%get3A_173] : memref<1xf32, #tpu.memory_space<smem>>
    %add3A_175 = vector.broadcast %get3A_174 : f32 to vector<1x128xf32>
    %add3A_176 = arith.addf %dot_general3A_172, %add3A_175 : vector<1x128xf32>
    %squeeze3A_177 = vector.shape_cast %add3A_176 : vector<1x128xf32> to vector<128xf32>
    %swap3A_178 = arith.constant 10 : index
    %swap3A_179 = arith.constant 0 : index
    %swap3A_180 = vector.load %arg3[%swap3A_178, %swap3A_179] : memref<16x128xf32, #tpu.memory_space<vmem>>, vector<1x128xf32>
    %swap3A_181 = vector.shape_cast %swap3A_180 : vector<1x128xf32> to vector<128xf32>
    %swap3A_182 = vector.shape_cast %squeeze3A_177 : vector<128xf32> to vector<1x128xf32>
    tpu.vector_store %arg3[%swap3A_178, %swap3A_179], %swap3A_182 {strides = array<i32>} : memref<16x128xf32, #tpu.memory_space<vmem>>, vector<1x128xf32>,
    %get3A_183 = arith.constant 11 : index
    %get3A_184 = arith.constant 0 : index
    %get3A_185 = arith.constant 0 : index
    %get3A_186 = vector.load %arg1[%get3A_183, %get3A_184, %get3A_185] : memref<16x128x16xf32, #tpu.memory_space<vmem>>, vector<1x128x16xf32>
    %get3A_187 = vector.shape_cast %get3A_186 : vector<1x128x16xf32> to vector<128x16xf32>
    %dot_general3A_188 = arith.constant dense<0.000000e+00> : vector<1x128xf32>
    %dot_general3A_189 = tpu.matmul %broadcast_in_dim3A_0, %get3A_187, %dot_general3A_188 {dimension_numbers = #tpu.dot_dimension_numbers<[1], [1], [0], [0], [0, 0, 1, 0], [], []>, transpose_lhs_hint = false} : vector<1x16xf32>, vector<128x16xf32>, vector<1x128xf32> -> vector<1x128xf32>
    %get3A_190 = arith.constant 0 : index
    %get3A_191 = memref.load %arg2[%get3A_190] : memref<1xf32, #tpu.memory_space<smem>>
    %add3A_192 = vector.broadcast %get3A_191 : f32 to vector<1x128xf32>
    %add3A_193 = arith.addf %dot_general3A_189, %add3A_192 : vector<1x128xf32>
    %squeeze3A_194 = vector.shape_cast %add3A_193 : vector<1x128xf32> to vector<128xf32>
    %swap3A_195 = arith.constant 11 : index
    %swap3A_196 = arith.constant 0 : index
    %swap3A_197 = vector.load %arg3[%swap3A_195, %swap3A_196] : memref<16x128xf32, #tpu.memory_space<vmem>>, vector<1x128xf32>
    %swap3A_198 = vector.shape_cast %swap3A_197 : vector<1x128xf32> to vector<128xf32>
    %swap3A_199 = vector.shape_cast %squeeze3A_194 : vector<128xf32> to vector<1x128xf32>
    tpu.vector_store %arg3[%swap3A_195, %swap3A_196], %swap3A_199 {strides = array<i32>} : memref<16x128xf32, #tpu.memory_space<vmem>>, vector<1x128xf32>,
    %get3A_200 = arith.constant 12 : index
    %get3A_201 = arith.constant 0 : index
    %get3A_202 = arith.constant 0 : index
    %get3A_203 = vector.load %arg1[%get3A_200, %get3A_201, %get3A_202] : memref<16x128x16xf32, #tpu.memory_space<vmem>>, vector<1x128x16xf32>
    %get3A_204 = vector.shape_cast %get3A_203 : vector<1x128x16xf32> to vector<128x16xf32>
    %dot_general3A_205 = arith.constant dense<0.000000e+00> : vector<1x128xf32>
    %dot_general3A_206 = tpu.matmul %broadcast_in_dim3A_0, %get3A_204, %dot_general3A_205 {dimension_numbers = #tpu.dot_dimension_numbers<[1], [1], [0], [0], [0, 0, 1, 0], [], []>, transpose_lhs_hint = false} : vector<1x16xf32>, vector<128x16xf32>, vector<1x128xf32> -> vector<1x128xf32>
    %get3A_207 = arith.constant 0 : index
    %get3A_208 = memref.load %arg2[%get3A_207] : memref<1xf32, #tpu.memory_space<smem>>
    %add3A_209 = vector.broadcast %get3A_208 : f32 to vector<1x128xf32>
    %add3A_210 = arith.addf %dot_general3A_206, %add3A_209 : vector<1x128xf32>
    %squeeze3A_211 = vector.shape_cast %add3A_210 : vector<1x128xf32> to vector<128xf32>
    %swap3A_212 = arith.constant 12 : index
    %swap3A_213 = arith.constant 0 : index
    %swap3A_214 = vector.load %arg3[%swap3A_212, %swap3A_213] : memref<16x128xf32, #tpu.memory_space<vmem>>, vector<1x128xf32>
    %swap3A_215 = vector.shape_cast %swap3A_214 : vector<1x128xf32> to vector<128xf32>
    %swap3A_216 = vector.shape_cast %squeeze3A_211 : vector<128xf32> to vector<1x128xf32>
    tpu.vector_store %arg3[%swap3A_212, %swap3A_213], %swap3A_216 {strides = array<i32>} : memref<16x128xf32, #tpu.memory_space<vmem>>, vector<1x128xf32>,
    %get3A_217 = arith.constant 13 : index
    %get3A_218 = arith.constant 0 : index
    %get3A_219 = arith.constant 0 : index
    %get3A_220 = vector.load %arg1[%get3A_217, %get3A_218, %get3A_219] : memref<16x128x16xf32, #tpu.memory_space<vmem>>, vector<1x128x16xf32>
    %get3A_221 = vector.shape_cast %get3A_220 : vector<1x128x16xf32> to vector<128x16xf32>
    %dot_general3A_222 = arith.constant dense<0.000000e+00> : vector<1x128xf32>
    %dot_general3A_223 = tpu.matmul %broadcast_in_dim3A_0, %get3A_221, %dot_general3A_222 {dimension_numbers = #tpu.dot_dimension_numbers<[1], [1], [0], [0], [0, 0, 1, 0], [], []>, transpose_lhs_hint = false} : vector<1x16xf32>, vector<128x16xf32>, vector<1x128xf32> -> vector<1x128xf32>
    %get3A_224 = arith.constant 0 : index
    %get3A_225 = memref.load %arg2[%get3A_224] : memref<1xf32, #tpu.memory_space<smem>>
    %add3A_226 = vector.broadcast %get3A_225 : f32 to vector<1x128xf32>
    %add3A_227 = arith.addf %dot_general3A_223, %add3A_226 : vector<1x128xf32>
    %squeeze3A_228 = vector.shape_cast %add3A_227 : vector<1x128xf32> to vector<128xf32>
    %swap3A_229 = arith.constant 13 : index
    %swap3A_230 = arith.constant 0 : index
    %swap3A_231 = vector.load %arg3[%swap3A_229, %swap3A_230] : memref<16x128xf32, #tpu.memory_space<vmem>>, vector<1x128xf32>
    %swap3A_232 = vector.shape_cast %swap3A_231 : vector<1x128xf32> to vector<128xf32>
    %swap3A_233 = vector.shape_cast %squeeze3A_228 : vector<128xf32> to vector<1x128xf32>
    tpu.vector_store %arg3[%swap3A_229, %swap3A_230], %swap3A_233 {strides = array<i32>} : memref<16x128xf32, #tpu.memory_space<vmem>>, vector<1x128xf32>,
    %get3A_234 = arith.constant 14 : index
    %get3A_235 = arith.constant 0 : index
    %get3A_236 = arith.constant 0 : index
    %get3A_237 = vector.load %arg1[%get3A_234, %get3A_235, %get3A_236] : memref<16x128x16xf32, #tpu.memory_space<vmem>>, vector<1x128x16xf32>
    %get3A_238 = vector.shape_cast %get3A_237 : vector<1x128x16xf32> to vector<128x16xf32>
    %dot_general3A_239 = arith.constant dense<0.000000e+00> : vector<1x128xf32>
    %dot_general3A_240 = tpu.matmul %broadcast_in_dim3A_0, %get3A_238, %dot_general3A_239 {dimension_numbers = #tpu.dot_dimension_numbers<[1], [1], [0], [0], [0, 0, 1, 0], [], []>, transpose_lhs_hint = false} : vector<1x16xf32>, vector<128x16xf32>, vector<1x128xf32> -> vector<1x128xf32>
    %get3A_241 = arith.constant 0 : index
    %get3A_242 = memref.load %arg2[%get3A_241] : memref<1xf32, #tpu.memory_space<smem>>
    %add3A_243 = vector.broadcast %get3A_242 : f32 to vector<1x128xf32>
    %add3A_244 = arith.addf %dot_general3A_240, %add3A_243 : vector<1x128xf32>
    %squeeze3A_245 = vector.shape_cast %add3A_244 : vector<1x128xf32> to vector<128xf32>
    %swap3A_246 = arith.constant 14 : index
    %swap3A_247 = arith.constant 0 : index
    %swap3A_248 = vector.load %arg3[%swap3A_246, %swap3A_247] : memref<16x128xf32, #tpu.memory_space<vmem>>, vector<1x128xf32>
    %swap3A_249 = vector.shape_cast %swap3A_248 : vector<1x128xf32> to vector<128xf32>
    %swap3A_250 = vector.shape_cast %squeeze3A_245 : vector<128xf32> to vector<1x128xf32>
    tpu.vector_store %arg3[%swap3A_246, %swap3A_247], %swap3A_250 {strides = array<i32>} : memref<16x128xf32, #tpu.memory_space<vmem>>, vector<1x128xf32>,
    %get3A_251 = arith.constant 15 : index
    %get3A_252 = arith.constant 0 : index
    %get3A_253 = arith.constant 0 : index
    %get3A_254 = vector.load %arg1[%get3A_251, %get3A_252, %get3A_253] : memref<16x128x16xf32, #tpu.memory_space<vmem>>, vector<1x128x16xf32>
    %get3A_255 = vector.shape_cast %get3A_254 : vector<1x128x16xf32> to vector<128x16xf32>
    %dot_general3A_256 = arith.constant dense<0.000000e+00> : vector<1x128xf32>
    %dot_general3A_257 = tpu.matmul %broadcast_in_dim3A_0, %get3A_255, %dot_general3A_256 {dimension_numbers = #tpu.dot_dimension_numbers<[1], [1], [0], [0], [0, 0, 1, 0], [], []>, transpose_lhs_hint = false} : vector<1x16xf32>, vector<128x16xf32>, vector<1x128xf32> -> vector<1x128xf32>
    %get3A_258 = arith.constant 0 : index
    %get3A_259 = memref.load %arg2[%get3A_258] : memref<1xf32, #tpu.memory_space<smem>>
    %add3A_260 = vector.broadcast %get3A_259 : f32 to vector<1x128xf32>
    %add3A_261 = arith.addf %dot_general3A_257, %add3A_260 : vector<1x128xf32>
    %squeeze3A_262 = vector.shape_cast %add3A_261 : vector<1x128xf32> to vector<128xf32>
    %swap3A_263 = arith.constant 15 : index
    %swap3A_264 = arith.constant 0 : index
    %swap3A_265 = vector.load %arg3[%swap3A_263, %swap3A_264] : memref<16x128xf32, #tpu.memory_space<vmem>>, vector<1x128xf32>
    %swap3A_266 = vector.shape_cast %swap3A_265 : vector<1x128xf32> to vector<128xf32>
    %swap3A_267 = vector.shape_cast %squeeze3A_262 : vector<128xf32> to vector<1x128xf32>
    tpu.vector_store %arg3[%swap3A_263, %swap3A_264], %swap3A_267 {strides = array<i32>} : memref<16x128xf32, #tpu.memory_space<vmem>>, vector<1x128xf32>,
    return
  }
  func.func @transform_0(%arg0: i32) -> (i32, i32, i32) {
    %c0_i32 = arith.constant 0 : i32
    %c0_i32_0 = arith.constant 0 : i32
    %c0_i32_1 = arith.constant 0 : i32
    return %arg0, %c0_i32, %c0_i32_0 : i32, i32, i32
  }
  func.func @transform_1(%arg0: i32) -> i32 {
    %c0_i32 = arith.constant 0 : i32
    %c0_i32_0 = arith.constant 0 : i32
    return %c0_i32 : i32
  }
  func.func @transform_2(%arg0: i32) -> (i32, i32) {
    %c0_i32 = arith.constant 0 : i32
    %c0_i32_0 = arith.constant 0 : i32
    return %arg0, %c0_i32 : i32, i32
  }
}

</mosaic_0001>

<sc_bundles>
// kernel: kernel.10.cloned.1.call-start
scs
__scs_entry_jumppad:
0x0: {  	(pc) =	sbr.rel $0x88, $3  }
0x1: {  	(tag) =	ssettag $0x0;
	lr =	simm.s32 $0x1  }
0x2: {  	[smem:$0x3F97] =	sst lr;
	_ =	strace $0xD0000000  }
0x3: {  	_ = 	snop  }
0x4: {  	_ = 	snop  }
0x5: {  	_ = 	snop  }
0x6: {  	_ = 	snop  }
0x7: {  	_ = 	snop  }
__scs_overlays_trampoline_lowered:
0x8: {  	[smem:$0x3FA6] =	sst s0  }
0x9: {  	[smem:$0x3FA7] =	sst s1  }
0xa: {  	[smem:$0x3FA8] =	sst s2  }
0xb: {  	[smem:$0x3FA9] =	sst s3  }
0xc: {  	[smem:$0x3FAA] =	sst s4  }
0xd: {  	[smem:$0x3FAB] =	sst s5  }
0xe: {  	[smem:$0x3FAC] =	sst s6  }
0xf: {  	[smem:$0x3FAD] =	sst s7  }
0x10: {  	[smem:$0x3FAE] =	sst s8  }
0x11: {  	[smem:$0x3FAF] =	sst s9;
	s0 =	simm.s32 @!p0 $0x0  }
0x12: {  	s1 =	sld [smem:$0x3F95];
	s0 =	simm.s32 @p0 $0x1  }
0x13: {  	[smem:$0x3FB0] =	sst s0;
	s0 =	simm.s32 @!p1 $0x0  }
0x14: {  	s2 =	sld [smem:$0x3F94];
	s0 =	simm.s32 @p1 $0x1  }
0x15: {  	[smem:$0x3FB1] =	sst s0;
	s0 =	simm.s32 @!p2 $0x0  }
0x16: {  	s3 =	sld [smem:$0x3FDB];
	s0 =	simm.s32 @p2 $0x1  }
0x17: {  	s4 =	simm.s32 $0x1BF5;
	[smem:$0x3FB3] =	sst s0  }
0x18: {  	s0 =	sld [smem:$0x3F96];
	_ =	swait.ge [sflag:s4], $0x0  }
0x19: {  	s7 =	sld [smem:$0x3F97]  }
0x1a: {  	s8 =	sadd.s32 $0xFFFFE003, lr  }
0x1b: {  	s9 =	sadd.s32 $0xFFFFFEF7, lr;
	s5 =	simm.s32 $0xFFFFFFFF;
	p2 =	slt.u32 s8, $0xFFFFF086  }
0x1c: {  	p1 =	slt.u32 s9, $0xF7A;
	s5 =	simm.s32 @!p2 $0x0  }
0x1d: {  	s5 =	simm.s32 @p1 $0x1;
	p0 =	seq.s32 s7, s2  }
0x1e: {  	s7 =	smul.u32 @!p0 $0xF7A, s2;
	p2 =	seq.s32 @!p0 s5, $0x0  }
0x1f: {  	s9 =	smul.u32 $0xF7A, s1;
	s8 =	simm.s32 @!p0 $0x1BF5;
	p2 =	por !p2, p0  }
0x20: {  	[sflag:s8] =	ssyncset.s32 @!p0 $0xFFFFF086;
	s6 =	sadd.s32 @!p0 s3, s7;
	s7 =	simm.s32 @!p0 $0x108  }
0x21: {  	s3 =	sadd.s32 s3, s9;
	s6 =	sadd.s32 @!p0 $0x88, s6;
	s7 =	simm.s32 @p2 $0x1082  }
0x22: {  	[simem:s7], [sflag:s8] =	dma.local @!p0 [hbm:s6], $0xF7A  }
0x23: {  	s9 =	sor.u32 $0xD0000000, s2;
	s6 =	simm.s32 $0x108;
	_ =	swait.ge @!p0 [sflag:s8], $0x0  }
0x24: {  	s3 =	sadd.s32 $0x88, s3;
	s6 =	simm.s32 @!p1 $0x1082;
	[sflag:s4] =	ssyncset.s32 $0xFFFFF086  }
0x25: {  	[simem:s6], [sflag:s4] =	dma.local [hbm:s3], $0xF7A  }
0x26: {  	[smem:$0x3F97] =	sst s1;
	(tag) =	ssettag s2;
	_ =	strace s9  }
0x27: {  	s1 =	sld [smem:$0x3FA7]  }
0x28: {  	s2 =	sld [smem:$0x3FA8]  }
0x29: {  	s4 =	sld [smem:$0x3FAA]  }
0x2a: {  	p0 =	seq.s32 s5, $0x0;
	s5 =	sld [smem:$0x3FAB]  }
0x2b: {  	s6 =	sld [smem:$0x3FAC]  }
0x2c: {  	s7 =	sld [smem:$0x3FAD]  }
0x2d: {  	s3 =	simm.s32 $0x108;
	s8 =	sld [smem:$0x3FAE]  }
0x2e: {  	s3 =	simm.s32 @!p0 $0x1082;
	s9 =	sld [smem:$0x3FAF]  }
0x2f: {  	lr =	sadd.s32 s0, s3;
	s0 =	sld [smem:$0x3FA6]  }
0x30: {  	s3 =	sld [smem:$0x3FA9]  }
0x31: {  	[smem:$0x3FB2] =	sst s10  }
0x32: {  	s10 =	sld [smem:$0x3FB0];
	_ =	sdelay $0x3  }
0x33: {  	p0 =	seq.s32 s10, $0x1;
	s10 =	sld [smem:$0x3FB2];
	_ =	sdelay $0x3  }
0x34: {  	[smem:$0x3FB2] =	sst s10  }
0x35: {  	s10 =	sld [smem:$0x3FB1];
	_ =	sdelay $0x3  }
0x36: {  	p1 =	seq.s32 s10, $0x1;
	s10 =	sld [smem:$0x3FB2];
	_ =	sdelay $0x3  }
0x37: {  	[smem:$0x3FB2] =	sst s10  }
0x38: {  	s10 =	sld [smem:$0x3FB3]  }
0x39: {  	_ = 	snop;
	(pc) =	sbr.ind lr, $3  }
0x3a: {  	_ = 	snop  }
0x3b: {  	_ = 	snop  }
0x3c: {  	p2 =	seq.s32 s10, $0x1;
	s10 =	sld [smem:$0x3FB2]  }
0x3d: {  	_ =	shalt  }
0x3e: {  	_ =	shalt  }
0x3f: {  	_ =	shalt  }
0x40: {  	_ =	shalt  }
0x41: {  	_ =	shalt  }
0x42: {  	_ =	shalt  }
0x43: {  	_ =	shalt  }
0x44: {  	_ =	shalt  }
0x45: {  	_ =	shalt  }
0x46: {  	_ =	shalt  }
0x47: {  	_ =	shalt  }
0x48: {  	_ =	shalt  }
0x49: {  	_ =	shalt  }
0x4a: {  	_ =	shalt  }
0x4b: {  	_ =	shalt  }
0x4c: {  	_ =	shalt  }
0x4d: {  	_ =	shalt  }
0x4e: {  	_ =	shalt  }
0x4f: {  	_ =	shalt  }
0x50: {  	_ =	shalt  }
0x51: {  	_ =	shalt  }
0x52: {  	_ =	shalt  }
0x53: {  	_ =	shalt  }
0x54: {  	_ =	shalt  }
0x55: {  	_ =	shalt  }
0x56: {  	_ =	shalt  }
0x57: {  	_ =	shalt  }
0x58: {  	_ =	shalt  }
0x59: {  	_ =	shalt  }
0x5a: {  	_ =	shalt  }
0x5b: {  	_ =	shalt  }
0x5c: {  	_ =	shalt  }
0x5d: {  	_ =	shalt  }
0x5e: {  	_ =	shalt  }
0x5f: {  	_ =	shalt  }
0x60: {  	_ =	shalt  }
0x61: {  	_ =	shalt  }
0x62: {  	_ =	shalt  }
0x63: {  	_ =	shalt  }
0x64: {  	_ =	shalt  }
0x65: {  	_ =	shalt  }
0x66: {  	_ =	shalt  }
0x67: {  	_ =	shalt  }
0x68: {  	_ =	shalt  }
0x69: {  	_ =	shalt  }
0x6a: {  	_ =	shalt  }
0x6b: {  	_ =	shalt  }
0x6c: {  	_ =	shalt  }
0x6d: {  	_ =	shalt  }
0x6e: {  	_ =	shalt  }
0x6f: {  	_ =	shalt  }
0x70: {  	_ =	shalt  }
0x71: {  	_ =	shalt  }
0x72: {  	_ =	shalt  }
0x73: {  	_ =	shalt  }
0x74: {  	_ =	shalt  }
0x75: {  	_ =	shalt  }
0x76: {  	_ =	shalt  }
0x77: {  	_ =	shalt  }
0x78: {  	_ =	shalt  }
0x79: {  	_ =	shalt  }
0x7a: {  	_ =	shalt  }
0x7b: {  	_ =	shalt  }
0x7c: {  	_ =	shalt  }
0x7d: {  	_ =	shalt  }
0x7e: {  	_ =	shalt  }
0x7f: {  	_ =	shalt  }
0x80: {  	_ =	shalt  }
0x81: {  	_ =	shalt  }
0x82: {  	_ =	shalt  }
0x83: {  	_ =	shalt  }
0x84: {  	_ =	shalt  }
0x85: {  	_ =	shalt  }
0x86: {  	_ =	shalt  }
0x87: {  	_ =	shalt  }
.Lfunc_end0:
.L_simem_size_0:
called_computation_lowered:
.L_overlay_start_0:
0x88: {  	s2 =	sld [smem:$0x3FD9]  }
0x89: {  	s3 =	sld [smem:$0x3FFE];
	_ =	sdelay $0x1  }
0x8a: {  	s1 =	srdreg.scid  }
0x8b: {  	s0 =	sand.u32 $0x1, s1  }
0x8c: {  	s16 =	sshll.u32 s0, $0xA;
	s2 =	sadd.s32 s3, s2  }
0x8d: {  	s2 =	sadd.s32 s2, s16  }
0x8e: {  	[smem:$0x3FBE] =	sst s2  }
0x8f: {  	_ = 	snop  }
0x90: {  	(tm) =	ssettm $0x1  }
0x91: {  	s17 =	sld [smem:$0x3FFB];
	_ =	sdelay $0x3  }
0x92: {  	_ =	strace s17  }
0x93: {  	s2 =	sld [smem:$0x3FFC];
	_ =	sdelay $0x3  }
0x94: {  	_ =	strace s2  }
0x95: {  	s2 =	sld [smem:$0x3FFD];
	_ =	sdelay $0x3  }
0x96: {  	_ =	strace s2  }
0x97: {  	_ =	strace $0x8FFFFFFF  }
0x98: {  	s18 =	sld [smem:$0x3FDB];
	_ =	sdelay $0x1  }
0x99: {  	s19 =	simm.s32 $_scs_section_size  }
0x9a: {  	s4 =	simm.s32 $_size__tile_overlayer_lowered;
	s5 =	simm.s32 $_tile_overlayer_lowered  }
0x9b: {  	s22 =	simm.s32 $0x1BFF;
	s21 =	sshll.u32 s5, $0x1;
	s2 =	sadd.s32 s19, s18  }
0x9c: {  	s6 =	simm.s32 $0x0;
	s20 =	sshll.u32 s4, $0x1;
	s4 =	sadd.s32 s21, s2  }
0x9d: {  	[timem:s6], [sflag:s22] =	dma.local [hbm:s4], s20  }
0x9e: {  	_ =	swait.ge [sflag:s22], s20  }
0x9f: {  	s3 =	ssub.s32 $0x0, s20;
	[sflag:s22] =	ssyncset.done $0x0  }
0xa0: {  	[sflag:s22] =	ssyncadd.s32 s3;
	_ =	sdelay $0x1  }
0xa1: {  	s23 =	simm.s32 $0x1B8B  }
0xa2: {  	_ =	swait.ge [sflag:s23], $0x1  }
0xa3: {  	[sflag:s23] =	ssyncset.done $0x0  }
0xa4: {  	s25 =	simm.s32 $0x1B8E;
	s24 =	sld [smem:$0x3FFE];
	[sflag:s23] =	ssyncadd.s32 $0xFFFFFFFF  }
0xa5: {  	s26 =	simm.s32 $execute0_lowered;
	[smem:$0x3FD2] =	sst s25  }
0xa6: {  	s4 =	sshll.u32 s26, $0x1;
	_ =	strace $0x80000046;
	[dreg:$0x1] =	wrdreg $0xFFFFFFFF  }
0xa7: {  	s28 =	simm.s32 $_size_execute0_lowered;
	s2 =	sadd.s32 s2, s4;
	[dreg:$0x0] =	wrdreg $0x0  }
0xa8: {  	s4 =	sshll.u32 s28, $0x1;
	[dreg:$0x2] =	wrdreg s2  }
0xa9: {  	[dreg:$0x3] =	wrdreg s4  }
0xaa: {  	[dreg:$0x4] =	wrdreg $0xC0  }
0xab: {  	_ =	task [dreg:s6], $0x5FFFF  }
0xac: {  	[dreg:$0x1] =	wrdreg $0xFFFFFFFF  }
0xad: {  	[dreg:$0x0] =	wrdreg $0x60  }
0xae: {  	[dreg:$0x2] =	wrdreg s24  }
0xaf: {  	[dreg:$0x3] =	wrdreg $0x90800  }
0xb0: {  	[dreg:$0x4] =	wrdreg $0x9  }
0xb1: {  	_ =	task.clear_ibuf [dreg:s6], $0x5FFFF;
	_ =	strace $0x90000046  }
0xb2: {  	s29 =	simm.s32 $0x9;
	_ =	strace $0x80000048  }
0xb3: {  	_ =	swait.ge [sflag:s29], $0x1  }
0xb4: {  	[sflag:s29] =	ssyncadd.s32 $0xFFFFFFFF  }
0xb5: {  	_ =	strace $0x90000048  }
0xb6: {  	_ =	sfence  }
0xb7: {  	s30 =	sld [smem:$0x0];
	_ =	sdelay $0x2  }
0xb8: {  	s31 =	sshll.u32 s1, $0xD;
	s1 =	sshrl.u32 s1, $0x2  }
0xb9: {  	s3 =	sand.u32 $0x4000, s31;
	s1 =	sadd.s32 s1, s30  }
0xba: {  	s0 =	sor.u32 s3, s0;
	s1 =	sshll.u32 s1, $0x11  }
0xbb: {  	s0 =	sor.u32 s1, s0  }
0xbc: {  	s0 =	sadd.s32 $0x8F2B, s0  }
0xbd: {  	[sflag:s0] =	ssyncadd.remote.s32 $0x1  }
0xbe: {  	_ =	sfence.sel $0xFFFF  }
0xbf: {  	[dreg:$0x0] =	wrdreg $0xFFFFFFFF;
	(pc) =	sbr.abs _section_cstart, $3  }
0xc0: {  	[dreg:$0x1] =	wrdreg $0xFFFFFFFF  }
0xc1: {  	_ =	task.clear_ibuf [dreg:s6], $0x2FFFF;
	_ =	strace $0x9FFFFFFF  }
0xc2: {  	(tm) =	ssettm $0x7FFFFFFF  }
0xc3: {  	_ =	shalt  }
tec
execute0_lowered:
.L_overlay_start_1:
0x0: {  	(tag) =	ssettag $0x1  }
0x1: {  	s4 =	rddreg [dreg:$0x0]  }
0x2: {  	s1 =	rddreg [dreg:$0x1];
	s3 =	srdreg.scid  }
0x3: {  	s0 =	rddreg [dreg:$0x2];
	s5 =	sand.u32 $0x1, s3  }
0x4: {  	s3 =	stileid.u32;
	s6 =	smul.u32 $0x4F00, s5  }
0x5: {  	s2 =	simm.s32 $0x0;
	s17 =	simm.s32 $0x0;
	s7 =	smul.u32 $0x50000, s3  }
0x6: {  	[smem:$0x7FF] =	sst s2;
	s11 =	sadd.s32 $0xCC00, s4;
	s8 =	smul.u32 $0x14000, s3  }
0x7: {  	_ =	strace $0x80000047;
	s23 =	ssub.s32 $0x2, s5;
	s9 =	smul.u32 $0x140000, s5  }
0x8: {  	s16 =	smul.u32 $0x4F0, s3;
	s24 =	sshrl.u32 s23, $0x1;
	s12 =	sadd.s32 s6, s4  }
0x9: {  	s13 =	ssub.s32 s23, s24;
	s25 =	sshrl.u32 s7, $0x2;
	s26 =	sadd.s32 $0x5000, s8  }
0xa: {  	s10 =	sadd.s32 $0xA000, s8;
	s14 =	sadd.s32 s8, s9;
	s15 =	sadd.s32 $0xF000, s8  }
0xb: {  	s4 =	sadd.s32 s25, s1;
	s5 =	sadd.s32 s26, s1;
	s6 =	sadd.s32 s10, s1  }
0xc: {  	s28 =	sshrl.u32 s14, $0x3;
	s29 =	sadd.s32 s9, s26;
	s7 =	sadd.s32 s15, s1  }
0xd: {  	s10 =	sadd.s32 s9, s10;
	s15 =	sadd.s32 s9, s15;
	s31 =	sadd.s32 s16, s12  }
0xe: {  	s12 =	smax.u32 s13, $0x1;
	s16 =	simm.s32 $0x80;
	s8 =	sadd.s32 s11, s28  }
0xf: {  	s14 =	sshrl.u32 s29, $0x3;
	s10 =	sshrl.u32 s10, $0x3;
	s30 =	sshrl.u32 s15, $0x3  }
0x10: {  	s13 =	sadd.s32 $0x2E00, s31;
	s15 =	simm.s32 $0x1;
	s9 =	sadd.s32 s11, s14  }
0x11: {  	v0 =	vimm.f32 $1.000000000e+00;
	v1 =	vimm.f32 $0.0e+00;
	s10 =	sadd.s32 s11, s10;
	s11 =	sadd.s32 s11, s30;
	s14 =	simm.s32 $0x4080  }
.LBB2_1:
0x12: {  	s18 =	simm.s32 $0x0;
	s19 =	simm.s32 $0x200  }
.LBB2_2:
0x13: {  	p0 =	sne.s32 s19, $0xFE00;
	[tilespmem:s18+$0xF0] =	vst v0  }
0x14: {  	[tilespmem:s18+$0x80] =	vst v0  }
0x15: {  	[tilespmem:s18+$0x90] =	vst v0  }
.Ltmp0:
0x16: {  	[tilespmem:s18+$0xA0] =	vst v0;
	(pc) =	sbr.rel @p0 .LBB2_2-.Ltmp0, $4  }
0x17: {  	[tilespmem:s18+$0xB0] =	vst v0  }
0x18: {  	[tilespmem:s18+$0xC0] =	vst v0  }
0x19: {  	[tilespmem:s18+$0xD0] =	vst v0  }
0x1a: {  	[tilespmem:s18+$0xE0] =	vst v0;
	s18 =	sshra.s32 s19, $0x2;
	s19 =	sadd.s32 $0x200, s19  }
0x1b: {  	[tilespmem:s18+$0xF0] =	vst v0  }
0x1c: {  	[tilespmem:s18+$0x80] =	vst v0  }
0x1d: {  	[tilespmem:s18+$0x90] =	vst v0  }
0x1e: {  	[tilespmem:s18+$0xA0] =	vst v0  }
0x1f: {  	[tilespmem:s18+$0xB0] =	vst v0  }
0x20: {  	[tilespmem:s18+$0xC0] =	vst v0  }
0x21: {  	[tilespmem:s18+$0xD0] =	vst v0  }
0x22: {  	[tilespmem:s18+$0xE0] =	vst v0;
	s18 =	simm.s32 $0x0;
	s19 =	simm.s32 $0x200  }
.LBB2_4:
0x23: {  	p0 =	sne.s32 s19, $0x13E00;
	[tilespmem:s18+$0x40F0] =	vst v1  }
0x24: {  	[tilespmem:s18+$0x4080] =	vst v1  }
0x25: {  	[tilespmem:s18+$0x4090] =	vst v1  }
.Ltmp1:
0x26: {  	[tilespmem:s18+$0x40A0] =	vst v1;
	(pc) =	sbr.rel @p0 .LBB2_4-.Ltmp1, $4  }
0x27: {  	[tilespmem:s18+$0x40B0] =	vst v1  }
0x28: {  	[tilespmem:s18+$0x40C0] =	vst v1  }
0x29: {  	[tilespmem:s18+$0x40D0] =	vst v1  }
0x2a: {  	[tilespmem:s18+$0x40E0] =	vst v1;
	s18 =	sshra.s32 s19, $0x2;
	s19 =	sadd.s32 $0x200, s19  }
0x2b: {  	[tilespmem:s18+$0x40F0] =	vst v1  }
0x2c: {  	[tilespmem:s18+$0x4080] =	vst v1  }
0x2d: {  	[tilespmem:s18+$0x4090] =	vst v1  }
0x2e: {  	[tilespmem:s18+$0x40A0] =	vst v1  }
0x2f: {  	[tilespmem:s18+$0x40B0] =	vst v1  }
0x30: {  	[tilespmem:s18+$0x40C0] =	vst v1  }
0x31: {  	[tilespmem:s18+$0x40D0] =	vst v1  }
0x32: {  	[tilespmem:s18+$0x40E0] =	vst v1  }
0x33: {  	[spmem:s4] =	stream.linear.scatter [tilespmem:s14], [sflag:$0x1], $0x5000, $0x38;
	[tilespmem:$0x1D080] =	vst v63  }
0x34: {  	_ =	swait.ge [sflag:s15], $0x5000  }
0x35: {  	[sflag:s15] =	ssyncset.done $0x0  }
0x36: {  	[sflag:s15] =	ssyncadd.s32 $0xFFFFB000  }
0x37: {  	[spmem:s5] =	stream.linear.scatter [tilespmem:s14], [sflag:$0x1], $0x5000, $0x38;
	[tilespmem:$0x1D080] =	vst v63  }
0x38: {  	_ =	swait.ge [sflag:s15], $0x5000  }
0x39: {  	[sflag:s15] =	ssyncset.done $0x0  }
0x3a: {  	[sflag:s15] =	ssyncadd.s32 $0xFFFFB000  }
0x3b: {  	[spmem:s6] =	stream.linear.scatter [tilespmem:s14], [sflag:$0x1], $0x5000, $0x38;
	[tilespmem:$0x1D080] =	vst v63  }
0x3c: {  	_ =	swait.ge [sflag:s15], $0x5000  }
0x3d: {  	[sflag:s15] =	ssyncset.done $0x0  }
0x3e: {  	[sflag:s15] =	ssyncadd.s32 $0xFFFFB000  }
0x3f: {  	[spmem:s7] =	stream.linear.scatter [tilespmem:s14], [sflag:$0x1], $0x5000, $0x38;
	[tilespmem:$0x1D080] =	vst v63  }
0x40: {  	_ =	swait.ge [sflag:s15], $0x5000  }
0x41: {  	[sflag:s15] =	ssyncset.done $0x0  }
0x42: {  	[sflag:s15] =	ssyncadd.s32 $0xFFFFB000  }
0x43: {  	s31 =	sadd.s32 $0x0, s13;
	[bflag:$0x0] =	sbarrier.arrive $0xFFFF  }
0x44: {  	[tilespmem:s2], [sflag:$0x1] =	stream.linear.gather [hbm4b:s31+s2], $0x80, $0x38;
	[tilespmem:$0x1D080] =	vst v63  }
0x45: {  	_ =	swait.ge [sflag:s15], $0x80  }
0x46: {  	[sflag:s15] =	ssyncset.done $0x0  }
0x47: {  	[sflag:s15] =	ssyncadd.s32 $0xFFFFFF80  }
0x48: {  	[spmem:s1] =	stream.indirect.scatter.add.f32 [tilespmem:s16], [sflag:$0x1], $0x80, s2, s16, $0xb8;
	[tilespmem:$0x1D080] =	vst v63  }
0x49: {  	_ =	swait.ge [sflag:s15], $0x4000  }
0x4a: {  	s18 =	simm.s32 $0x10;
	s19 =	simm.s32 $0x20;
	[sflag:s15] =	ssyncset.done $0x0  }
.LBB2_6:
0x4b: {  	s20 =	sadd.s32 s18, s13  }
0x4c: {  	[sflag:s15] =	ssyncadd.s32 $0xFFFFC000;
	s18 =	smov.u32 s19;
	s21 =	sadd.s32 $0x10, s19  }
0x4d: {  	[tilespmem:s2], [sflag:$0x1] =	stream.linear.gather [hbm4b:s20+s2], $0x80, $0x38;
	[tilespmem:$0x1D080] =	vst v63  }
0x4e: {  	p0 =	sne.s32 s19, $0x4E0;
	_ =	swait.ge [sflag:s15], $0x80  }
.Ltmp2:
0x4f: {  	[sflag:s15] =	ssyncset.done $0x0;
	(pc) =	sbr.rel @p0 .LBB2_6-.Ltmp2, $4  }
0x50: {  	[sflag:s15] =	ssyncadd.s32 $0xFFFFFF80  }
0x51: {  	[spmem:s1] =	stream.indirect.scatter.add.f32 [tilespmem:s16], [sflag:$0x1], $0x80, s2, s16, $0xb8;
	[tilespmem:$0x1D080] =	vst v63  }
0x52: {  	_ =	swait.ge [sflag:s15], $0x4000  }
0x53: {  	s19 =	smov.u32 s21;
	[sflag:s15] =	ssyncset.done $0x0  }
0x54: {  	s18 =	sadd.s32 s18, s13;
	[sflag:s15] =	ssyncadd.s32 $0xFFFFC000  }
0x55: {  	[tilespmem:s2], [sflag:$0x1] =	stream.linear.gather [hbm4b:s18+s2], $0x80, $0x38;
	[tilespmem:$0x1D080] =	vst v63  }
0x56: {  	_ =	swait.ge [sflag:s15], $0x80  }
0x57: {  	[sflag:s15] =	ssyncset.done $0x0  }
0x58: {  	[sflag:s15] =	ssyncadd.s32 $0xFFFFFF80  }
0x59: {  	[spmem:s1] =	stream.indirect.scatter.add.f32 [tilespmem:s16], [sflag:$0x1], $0x80, s2, s16, $0xb8;
	[tilespmem:$0x1D080] =	vst v63  }
0x5a: {  	_ =	swait.ge [sflag:s15], $0x4000  }
0x5b: {  	[sflag:s15] =	ssyncset.done $0x0  }
0x5c: {  	[sflag:s15] =	ssyncadd.s32 $0xFFFFC000  }
0x5d: {  	[bflag:$0x0] =	sbarrier.arrive $0xFFFF  }
0x5e: {  	[tilespmem:s14], [sflag:$0x1] =	stream.linear.gather [spmem:s4], $0x5000, $0x38;
	[tilespmem:$0x1D080] =	vst v63  }
0x5f: {  	_ =	swait.ge [sflag:s15], $0x5000  }
0x60: {  	[sflag:s15] =	ssyncset.done $0x0  }
0x61: {  	[sflag:s15] =	ssyncadd.s32 $0xFFFFB000  }
0x62: {  	[hbm4b:s8+s2] =	stream.linear.scatter [tilespmem:s14], [sflag:$0x1], $0x5000, $0x38;
	[tilespmem:$0x1D080] =	vst v63  }
0x63: {  	_ =	swait.ge [sflag:s15], $0x5000  }
0x64: {  	[sflag:s15] =	ssyncset.done $0x0  }
0x65: {  	[sflag:s15] =	ssyncadd.s32 $0xFFFFB000  }
0x66: {  	[tilespmem:s14], [sflag:$0x1] =	stream.linear.gather [spmem:s5], $0x5000, $0x38;
	[tilespmem:$0x1D080] =	vst v63  }
0x67: {  	_ =	swait.ge [sflag:s15], $0x5000  }
0x68: {  	[sflag:s15] =	ssyncset.done $0x0  }
0x69: {  	[sflag:s15] =	ssyncadd.s32 $0xFFFFB000  }
0x6a: {  	[hbm4b:s9+s2] =	stream.linear.scatter [tilespmem:s14], [sflag:$0x1], $0x5000, $0x38;
	[tilespmem:$0x1D080] =	vst v63  }
0x6b: {  	_ =	swait.ge [sflag:s15], $0x5000  }
0x6c: {  	[sflag:s15] =	ssyncset.done $0x0  }
0x6d: {  	[sflag:s15] =	ssyncadd.s32 $0xFFFFB000  }
0x6e: {  	[tilespmem:s14], [sflag:$0x1] =	stream.linear.gather [spmem:s6], $0x5000, $0x38;
	[tilespmem:$0x1D080] =	vst v63  }
0x6f: {  	_ =	swait.ge [sflag:s15], $0x5000  }
0x70: {  	[sflag:s15] =	ssyncset.done $0x0  }
0x71: {  	[sflag:s15] =	ssyncadd.s32 $0xFFFFB000  }
0x72: {  	[hbm4b:s10+s2] =	stream.linear.scatter [tilespmem:s14], [sflag:$0x1], $0x5000, $0x38;
	[tilespmem:$0x1D080] =	vst v63  }
0x73: {  	_ =	swait.ge [sflag:s15], $0x5000  }
0x74: {  	[sflag:s15] =	ssyncset.done $0x0  }
0x75: {  	[sflag:s15] =	ssyncadd.s32 $0xFFFFB000  }
0x76: {  	[tilespmem:s14], [sflag:$0x1] =	stream.linear.gather [spmem:s7], $0x5000, $0x38;
	[tilespmem:$0x1D080] =	vst v63  }
0x77: {  	s17 =	sadd.s32 $0x1, s17;
	_ =	swait.ge [sflag:s15], $0x5000  }
0x78: {  	p0 =	sne.s32 s17, s12;
	[sflag:s15] =	ssyncset.done $0x0  }
.Ltmp3:
0x79: {  	[sflag:s15] =	ssyncadd.s32 $0xFFFFB000;
	(pc) =	sbr.rel @p0 .LBB2_1-.Ltmp3, $4  }
0x7a: {  	[hbm4b:s11+s2] =	stream.linear.scatter [tilespmem:s14], [sflag:$0x1], $0x5000, $0x38;
	[tilespmem:$0x1D080] =	vst v63  }
0x7b: {  	_ =	swait.ge [sflag:s15], $0x5000  }
0x7c: {  	[sflag:s15] =	ssyncset.done $0x0  }
0x7d: {  	[sflag:s15] =	ssyncadd.s32 $0xFFFFB000  }
0x7e: {  	_ =	sfence.sel $0x180000  }
0x7f: {  	[bflag:$0x0] =	sbarrier.arrive $0xFFFF  }
0x80: {  	p0 =	sne.s32 s3, $0x0;
	_ =	strace $0x90000047  }
0x81: {  	s0 =	sadd.s32 @!p0 $0x100000, s0;
	[bflag:$0x2] =	sbarrier.arrive $0xFFFF  }
0x82: {  	[sflag:s0] =	ssyncadd.tile.s32 @!p0 $0x1;
	_ =	shalt  }
.Lfunc_end2:
_tile_overlayer_lowered:
.L_overlay_start_2:
0x83: {  	(tag) =	ssettag $0x2  }
0x84: {  	s0 =	rddreg [dreg:$0x0];
	s2 =	stileid.u32  }
0x85: {  	s1 =	rddreg [dreg:$0x1];
	p0 =	sne.s32 s2, $0x0  }
0x86: {  	s3 =	rddreg [dreg:$0x2];
	[bflag:$0x3] =	sbarrier.arrive $0xFFFF;
	s2 =	simm.s32 @!p0 $0x1C01  }
0x87: {  	[timem:s3], [sflag:s2] =	dma.local @!p0 [hbm:s0], s1  }
0x88: {  	s0 =	simm.s32 @!p0 $0x1  }
0x89: {  	_ =	swait.ge @!p0 [sflag:s0], s1  }
0x8a: {  	s1 =	ssub.s32 @!p0 $0x0, s1;
	[sflag:s0] =	ssyncset.done @!p0 $0x0  }
0x8b: {  	[sflag:s0] =	ssyncadd.s32 @!p0 s1  }
0x8c: {  	[bflag:$0x3] =	sbarrier.arrive $0xFFFF  }
0x8d: {  	_ =	shalt  }

// kernel: kernel.13.cloned.1.call-start
scs
__scs_entry_jumppad:
0x0: {  	(pc) =	sbr.rel $0x88, $3  }
0x1: {  	(tag) =	ssettag $0x0;
	lr =	simm.s32 $0x1  }
0x2: {  	[smem:$0x3F97] =	sst lr;
	_ =	strace $0xD0000000  }
0x3: {  	_ = 	snop  }
0x4: {  	_ = 	snop  }
0x5: {  	_ = 	snop  }
0x6: {  	_ = 	snop  }
0x7: {  	_ = 	snop  }
__scs_overlays_trampoline_lowered:
0x8: {  	[smem:$0x3FA6] =	sst s0  }
0x9: {  	[smem:$0x3FA7] =	sst s1  }
0xa: {  	[smem:$0x3FA8] =	sst s2  }
0xb: {  	[smem:$0x3FA9] =	sst s3  }
0xc: {  	[smem:$0x3FAA] =	sst s4  }
0xd: {  	[smem:$0x3FAB] =	sst s5  }
0xe: {  	[smem:$0x3FAC] =	sst s6  }
0xf: {  	[smem:$0x3FAD] =	sst s7  }
0x10: {  	[smem:$0x3FAE] =	sst s8  }
0x11: {  	[smem:$0x3FAF] =	sst s9;
	s0 =	simm.s32 @!p0 $0x0  }
0x12: {  	s1 =	sld [smem:$0x3F95];
	s0 =	simm.s32 @p0 $0x1  }
0x13: {  	[smem:$0x3FB0] =	sst s0;
	s0 =	simm.s32 @!p1 $0x0  }
0x14: {  	s2 =	sld [smem:$0x3F94];
	s0 =	simm.s32 @p1 $0x1  }
0x15: {  	[smem:$0x3FB1] =	sst s0;
	s0 =	simm.s32 @!p2 $0x0  }
0x16: {  	s3 =	sld [smem:$0x3FDB];
	s0 =	simm.s32 @p2 $0x1  }
0x17: {  	s4 =	simm.s32 $0x1BF5;
	[smem:$0x3FB3] =	sst s0  }
0x18: {  	s0 =	sld [smem:$0x3F96];
	_ =	swait.ge [sflag:s4], $0x0  }
0x19: {  	s7 =	sld [smem:$0x3F97]  }
0x1a: {  	s8 =	sadd.s32 $0xFFFFE003, lr  }
0x1b: {  	s9 =	sadd.s32 $0xFFFFFEF7, lr;
	s5 =	simm.s32 $0xFFFFFFFF;
	p2 =	slt.u32 s8, $0xFFFFF086  }
0x1c: {  	p1 =	slt.u32 s9, $0xF7A;
	s5 =	simm.s32 @!p2 $0x0  }
0x1d: {  	s5 =	simm.s32 @p1 $0x1;
	p0 =	seq.s32 s7, s2  }
0x1e: {  	s7 =	smul.u32 @!p0 $0xF7A, s2;
	p2 =	seq.s32 @!p0 s5, $0x0  }
0x1f: {  	s9 =	smul.u32 $0xF7A, s1;
	s8 =	simm.s32 @!p0 $0x1BF5;
	p2 =	por !p2, p0  }
0x20: {  	[sflag:s8] =	ssyncset.s32 @!p0 $0xFFFFF086;
	s6 =	sadd.s32 @!p0 s3, s7;
	s7 =	simm.s32 @!p0 $0x108  }
0x21: {  	s3 =	sadd.s32 s3, s9;
	s6 =	sadd.s32 @!p0 $0x88, s6;
	s7 =	simm.s32 @p2 $0x1082  }
0x22: {  	[simem:s7], [sflag:s8] =	dma.local @!p0 [hbm:s6], $0xF7A  }
0x23: {  	s9 =	sor.u32 $0xD0000000, s2;
	s6 =	simm.s32 $0x108;
	_ =	swait.ge @!p0 [sflag:s8], $0x0  }
0x24: {  	s3 =	sadd.s32 $0x88, s3;
	s6 =	simm.s32 @!p1 $0x1082;
	[sflag:s4] =	ssyncset.s32 $0xFFFFF086  }
0x25: {  	[simem:s6], [sflag:s4] =	dma.local [hbm:s3], $0xF7A  }
0x26: {  	[smem:$0x3F97] =	sst s1;
	(tag) =	ssettag s2;
	_ =	strace s9  }
0x27: {  	s1 =	sld [smem:$0x3FA7]  }
0x28: {  	s2 =	sld [smem:$0x3FA8]  }
0x29: {  	s4 =	sld [smem:$0x3FAA]  }
0x2a: {  	p0 =	seq.s32 s5, $0x0;
	s5 =	sld [smem:$0x3FAB]  }
0x2b: {  	s6 =	sld [smem:$0x3FAC]  }
0x2c: {  	s7 =	sld [smem:$0x3FAD]  }
0x2d: {  	s3 =	simm.s32 $0x108;
	s8 =	sld [smem:$0x3FAE]  }
0x2e: {  	s3 =	simm.s32 @!p0 $0x1082;
	s9 =	sld [smem:$0x3FAF]  }
0x2f: {  	lr =	sadd.s32 s0, s3;
	s0 =	sld [smem:$0x3FA6]  }
0x30: {  	s3 =	sld [smem:$0x3FA9]  }
0x31: {  	[smem:$0x3FB2] =	sst s10  }
0x32: {  	s10 =	sld [smem:$0x3FB0];
	_ =	sdelay $0x3  }
0x33: {  	p0 =	seq.s32 s10, $0x1;
	s10 =	sld [smem:$0x3FB2];
	_ =	sdelay $0x3  }
0x34: {  	[smem:$0x3FB2] =	sst s10  }
0x35: {  	s10 =	sld [smem:$0x3FB1];
	_ =	sdelay $0x3  }
0x36: {  	p1 =	seq.s32 s10, $0x1;
	s10 =	sld [smem:$0x3FB2];
	_ =	sdelay $0x3  }
0x37: {  	[smem:$0x3FB2] =	sst s10  }
0x38: {  	s10 =	sld [smem:$0x3FB3]  }
0x39: {  	_ = 	snop;
	(pc) =	sbr.ind lr, $3  }
0x3a: {  	_ = 	snop  }
0x3b: {  	_ = 	snop  }
0x3c: {  	p2 =	seq.s32 s10, $0x1;
	s10 =	sld [smem:$0x3FB2]  }
0x3d: {  	_ =	shalt  }
0x3e: {  	_ =	shalt  }
0x3f: {  	_ =	shalt  }
0x40: {  	_ =	shalt  }
0x41: {  	_ =	shalt  }
0x42: {  	_ =	shalt  }
0x43: {  	_ =	shalt  }
0x44: {  	_ =	shalt  }
0x45: {  	_ =	shalt  }
0x46: {  	_ =	shalt  }
0x47: {  	_ =	shalt  }
0x48: {  	_ =	shalt  }
0x49: {  	_ =	shalt  }
0x4a: {  	_ =	shalt  }
0x4b: {  	_ =	shalt  }
0x4c: {  	_ =	shalt  }
0x4d: {  	_ =	shalt  }
0x4e: {  	_ =	shalt  }
0x4f: {  	_ =	shalt  }
0x50: {  	_ =	shalt  }
0x51: {  	_ =	shalt  }
0x52: {  	_ =	shalt  }
0x53: {  	_ =	shalt  }
0x54: {  	_ =	shalt  }
0x55: {  	_ =	shalt  }
0x56: {  	_ =	shalt  }
0x57: {  	_ =	shalt  }
0x58: {  	_ =	shalt  }
0x59: {  	_ =	shalt  }
0x5a: {  	_ =	shalt  }
0x5b: {  	_ =	shalt  }
0x5c: {  	_ =	shalt  }
0x5d: {  	_ =	shalt  }
0x5e: {  	_ =	shalt  }
0x5f: {  	_ =	shalt  }
0x60: {  	_ =	shalt  }
0x61: {  	_ =	shalt  }
0x62: {  	_ =	shalt  }
0x63: {  	_ =	shalt  }
0x64: {  	_ =	shalt  }
0x65: {  	_ =	shalt  }
0x66: {  	_ =	shalt  }
0x67: {  	_ =	shalt  }
0x68: {  	_ =	shalt  }
0x69: {  	_ =	shalt  }
0x6a: {  	_ =	shalt  }
0x6b: {  	_ =	shalt  }
0x6c: {  	_ =	shalt  }
0x6d: {  	_ =	shalt  }
0x6e: {  	_ =	shalt  }
0x6f: {  	_ =	shalt  }
0x70: {  	_ =	shalt  }
0x71: {  	_ =	shalt  }
0x72: {  	_ =	shalt  }
0x73: {  	_ =	shalt  }
0x74: {  	_ =	shalt  }
0x75: {  	_ =	shalt  }
0x76: {  	_ =	shalt  }
0x77: {  	_ =	shalt  }
0x78: {  	_ =	shalt  }
0x79: {  	_ =	shalt  }
0x7a: {  	_ =	shalt  }
0x7b: {  	_ =	shalt  }
0x7c: {  	_ =	shalt  }
0x7d: {  	_ =	shalt  }
0x7e: {  	_ =	shalt  }
0x7f: {  	_ =	shalt  }
0x80: {  	_ =	shalt  }
0x81: {  	_ =	shalt  }
0x82: {  	_ =	shalt  }
0x83: {  	_ =	shalt  }
0x84: {  	_ =	shalt  }
0x85: {  	_ =	shalt  }
0x86: {  	_ =	shalt  }
0x87: {  	_ =	shalt  }
.Lfunc_end0:
.L_simem_size_0:
called_computation.1_lowered:
.L_overlay_start_0:
0x88: {  	s2 =	sld [smem:$0x3FD9]  }
0x89: {  	s3 =	sld [smem:$0x3FFE];
	_ =	sdelay $0x1  }
0x8a: {  	s1 =	srdreg.scid  }
0x8b: {  	s0 =	sand.u32 $0x1, s1  }
0x8c: {  	s16 =	sshll.u32 s0, $0xA;
	s2 =	sadd.s32 s3, s2  }
0x8d: {  	s2 =	sadd.s32 s2, s16  }
0x8e: {  	[smem:$0x3FBE] =	sst s2  }
0x8f: {  	_ = 	snop  }
0x90: {  	(tm) =	ssettm $0x1  }
0x91: {  	s17 =	sld [smem:$0x3FFB];
	_ =	sdelay $0x3  }
0x92: {  	_ =	strace s17  }
0x93: {  	s2 =	sld [smem:$0x3FFC];
	_ =	sdelay $0x3  }
0x94: {  	_ =	strace s2  }
0x95: {  	s2 =	sld [smem:$0x3FFD];
	_ =	sdelay $0x3  }
0x96: {  	_ =	strace s2  }
0x97: {  	_ =	strace $0x8FFFFFFF  }
0x98: {  	s18 =	sld [smem:$0x3FDB];
	_ =	sdelay $0x1  }
0x99: {  	s19 =	simm.s32 $_scs_section_size  }
0x9a: {  	s4 =	simm.s32 $_size__tile_overlayer_lowered;
	s5 =	simm.s32 $_tile_overlayer_lowered  }
0x9b: {  	s22 =	simm.s32 $0x1BFF;
	s21 =	sshll.u32 s5, $0x1;
	s2 =	sadd.s32 s19, s18  }
0x9c: {  	s6 =	simm.s32 $0x0;
	s20 =	sshll.u32 s4, $0x1;
	s4 =	sadd.s32 s21, s2  }
0x9d: {  	[timem:s6], [sflag:s22] =	dma.local [hbm:s4], s20  }
0x9e: {  	_ =	swait.ge [sflag:s22], s20  }
0x9f: {  	s3 =	ssub.s32 $0x0, s20;
	[sflag:s22] =	ssyncset.done $0x0  }
0xa0: {  	[sflag:s22] =	ssyncadd.s32 s3;
	_ =	sdelay $0x1  }
0xa1: {  	s23 =	simm.s32 $0x1B8B  }
0xa2: {  	_ =	swait.ge [sflag:s23], $0x1  }
0xa3: {  	[sflag:s23] =	ssyncset.done $0x0  }
0xa4: {  	s25 =	simm.s32 $0x1B8E;
	s24 =	sld [smem:$0x3FFE];
	[sflag:s23] =	ssyncadd.s32 $0xFFFFFFFF  }
0xa5: {  	s26 =	simm.s32 $execute0_lowered;
	[smem:$0x3FD2] =	sst s25  }
0xa6: {  	s4 =	sshll.u32 s26, $0x1;
	_ =	strace $0x80000049;
	[dreg:$0x1] =	wrdreg $0xFFFFFFFF  }
0xa7: {  	s28 =	simm.s32 $_size_execute0_lowered;
	s2 =	sadd.s32 s2, s4;
	[dreg:$0x0] =	wrdreg $0x0  }
0xa8: {  	s4 =	sshll.u32 s28, $0x1;
	[dreg:$0x2] =	wrdreg s2  }
0xa9: {  	[dreg:$0x3] =	wrdreg s4  }
0xaa: {  	[dreg:$0x4] =	wrdreg $0xC0  }
0xab: {  	_ =	task [dreg:s6], $0x5FFFF  }
0xac: {  	[dreg:$0x1] =	wrdreg $0xFFFFFFFF  }
0xad: {  	[dreg:$0x0] =	wrdreg $0x60  }
0xae: {  	[dreg:$0x2] =	wrdreg s24  }
0xaf: {  	[dreg:$0x3] =	wrdreg $0x91000  }
0xb0: {  	[dreg:$0x4] =	wrdreg $0x9  }
0xb1: {  	_ =	task.clear_ibuf [dreg:s6], $0x5FFFF;
	_ =	strace $0x90000049  }
0xb2: {  	s29 =	simm.s32 $0x9;
	_ =	strace $0x8000004B  }
0xb3: {  	_ =	swait.ge [sflag:s29], $0x1  }
0xb4: {  	[sflag:s29] =	ssyncadd.s32 $0xFFFFFFFF  }
0xb5: {  	_ =	strace $0x9000004B  }
0xb6: {  	_ =	sfence  }
0xb7: {  	s30 =	sld [smem:$0x0];
	_ =	sdelay $0x2  }
0xb8: {  	s31 =	sshll.u32 s1, $0xD;
	s1 =	sshrl.u32 s1, $0x2  }
0xb9: {  	s3 =	sand.u32 $0x4000, s31;
	s1 =	sadd.s32 s1, s30  }
0xba: {  	s0 =	sor.u32 s3, s0;
	s1 =	sshll.u32 s1, $0x11  }
0xbb: {  	s0 =	sor.u32 s1, s0  }
0xbc: {  	s0 =	sadd.s32 $0x8F2B, s0  }
0xbd: {  	[sflag:s0] =	ssyncadd.remote.s32 $0x1  }
0xbe: {  	_ =	sfence.sel $0xFFFF  }
0xbf: {  	[dreg:$0x0] =	wrdreg $0xFFFFFFFF;
	(pc) =	sbr.abs _section_cstart, $3  }
0xc0: {  	[dreg:$0x1] =	wrdreg $0xFFFFFFFF  }
0xc1: {  	_ =	task.clear_ibuf [dreg:s6], $0x2FFFF;
	_ =	strace $0x9FFFFFFF  }
0xc2: {  	(tm) =	ssettm $0x7FFFFFFF  }
0xc3: {  	_ =	shalt  }
tec
execute0_lowered:
.L_overlay_start_1:
0x0: {  	(tag) =	ssettag $0x1  }
0x1: {  	s5 =	rddreg [dreg:$0x0]  }
0x2: {  	s1 =	rddreg [dreg:$0x1]  }
0x3: {  	s3 =	srdreg.scid;
	s0 =	rddreg [dreg:$0x2];
	s2 =	simm.s32 $0x0  }
0x4: {  	s18 =	simm.s32 $0x80;
	s19 =	simm.s32 $0x100;
	s6 =	sand.u32 $0x1, s3  }
0x5: {  	s20 =	simm.s32 $0x1;
	s3 =	stileid.u32;
	s7 =	smul.u32 $0x4F00, s6  }
0x6: {  	s21 =	simm.s32 $0x0;
	[smem:$0x7FF] =	sst s2;
	s8 =	smul.u32 $0x50000, s3  }
0x7: {  	s4 =	sadd.s32 $0x66A00, s5;
	s12 =	sadd.s32 $0x8EA00, s5;
	s9 =	smul.u32 $0x14000, s3  }
0x8: {  	_ =	strace $0x8000004A;
	s23 =	ssub.s32 $0x2, s6;
	s10 =	smul.u32 $0x140000, s6  }
0x9: {  	s17 =	smul.u32 $0x4F0, s3;
	s24 =	sshrl.u32 s23, $0x1;
	s13 =	sadd.s32 s7, s5  }
0xa: {  	s14 =	ssub.s32 s23, s24;
	s25 =	sshrl.u32 s8, $0x2;
	s26 =	sadd.s32 $0x5000, s9  }
0xb: {  	s11 =	sadd.s32 $0xA000, s9;
	s15 =	sadd.s32 s9, s10;
	s16 =	sadd.s32 $0xF000, s9  }
0xc: {  	s5 =	sadd.s32 s25, s1;
	s6 =	sadd.s32 s26, s1;
	s7 =	sadd.s32 s11, s1  }
0xd: {  	s28 =	sshrl.u32 s15, $0x3;
	s29 =	sadd.s32 s10, s26;
	s8 =	sadd.s32 s16, s1  }
0xe: {  	s11 =	sadd.s32 s10, s11;
	s16 =	sadd.s32 s10, s16;
	s31 =	sadd.s32 s17, s13  }
0xf: {  	s13 =	smax.u32 s14, $0x1;
	s17 =	simm.s32 $0x2;
	s9 =	sadd.s32 s12, s28  }
0x10: {  	s15 =	sshrl.u32 s29, $0x3;
	s11 =	sshrl.u32 s11, $0x3;
	s30 =	sshrl.u32 s16, $0x3  }
0x11: {  	s14 =	sadd.s32 $0x2E00, s31;
	s16 =	simm.s32 $0x4100;
	s10 =	sadd.s32 s12, s15  }
0x12: {  	v0 =	vimm.f32 $0.0e+00;
	s11 =	sadd.s32 s12, s11;
	s12 =	sadd.s32 s12, s30;
	s15 =	sadd.s32 $0x5CC00, s31  }
.LBB2_1:
0x13: {  	s22 =	simm.s32 $0x0;
	s23 =	simm.s32 $0x200  }
.LBB2_2:
0x14: {  	p0 =	sne.s32 s23, $0x13E00;
	[tilespmem:s22+$0x4170] =	vst v0  }
0x15: {  	[tilespmem:s22+$0x4100] =	vst v0  }
0x16: {  	[tilespmem:s22+$0x4110] =	vst v0  }
.Ltmp0:
0x17: {  	[tilespmem:s22+$0x4120] =	vst v0;
	(pc) =	sbr.rel @p0 .LBB2_2-.Ltmp0, $4  }
0x18: {  	[tilespmem:s22+$0x4130] =	vst v0  }
0x19: {  	[tilespmem:s22+$0x4140] =	vst v0  }
0x1a: {  	[tilespmem:s22+$0x4150] =	vst v0  }
0x1b: {  	[tilespmem:s22+$0x4160] =	vst v0;
	s22 =	sshra.s32 s23, $0x2;
	s23 =	sadd.s32 $0x200, s23  }
0x1c: {  	[tilespmem:s22+$0x4170] =	vst v0  }
0x1d: {  	[tilespmem:s22+$0x4100] =	vst v0  }
0x1e: {  	[tilespmem:s22+$0x4110] =	vst v0  }
0x1f: {  	[tilespmem:s22+$0x4120] =	vst v0  }
0x20: {  	[tilespmem:s22+$0x4130] =	vst v0  }
0x21: {  	[tilespmem:s22+$0x4140] =	vst v0  }
0x22: {  	[tilespmem:s22+$0x4150] =	vst v0  }
0x23: {  	[tilespmem:s22+$0x4160] =	vst v0  }
0x24: {  	[spmem:s5] =	stream.linear.scatter [tilespmem:s16], [sflag:$0x2], $0x5000, $0x38;
	[tilespmem:$0x1D100] =	vst v63  }
0x25: {  	_ =	swait.ge [sflag:s17], $0x5000  }
0x26: {  	[sflag:s17] =	ssyncset.done $0x0  }
0x27: {  	[sflag:s17] =	ssyncadd.s32 $0xFFFFB000  }
0x28: {  	[spmem:s6] =	stream.linear.scatter [tilespmem:s16], [sflag:$0x2], $0x5000, $0x38;
	[tilespmem:$0x1D100] =	vst v63  }
0x29: {  	_ =	swait.ge [sflag:s17], $0x5000  }
0x2a: {  	[sflag:s17] =	ssyncset.done $0x0  }
0x2b: {  	[sflag:s17] =	ssyncadd.s32 $0xFFFFB000  }
0x2c: {  	[spmem:s7] =	stream.linear.scatter [tilespmem:s16], [sflag:$0x2], $0x5000, $0x38;
	[tilespmem:$0x1D100] =	vst v63  }
0x2d: {  	_ =	swait.ge [sflag:s17], $0x5000  }
0x2e: {  	[sflag:s17] =	ssyncset.done $0x0  }
0x2f: {  	[sflag:s17] =	ssyncadd.s32 $0xFFFFB000  }
0x30: {  	[spmem:s8] =	stream.linear.scatter [tilespmem:s16], [sflag:$0x2], $0x5000, $0x38;
	[tilespmem:$0x1D100] =	vst v63  }
0x31: {  	_ =	swait.ge [sflag:s17], $0x5000  }
0x32: {  	[sflag:s17] =	ssyncset.done $0x0  }
0x33: {  	[sflag:s17] =	ssyncadd.s32 $0xFFFFB000  }
0x34: {  	s30 =	sadd.s32 $0x0, s15;
	[bflag:$0x0] =	sbarrier.arrive $0xFFFF  }
0x35: {  	[tilespmem:s2], [sflag:$0x2] =	stream.linear.gather [hbm4b:s30+s2], $0x80, $0x38;
	[tilespmem:$0x1D100] =	vst v63  }
0x36: {  	_ =	swait.ge [sflag:s17], $0x80  }
0x37: {  	[sflag:s17] =	ssyncset.done $0x0  }
0x38: {  	s31 =	sadd.s32 $0x0, s14;
	[sflag:s17] =	ssyncadd.s32 $0xFFFFFF80  }
0x39: {  	[tilespmem:s18], [sflag:$0x2] =	stream.linear.gather [hbm4b:s31+s2], $0x80, $0x38;
	[tilespmem:$0x1D100] =	vst v63  }
0x3a: {  	_ =	swait.ge [sflag:s17], $0x80  }
0x3b: {  	[sflag:s17] =	ssyncset.done $0x0  }
0x3c: {  	[sflag:s17] =	ssyncadd.s32 $0xFFFFFF80  }
0x3d: {  	[tilespmem:s19], [sflag:$0x1] =	stream.indirect.gather [hbm4b:s4+s18], $0x80, s2, s18, $0xb8;
	[tilespmem:$0x1D100] =	vst v63  }
0x3e: {  	_ =	swait.ge [sflag:s20], $0x4000  }
0x3f: {  	[sflag:s20] =	ssyncset.done $0x0  }
0x40: {  	[sflag:s20] =	ssyncadd.s32 $0xFFFFC000  }
0x41: {  	[spmem:s1] =	stream.indirect.scatter.add.f32 [tilespmem:s19], [sflag:$0x2], $0x80, s18, s18, $0xb8;
	[tilespmem:$0x1D100] =	vst v63  }
0x42: {  	_ =	swait.ge [sflag:s17], $0x4000  }
0x43: {  	s22 =	simm.s32 $0x10;
	s23 =	simm.s32 $0x20;
	[sflag:s17] =	ssyncset.done $0x0  }
.LBB2_4:
0x44: {  	s24 =	sadd.s32 s22, s15  }
0x45: {  	[sflag:s17] =	ssyncadd.s32 $0xFFFFC000;
	s25 =	smov.u32 s23;
	s26 =	sadd.s32 $0x10, s23  }
0x46: {  	[tilespmem:s2], [sflag:$0x2] =	stream.linear.gather [hbm4b:s24+s2], $0x80, $0x38;
	[tilespmem:$0x1D100] =	vst v63  }
0x47: {  	p0 =	sne.s32 s23, $0x4E0;
	_ =	swait.ge [sflag:s17], $0x80  }
0x48: {  	[sflag:s17] =	ssyncset.done $0x0  }
0x49: {  	s23 =	sadd.s32 s22, s14;
	s22 =	smov.u32 s25;
	[sflag:s17] =	ssyncadd.s32 $0xFFFFFF80  }
0x4a: {  	[tilespmem:s18], [sflag:$0x2] =	stream.linear.gather [hbm4b:s23+s2], $0x80, $0x38;
	[tilespmem:$0x1D100] =	vst v63  }
0x4b: {  	_ =	swait.ge [sflag:s17], $0x80  }
0x4c: {  	[sflag:s17] =	ssyncset.done $0x0  }
0x4d: {  	[sflag:s17] =	ssyncadd.s32 $0xFFFFFF80  }
0x4e: {  	[tilespmem:s19], [sflag:$0x1] =	stream.indirect.gather [hbm4b:s4+s18], $0x80, s2, s18, $0xb8;
	[tilespmem:$0x1D100] =	vst v63  }
0x4f: {  	_ =	swait.ge [sflag:s20], $0x4000  }
.Ltmp1:
0x50: {  	[sflag:s20] =	ssyncset.done $0x0;
	(pc) =	sbr.rel @p0 .LBB2_4-.Ltmp1, $4  }
0x51: {  	[sflag:s20] =	ssyncadd.s32 $0xFFFFC000  }
0x52: {  	[spmem:s1] =	stream.indirect.scatter.add.f32 [tilespmem:s19], [sflag:$0x2], $0x80, s18, s18, $0xb8;
	[tilespmem:$0x1D100] =	vst v63  }
0x53: {  	_ =	swait.ge [sflag:s17], $0x4000  }
0x54: {  	s23 =	smov.u32 s26;
	[sflag:s17] =	ssyncset.done $0x0  }
0x55: {  	s23 =	sadd.s32 s22, s15;
	[sflag:s17] =	ssyncadd.s32 $0xFFFFC000  }
0x56: {  	[tilespmem:s2], [sflag:$0x2] =	stream.linear.gather [hbm4b:s23+s2], $0x80, $0x38;
	[tilespmem:$0x1D100] =	vst v63  }
0x57: {  	_ =	swait.ge [sflag:s17], $0x80  }
0x58: {  	[sflag:s17] =	ssyncset.done $0x0  }
0x59: {  	s31 =	sadd.s32 s22, s14;
	[sflag:s17] =	ssyncadd.s32 $0xFFFFFF80  }
0x5a: {  	[tilespmem:s18], [sflag:$0x2] =	stream.linear.gather [hbm4b:s31+s2], $0x80, $0x38;
	[tilespmem:$0x1D100] =	vst v63  }
0x5b: {  	_ =	swait.ge [sflag:s17], $0x80  }
0x5c: {  	[sflag:s17] =	ssyncset.done $0x0  }
0x5d: {  	[sflag:s17] =	ssyncadd.s32 $0xFFFFFF80  }
0x5e: {  	[tilespmem:s19], [sflag:$0x1] =	stream.indirect.gather [hbm4b:s4+s18], $0x80, s2, s18, $0xb8;
	[tilespmem:$0x1D100] =	vst v63  }
0x5f: {  	_ =	swait.ge [sflag:s20], $0x4000  }
0x60: {  	[sflag:s20] =	ssyncset.done $0x0  }
0x61: {  	[sflag:s20] =	ssyncadd.s32 $0xFFFFC000  }
0x62: {  	[spmem:s1] =	stream.indirect.scatter.add.f32 [tilespmem:s19], [sflag:$0x2], $0x80, s18, s18, $0xb8;
	[tilespmem:$0x1D100] =	vst v63  }
0x63: {  	_ =	swait.ge [sflag:s17], $0x4000  }
0x64: {  	[sflag:s17] =	ssyncset.done $0x0  }
0x65: {  	[sflag:s17] =	ssyncadd.s32 $0xFFFFC000  }
0x66: {  	[bflag:$0x0] =	sbarrier.arrive $0xFFFF  }
0x67: {  	[tilespmem:s16], [sflag:$0x2] =	stream.linear.gather [spmem:s5], $0x5000, $0x38;
	[tilespmem:$0x1D100] =	vst v63  }
0x68: {  	_ =	swait.ge [sflag:s17], $0x5000  }
0x69: {  	[sflag:s17] =	ssyncset.done $0x0  }
0x6a: {  	[sflag:s17] =	ssyncadd.s32 $0xFFFFB000  }
0x6b: {  	[hbm4b:s9+s2] =	stream.linear.scatter [tilespmem:s16], [sflag:$0x2], $0x5000, $0x38;
	[tilespmem:$0x1D100] =	vst v63  }
0x6c: {  	_ =	swait.ge [sflag:s17], $0x5000  }
0x6d: {  	[sflag:s17] =	ssyncset.done $0x0  }
0x6e: {  	[sflag:s17] =	ssyncadd.s32 $0xFFFFB000  }
0x6f: {  	[tilespmem:s16], [sflag:$0x2] =	stream.linear.gather [spmem:s6], $0x5000, $0x38;
	[tilespmem:$0x1D100] =	vst v63  }
0x70: {  	_ =	swait.ge [sflag:s17], $0x5000  }
0x71: {  	[sflag:s17] =	ssyncset.done $0x0  }
0x72: {  	[sflag:s17] =	ssyncadd.s32 $0xFFFFB000  }
0x73: {  	[hbm4b:s10+s2] =	stream.linear.scatter [tilespmem:s16], [sflag:$0x2], $0x5000, $0x38;
	[tilespmem:$0x1D100] =	vst v63  }
0x74: {  	_ =	swait.ge [sflag:s17], $0x5000  }
0x75: {  	[sflag:s17] =	ssyncset.done $0x0  }
0x76: {  	[sflag:s17] =	ssyncadd.s32 $0xFFFFB000  }
0x77: {  	[tilespmem:s16], [sflag:$0x2] =	stream.linear.gather [spmem:s7], $0x5000, $0x38;
	[tilespmem:$0x1D100] =	vst v63  }
0x78: {  	_ =	swait.ge [sflag:s17], $0x5000  }
0x79: {  	[sflag:s17] =	ssyncset.done $0x0  }
0x7a: {  	[sflag:s17] =	ssyncadd.s32 $0xFFFFB000  }
0x7b: {  	[hbm4b:s11+s2] =	stream.linear.scatter [tilespmem:s16], [sflag:$0x2], $0x5000, $0x38;
	[tilespmem:$0x1D100] =	vst v63  }
0x7c: {  	_ =	swait.ge [sflag:s17], $0x5000  }
0x7d: {  	[sflag:s17] =	ssyncset.done $0x0  }
0x7e: {  	[sflag:s17] =	ssyncadd.s32 $0xFFFFB000  }
0x7f: {  	[tilespmem:s16], [sflag:$0x2] =	stream.linear.gather [spmem:s8], $0x5000, $0x38;
	[tilespmem:$0x1D100] =	vst v63  }
0x80: {  	s21 =	sadd.s32 $0x1, s21;
	_ =	swait.ge [sflag:s17], $0x5000  }
0x81: {  	p0 =	sne.s32 s21, s13;
	[sflag:s17] =	ssyncset.done $0x0  }
.Ltmp2:
0x82: {  	[sflag:s17] =	ssyncadd.s32 $0xFFFFB000;
	(pc) =	sbr.rel @p0 .LBB2_1-.Ltmp2, $4  }
0x83: {  	[hbm4b:s12+s2] =	stream.linear.scatter [tilespmem:s16], [sflag:$0x2], $0x5000, $0x38;
	[tilespmem:$0x1D100] =	vst v63  }
0x84: {  	_ =	swait.ge [sflag:s17], $0x5000  }
0x85: {  	[sflag:s17] =	ssyncset.done $0x0  }
0x86: {  	[sflag:s17] =	ssyncadd.s32 $0xFFFFB000  }
0x87: {  	_ =	sfence.sel $0x180000  }
0x88: {  	[bflag:$0x0] =	sbarrier.arrive $0xFFFF  }
0x89: {  	p0 =	sne.s32 s3, $0x0;
	_ =	strace $0x9000004A  }
0x8a: {  	s0 =	sadd.s32 @!p0 $0x100000, s0;
	[bflag:$0x2] =	sbarrier.arrive $0xFFFF  }
0x8b: {  	[sflag:s0] =	ssyncadd.tile.s32 @!p0 $0x1;
	_ =	shalt  }
.Lfunc_end2:
_tile_overlayer_lowered:
.L_overlay_start_2:
0x8c: {  	(tag) =	ssettag $0x2  }
0x8d: {  	s0 =	rddreg [dreg:$0x0];
	s2 =	stileid.u32  }
0x8e: {  	s1 =	rddreg [dreg:$0x1];
	p0 =	sne.s32 s2, $0x0  }
0x8f: {  	s3 =	rddreg [dreg:$0x2];
	[bflag:$0x3] =	sbarrier.arrive $0xFFFF;
	s2 =	simm.s32 @!p0 $0x1C02  }
0x90: {  	[timem:s3], [sflag:s2] =	dma.local @!p0 [hbm:s0], s1  }
0x91: {  	s0 =	simm.s32 @!p0 $0x2  }
0x92: {  	_ =	swait.ge @!p0 [sflag:s0], s1  }
0x93: {  	s1 =	ssub.s32 @!p0 $0x0, s1;
	[sflag:s0] =	ssyncset.done @!p0 $0x0  }
0x94: {  	[sflag:s0] =	ssyncadd.s32 @!p0 s1  }
0x95: {  	[bflag:$0x3] =	sbarrier.arrive $0xFFFF  }
0x96: {  	_ =	shalt  }

// kernel: kernel.16.cloned.1.call-start
scs
__scs_entry_jumppad:
0x0: {  	(pc) =	sbr.rel $0x88, $3  }
0x1: {  	(tag) =	ssettag $0x0;
	lr =	simm.s32 $0x1  }
0x2: {  	[smem:$0x3F97] =	sst lr;
	_ =	strace $0xD0000000  }
0x3: {  	_ = 	snop  }
0x4: {  	_ = 	snop  }
0x5: {  	_ = 	snop  }
0x6: {  	_ = 	snop  }
0x7: {  	_ = 	snop  }
__scs_overlays_trampoline_lowered:
0x8: {  	[smem:$0x3FA6] =	sst s0  }
0x9: {  	[smem:$0x3FA7] =	sst s1  }
0xa: {  	[smem:$0x3FA8] =	sst s2  }
0xb: {  	[smem:$0x3FA9] =	sst s3  }
0xc: {  	[smem:$0x3FAA] =	sst s4  }
0xd: {  	[smem:$0x3FAB] =	sst s5  }
0xe: {  	[smem:$0x3FAC] =	sst s6  }
0xf: {  	[smem:$0x3FAD] =	sst s7  }
0x10: {  	[smem:$0x3FAE] =	sst s8  }
0x11: {  	[smem:$0x3FAF] =	sst s9;
	s0 =	simm.s32 @!p0 $0x0  }
0x12: {  	s1 =	sld [smem:$0x3F95];
	s0 =	simm.s32 @p0 $0x1  }
0x13: {  	[smem:$0x3FB0] =	sst s0;
	s0 =	simm.s32 @!p1 $0x0  }
0x14: {  	s2 =	sld [smem:$0x3F94];
	s0 =	simm.s32 @p1 $0x1  }
0x15: {  	[smem:$0x3FB1] =	sst s0;
	s0 =	simm.s32 @!p2 $0x0  }
0x16: {  	s3 =	sld [smem:$0x3FDB];
	s0 =	simm.s32 @p2 $0x1  }
0x17: {  	s4 =	simm.s32 $0x1BF5;
	[smem:$0x3FB3] =	sst s0  }
0x18: {  	s0 =	sld [smem:$0x3F96];
	_ =	swait.ge [sflag:s4], $0x0  }
0x19: {  	s7 =	sld [smem:$0x3F97]  }
0x1a: {  	s8 =	sadd.s32 $0xFFFFE003, lr  }
0x1b: {  	s9 =	sadd.s32 $0xFFFFFEF7, lr;
	s5 =	simm.s32 $0xFFFFFFFF;
	p2 =	slt.u32 s8, $0xFFFFF086  }
0x1c: {  	p1 =	slt.u32 s9, $0xF7A;
	s5 =	simm.s32 @!p2 $0x0  }
0x1d: {  	s5 =	simm.s32 @p1 $0x1;
	p0 =	seq.s32 s7, s2  }
0x1e: {  	s7 =	smul.u32 @!p0 $0xF7A, s2;
	p2 =	seq.s32 @!p0 s5, $0x0  }
0x1f: {  	s9 =	smul.u32 $0xF7A, s1;
	s8 =	simm.s32 @!p0 $0x1BF5;
	p2 =	por !p2, p0  }
0x20: {  	[sflag:s8] =	ssyncset.s32 @!p0 $0xFFFFF086;
	s6 =	sadd.s32 @!p0 s3, s7;
	s7 =	simm.s32 @!p0 $0x108  }
0x21: {  	s3 =	sadd.s32 s3, s9;
	s6 =	sadd.s32 @!p0 $0x88, s6;
	s7 =	simm.s32 @p2 $0x1082  }
0x22: {  	[simem:s7], [sflag:s8] =	dma.local @!p0 [hbm:s6], $0xF7A  }
0x23: {  	s9 =	sor.u32 $0xD0000000, s2;
	s6 =	simm.s32 $0x108;
	_ =	swait.ge @!p0 [sflag:s8], $0x0  }
0x24: {  	s3 =	sadd.s32 $0x88, s3;
	s6 =	simm.s32 @!p1 $0x1082;
	[sflag:s4] =	ssyncset.s32 $0xFFFFF086  }
0x25: {  	[simem:s6], [sflag:s4] =	dma.local [hbm:s3], $0xF7A  }
0x26: {  	[smem:$0x3F97] =	sst s1;
	(tag) =	ssettag s2;
	_ =	strace s9  }
0x27: {  	s1 =	sld [smem:$0x3FA7]  }
0x28: {  	s2 =	sld [smem:$0x3FA8]  }
0x29: {  	s4 =	sld [smem:$0x3FAA]  }
0x2a: {  	p0 =	seq.s32 s5, $0x0;
	s5 =	sld [smem:$0x3FAB]  }
0x2b: {  	s6 =	sld [smem:$0x3FAC]  }
0x2c: {  	s7 =	sld [smem:$0x3FAD]  }
0x2d: {  	s3 =	simm.s32 $0x108;
	s8 =	sld [smem:$0x3FAE]  }
0x2e: {  	s3 =	simm.s32 @!p0 $0x1082;
	s9 =	sld [smem:$0x3FAF]  }
0x2f: {  	lr =	sadd.s32 s0, s3;
	s0 =	sld [smem:$0x3FA6]  }
0x30: {  	s3 =	sld [smem:$0x3FA9]  }
0x31: {  	[smem:$0x3FB2] =	sst s10  }
0x32: {  	s10 =	sld [smem:$0x3FB0];
	_ =	sdelay $0x3  }
0x33: {  	p0 =	seq.s32 s10, $0x1;
	s10 =	sld [smem:$0x3FB2];
	_ =	sdelay $0x3  }
0x34: {  	[smem:$0x3FB2] =	sst s10  }
0x35: {  	s10 =	sld [smem:$0x3FB1];
	_ =	sdelay $0x3  }
0x36: {  	p1 =	seq.s32 s10, $0x1;
	s10 =	sld [smem:$0x3FB2];
	_ =	sdelay $0x3  }
0x37: {  	[smem:$0x3FB2] =	sst s10  }
0x38: {  	s10 =	sld [smem:$0x3FB3]  }
0x39: {  	_ = 	snop;
	(pc) =	sbr.ind lr, $3  }
0x3a: {  	_ = 	snop  }
0x3b: {  	_ = 	snop  }
0x3c: {  	p2 =	seq.s32 s10, $0x1;
	s10 =	sld [smem:$0x3FB2]  }
0x3d: {  	_ =	shalt  }
0x3e: {  	_ =	shalt  }
0x3f: {  	_ =	shalt  }
0x40: {  	_ =	shalt  }
0x41: {  	_ =	shalt  }
0x42: {  	_ =	shalt  }
0x43: {  	_ =	shalt  }
0x44: {  	_ =	shalt  }
0x45: {  	_ =	shalt  }
0x46: {  	_ =	shalt  }
0x47: {  	_ =	shalt  }
0x48: {  	_ =	shalt  }
0x49: {  	_ =	shalt  }
0x4a: {  	_ =	shalt  }
0x4b: {  	_ =	shalt  }
0x4c: {  	_ =	shalt  }
0x4d: {  	_ =	shalt  }
0x4e: {  	_ =	shalt  }
0x4f: {  	_ =	shalt  }
0x50: {  	_ =	shalt  }
0x51: {  	_ =	shalt  }
0x52: {  	_ =	shalt  }
0x53: {  	_ =	shalt  }
0x54: {  	_ =	shalt  }
0x55: {  	_ =	shalt  }
0x56: {  	_ =	shalt  }
0x57: {  	_ =	shalt  }
0x58: {  	_ =	shalt  }
0x59: {  	_ =	shalt  }
0x5a: {  	_ =	shalt  }
0x5b: {  	_ =	shalt  }
0x5c: {  	_ =	shalt  }
0x5d: {  	_ =	shalt  }
0x5e: {  	_ =	shalt  }
0x5f: {  	_ =	shalt  }
0x60: {  	_ =	shalt  }
0x61: {  	_ =	shalt  }
0x62: {  	_ =	shalt  }
0x63: {  	_ =	shalt  }
0x64: {  	_ =	shalt  }
0x65: {  	_ =	shalt  }
0x66: {  	_ =	shalt  }
0x67: {  	_ =	shalt  }
0x68: {  	_ =	shalt  }
0x69: {  	_ =	shalt  }
0x6a: {  	_ =	shalt  }
0x6b: {  	_ =	shalt  }
0x6c: {  	_ =	shalt  }
0x6d: {  	_ =	shalt  }
0x6e: {  	_ =	shalt  }
0x6f: {  	_ =	shalt  }
0x70: {  	_ =	shalt  }
0x71: {  	_ =	shalt  }
0x72: {  	_ =	shalt  }
0x73: {  	_ =	shalt  }
0x74: {  	_ =	shalt  }
0x75: {  	_ =	shalt  }
0x76: {  	_ =	shalt  }
0x77: {  	_ =	shalt  }
0x78: {  	_ =	shalt  }
0x79: {  	_ =	shalt  }
0x7a: {  	_ =	shalt  }
0x7b: {  	_ =	shalt  }
0x7c: {  	_ =	shalt  }
0x7d: {  	_ =	shalt  }
0x7e: {  	_ =	shalt  }
0x7f: {  	_ =	shalt  }
0x80: {  	_ =	shalt  }
0x81: {  	_ =	shalt  }
0x82: {  	_ =	shalt  }
0x83: {  	_ =	shalt  }
0x84: {  	_ =	shalt  }
0x85: {  	_ =	shalt  }
0x86: {  	_ =	shalt  }
0x87: {  	_ =	shalt  }
.Lfunc_end0:
.L_simem_size_0:
called_computation.2_lowered:
.L_overlay_start_0:
0x88: {  	s2 =	sld [smem:$0x3FD9]  }
0x89: {  	s3 =	sld [smem:$0x3FFE];
	_ =	sdelay $0x1  }
0x8a: {  	s1 =	srdreg.scid  }
0x8b: {  	s0 =	sand.u32 $0x1, s1  }
0x8c: {  	s16 =	sshll.u32 s0, $0xA;
	s2 =	sadd.s32 s3, s2  }
0x8d: {  	s2 =	sadd.s32 s2, s16  }
0x8e: {  	[smem:$0x3FBE] =	sst s2  }
0x8f: {  	_ = 	snop  }
0x90: {  	(tm) =	ssettm $0x1  }
0x91: {  	s17 =	sld [smem:$0x3FFB];
	_ =	sdelay $0x3  }
0x92: {  	_ =	strace s17  }
0x93: {  	s2 =	sld [smem:$0x3FFC];
	_ =	sdelay $0x3  }
0x94: {  	_ =	strace s2  }
0x95: {  	s2 =	sld [smem:$0x3FFD];
	_ =	sdelay $0x3  }
0x96: {  	_ =	strace s2  }
0x97: {  	_ =	strace $0x8FFFFFFF  }
0x98: {  	s18 =	sld [smem:$0x3FDB];
	_ =	sdelay $0x1  }
0x99: {  	s19 =	simm.s32 $_scs_section_size  }
0x9a: {  	s4 =	simm.s32 $_size__tile_overlayer_lowered;
	s5 =	simm.s32 $_tile_overlayer_lowered  }
0x9b: {  	s22 =	simm.s32 $0x1BFF;
	s21 =	sshll.u32 s5, $0x1;
	s2 =	sadd.s32 s19, s18  }
0x9c: {  	s6 =	simm.s32 $0x0;
	s20 =	sshll.u32 s4, $0x1;
	s4 =	sadd.s32 s21, s2  }
0x9d: {  	[timem:s6], [sflag:s22] =	dma.local [hbm:s4], s20  }
0x9e: {  	_ =	swait.ge [sflag:s22], s20  }
0x9f: {  	s3 =	ssub.s32 $0x0, s20;
	[sflag:s22] =	ssyncset.done $0x0  }
0xa0: {  	[sflag:s22] =	ssyncadd.s32 s3;
	_ =	sdelay $0x1  }
0xa1: {  	s23 =	simm.s32 $0x1B8B  }
0xa2: {  	_ =	swait.ge [sflag:s23], $0x1  }
0xa3: {  	[sflag:s23] =	ssyncset.done $0x0  }
0xa4: {  	s25 =	simm.s32 $0x1B8E;
	s24 =	sld [smem:$0x3FFE];
	[sflag:s23] =	ssyncadd.s32 $0xFFFFFFFF  }
0xa5: {  	s26 =	simm.s32 $execute0_lowered;
	[smem:$0x3FD2] =	sst s25  }
0xa6: {  	s4 =	sshll.u32 s26, $0x1;
	_ =	strace $0x8000004C;
	[dreg:$0x1] =	wrdreg $0xFFFFFFFF  }
0xa7: {  	s28 =	simm.s32 $_size_execute0_lowered;
	s2 =	sadd.s32 s2, s4;
	[dreg:$0x0] =	wrdreg $0x0  }
0xa8: {  	s4 =	sshll.u32 s28, $0x1;
	[dreg:$0x2] =	wrdreg s2  }
0xa9: {  	[dreg:$0x3] =	wrdreg s4  }
0xaa: {  	[dreg:$0x4] =	wrdreg $0xC0  }
0xab: {  	_ =	task [dreg:s6], $0x5FFFF  }
0xac: {  	[dreg:$0x1] =	wrdreg $0xFFFFFFFF  }
0xad: {  	[dreg:$0x0] =	wrdreg $0x60  }
0xae: {  	[dreg:$0x2] =	wrdreg s24  }
0xaf: {  	[dreg:$0x3] =	wrdreg $0x91000  }
0xb0: {  	[dreg:$0x4] =	wrdreg $0x9  }
0xb1: {  	_ =	task.clear_ibuf [dreg:s6], $0x5FFFF;
	_ =	strace $0x9000004C  }
0xb2: {  	s29 =	simm.s32 $0x9;
	_ =	strace $0x8000004E  }
0xb3: {  	_ =	swait.ge [sflag:s29], $0x1  }
0xb4: {  	[sflag:s29] =	ssyncadd.s32 $0xFFFFFFFF  }
0xb5: {  	_ =	strace $0x9000004E  }
0xb6: {  	_ =	sfence  }
0xb7: {  	s30 =	sld [smem:$0x0];
	_ =	sdelay $0x2  }
0xb8: {  	s31 =	sshll.u32 s1, $0xD;
	s1 =	sshrl.u32 s1, $0x2  }
0xb9: {  	s3 =	sand.u32 $0x4000, s31;
	s1 =	sadd.s32 s1, s30  }
0xba: {  	s0 =	sor.u32 s3, s0;
	s1 =	sshll.u32 s1, $0x11  }
0xbb: {  	s0 =	sor.u32 s1, s0  }
0xbc: {  	s0 =	sadd.s32 $0x8F2B, s0  }
0xbd: {  	[sflag:s0] =	ssyncadd.remote.s32 $0x1  }
0xbe: {  	_ =	sfence.sel $0xFFFF  }
0xbf: {  	[dreg:$0x0] =	wrdreg $0xFFFFFFFF;
	(pc) =	sbr.abs _section_cstart, $3  }
0xc0: {  	[dreg:$0x1] =	wrdreg $0xFFFFFFFF  }
0xc1: {  	_ =	task.clear_ibuf [dreg:s6], $0x2FFFF;
	_ =	strace $0x9FFFFFFF  }
0xc2: {  	(tm) =	ssettm $0x7FFFFFFF  }
0xc3: {  	_ =	shalt  }
tec
execute0_lowered:
.L_overlay_start_1:
0x0: {  	(tag) =	ssettag $0x1  }
0x1: {  	s5 =	rddreg [dreg:$0x0]  }
0x2: {  	s1 =	rddreg [dreg:$0x1]  }
0x3: {  	s3 =	srdreg.scid;
	s0 =	rddreg [dreg:$0x2];
	s2 =	simm.s32 $0x0  }
0x4: {  	s18 =	simm.s32 $0x80;
	s19 =	simm.s32 $0x100;
	s6 =	sand.u32 $0x1, s3  }
0x5: {  	s20 =	simm.s32 $0x1;
	s3 =	stileid.u32;
	s7 =	smul.u32 $0x4F00, s6  }
0x6: {  	s21 =	simm.s32 $0x0;
	[smem:$0x7FF] =	sst s2;
	s8 =	smul.u32 $0x50000, s3  }
0x7: {  	s4 =	sadd.s32 $0x66A00, s5;
	s12 =	sadd.s32 $0x8EA00, s5;
	s9 =	smul.u32 $0x14000, s3  }
0x8: {  	_ =	strace $0x8000004D;
	s23 =	ssub.s32 $0x2, s6;
	s10 =	smul.u32 $0x140000, s6  }
0x9: {  	s17 =	smul.u32 $0x4F0, s3;
	s24 =	sshrl.u32 s23, $0x1;
	s13 =	sadd.s32 s7, s5  }
0xa: {  	s14 =	ssub.s32 s23, s24;
	s25 =	sshrl.u32 s8, $0x2;
	s26 =	sadd.s32 $0x5000, s9  }
0xb: {  	s11 =	sadd.s32 $0xA000, s9;
	s15 =	sadd.s32 s9, s10;
	s16 =	sadd.s32 $0xF000, s9  }
0xc: {  	s5 =	sadd.s32 s25, s1;
	s6 =	sadd.s32 s26, s1;
	s7 =	sadd.s32 s11, s1  }
0xd: {  	s28 =	sshrl.u32 s15, $0x3;
	s29 =	sadd.s32 s10, s26;
	s8 =	sadd.s32 s16, s1  }
0xe: {  	s11 =	sadd.s32 s10, s11;
	s16 =	sadd.s32 s10, s16;
	s31 =	sadd.s32 s17, s13  }
0xf: {  	s13 =	smax.u32 s14, $0x1;
	s17 =	simm.s32 $0x2;
	s9 =	sadd.s32 s12, s28  }
0x10: {  	s15 =	sshrl.u32 s29, $0x3;
	s11 =	sshrl.u32 s11, $0x3;
	s30 =	sshrl.u32 s16, $0x3  }
0x11: {  	s14 =	sadd.s32 $0x2E00, s31;
	s16 =	simm.s32 $0x4100;
	s10 =	sadd.s32 s12, s15  }
0x12: {  	v0 =	vimm.f32 $0.0e+00;
	s11 =	sadd.s32 s12, s11;
	s12 =	sadd.s32 s12, s30;
	s15 =	sadd.s32 $0x5CC00, s31  }
.LBB2_1:
0x13: {  	s22 =	simm.s32 $0x0;
	s23 =	simm.s32 $0x200  }
.LBB2_2:
0x14: {  	p0 =	sne.s32 s23, $0x13E00;
	[tilespmem:s22+$0x4170] =	vst v0  }
0x15: {  	[tilespmem:s22+$0x4100] =	vst v0  }
0x16: {  	[tilespmem:s22+$0x4110] =	vst v0  }
.Ltmp0:
0x17: {  	[tilespmem:s22+$0x4120] =	vst v0;
	(pc) =	sbr.rel @p0 .LBB2_2-.Ltmp0, $4  }
0x18: {  	[tilespmem:s22+$0x4130] =	vst v0  }
0x19: {  	[tilespmem:s22+$0x4140] =	vst v0  }
0x1a: {  	[tilespmem:s22+$0x4150] =	vst v0  }
0x1b: {  	[tilespmem:s22+$0x4160] =	vst v0;
	s22 =	sshra.s32 s23, $0x2;
	s23 =	sadd.s32 $0x200, s23  }
0x1c: {  	[tilespmem:s22+$0x4170] =	vst v0  }
0x1d: {  	[tilespmem:s22+$0x4100] =	vst v0  }
0x1e: {  	[tilespmem:s22+$0x4110] =	vst v0  }
0x1f: {  	[tilespmem:s22+$0x4120] =	vst v0  }
0x20: {  	[tilespmem:s22+$0x4130] =	vst v0  }
0x21: {  	[tilespmem:s22+$0x4140] =	vst v0  }
0x22: {  	[tilespmem:s22+$0x4150] =	vst v0  }
0x23: {  	[tilespmem:s22+$0x4160] =	vst v0  }
0x24: {  	[spmem:s5] =	stream.linear.scatter [tilespmem:s16], [sflag:$0x2], $0x5000, $0x38;
	[tilespmem:$0x1D100] =	vst v63  }
0x25: {  	_ =	swait.ge [sflag:s17], $0x5000  }
0x26: {  	[sflag:s17] =	ssyncset.done $0x0  }
0x27: {  	[sflag:s17] =	ssyncadd.s32 $0xFFFFB000  }
0x28: {  	[spmem:s6] =	stream.linear.scatter [tilespmem:s16], [sflag:$0x2], $0x5000, $0x38;
	[tilespmem:$0x1D100] =	vst v63  }
0x29: {  	_ =	swait.ge [sflag:s17], $0x5000  }
0x2a: {  	[sflag:s17] =	ssyncset.done $0x0  }
0x2b: {  	[sflag:s17] =	ssyncadd.s32 $0xFFFFB000  }
0x2c: {  	[spmem:s7] =	stream.linear.scatter [tilespmem:s16], [sflag:$0x2], $0x5000, $0x38;
	[tilespmem:$0x1D100] =	vst v63  }
0x2d: {  	_ =	swait.ge [sflag:s17], $0x5000  }
0x2e: {  	[sflag:s17] =	ssyncset.done $0x0  }
0x2f: {  	[sflag:s17] =	ssyncadd.s32 $0xFFFFB000  }
0x30: {  	[spmem:s8] =	stream.linear.scatter [tilespmem:s16], [sflag:$0x2], $0x5000, $0x38;
	[tilespmem:$0x1D100] =	vst v63  }
0x31: {  	_ =	swait.ge [sflag:s17], $0x5000  }
0x32: {  	[sflag:s17] =	ssyncset.done $0x0  }
0x33: {  	[sflag:s17] =	ssyncadd.s32 $0xFFFFB000  }
0x34: {  	s30 =	sadd.s32 $0x0, s15;
	[bflag:$0x0] =	sbarrier.arrive $0xFFFF  }
0x35: {  	[tilespmem:s2], [sflag:$0x2] =	stream.linear.gather [hbm4b:s30+s2], $0x80, $0x38;
	[tilespmem:$0x1D100] =	vst v63  }
0x36: {  	_ =	swait.ge [sflag:s17], $0x80  }
0x37: {  	[sflag:s17] =	ssyncset.done $0x0  }
0x38: {  	s31 =	sadd.s32 $0x0, s14;
	[sflag:s17] =	ssyncadd.s32 $0xFFFFFF80  }
0x39: {  	[tilespmem:s18], [sflag:$0x2] =	stream.linear.gather [hbm4b:s31+s2], $0x80, $0x38;
	[tilespmem:$0x1D100] =	vst v63  }
0x3a: {  	_ =	swait.ge [sflag:s17], $0x80  }
0x3b: {  	[sflag:s17] =	ssyncset.done $0x0  }
0x3c: {  	[sflag:s17] =	ssyncadd.s32 $0xFFFFFF80  }
0x3d: {  	[tilespmem:s19], [sflag:$0x1] =	stream.indirect.gather [hbm4b:s4+s18], $0x80, s2, s18, $0xb8;
	[tilespmem:$0x1D100] =	vst v63  }
0x3e: {  	_ =	swait.ge [sflag:s20], $0x4000  }
0x3f: {  	[sflag:s20] =	ssyncset.done $0x0  }
0x40: {  	[sflag:s20] =	ssyncadd.s32 $0xFFFFC000  }
0x41: {  	[spmem:s1] =	stream.indirect.scatter.add.f32 [tilespmem:s19], [sflag:$0x2], $0x80, s18, s18, $0xb8;
	[tilespmem:$0x1D100] =	vst v63  }
0x42: {  	_ =	swait.ge [sflag:s17], $0x4000  }
0x43: {  	s22 =	simm.s32 $0x10;
	s23 =	simm.s32 $0x20;
	[sflag:s17] =	ssyncset.done $0x0  }
.LBB2_4:
0x44: {  	s24 =	sadd.s32 s22, s15  }
0x45: {  	[sflag:s17] =	ssyncadd.s32 $0xFFFFC000;
	s25 =	smov.u32 s23;
	s26 =	sadd.s32 $0x10, s23  }
0x46: {  	[tilespmem:s2], [sflag:$0x2] =	stream.linear.gather [hbm4b:s24+s2], $0x80, $0x38;
	[tilespmem:$0x1D100] =	vst v63  }
0x47: {  	p0 =	sne.s32 s23, $0x4E0;
	_ =	swait.ge [sflag:s17], $0x80  }
0x48: {  	[sflag:s17] =	ssyncset.done $0x0  }
0x49: {  	s23 =	sadd.s32 s22, s14;
	s22 =	smov.u32 s25;
	[sflag:s17] =	ssyncadd.s32 $0xFFFFFF80  }
0x4a: {  	[tilespmem:s18], [sflag:$0x2] =	stream.linear.gather [hbm4b:s23+s2], $0x80, $0x38;
	[tilespmem:$0x1D100] =	vst v63  }
0x4b: {  	_ =	swait.ge [sflag:s17], $0x80  }
0x4c: {  	[sflag:s17] =	ssyncset.done $0x0  }
0x4d: {  	[sflag:s17] =	ssyncadd.s32 $0xFFFFFF80  }
0x4e: {  	[tilespmem:s19], [sflag:$0x1] =	stream.indirect.gather [hbm4b:s4+s18], $0x80, s2, s18, $0xb8;
	[tilespmem:$0x1D100] =	vst v63  }
0x4f: {  	_ =	swait.ge [sflag:s20], $0x4000  }
.Ltmp1:
0x50: {  	[sflag:s20] =	ssyncset.done $0x0;
	(pc) =	sbr.rel @p0 .LBB2_4-.Ltmp1, $4  }
0x51: {  	[sflag:s20] =	ssyncadd.s32 $0xFFFFC000  }
0x52: {  	[spmem:s1] =	stream.indirect.scatter.add.f32 [tilespmem:s19], [sflag:$0x2], $0x80, s18, s18, $0xb8;
	[tilespmem:$0x1D100] =	vst v63  }
0x53: {  	_ =	swait.ge [sflag:s17], $0x4000  }
0x54: {  	s23 =	smov.u32 s26;
	[sflag:s17] =	ssyncset.done $0x0  }
0x55: {  	s23 =	sadd.s32 s22, s15;
	[sflag:s17] =	ssyncadd.s32 $0xFFFFC000  }
0x56: {  	[tilespmem:s2], [sflag:$0x2] =	stream.linear.gather [hbm4b:s23+s2], $0x80, $0x38;
	[tilespmem:$0x1D100] =	vst v63  }
0x57: {  	_ =	swait.ge [sflag:s17], $0x80  }
0x58: {  	[sflag:s17] =	ssyncset.done $0x0  }
0x59: {  	s31 =	sadd.s32 s22, s14;
	[sflag:s17] =	ssyncadd.s32 $0xFFFFFF80  }
0x5a: {  	[tilespmem:s18], [sflag:$0x2] =	stream.linear.gather [hbm4b:s31+s2], $0x80, $0x38;
	[tilespmem:$0x1D100] =	vst v63  }
0x5b: {  	_ =	swait.ge [sflag:s17], $0x80  }
0x5c: {  	[sflag:s17] =	ssyncset.done $0x0  }
0x5d: {  	[sflag:s17] =	ssyncadd.s32 $0xFFFFFF80  }
0x5e: {  	[tilespmem:s19], [sflag:$0x1] =	stream.indirect.gather [hbm4b:s4+s18], $0x80, s2, s18, $0xb8;
	[tilespmem:$0x1D100] =	vst v63  }
0x5f: {  	_ =	swait.ge [sflag:s20], $0x4000  }
0x60: {  	[sflag:s20] =	ssyncset.done $0x0  }
0x61: {  	[sflag:s20] =	ssyncadd.s32 $0xFFFFC000  }
0x62: {  	[spmem:s1] =	stream.indirect.scatter.add.f32 [tilespmem:s19], [sflag:$0x2], $0x80, s18, s18, $0xb8;
	[tilespmem:$0x1D100] =	vst v63  }
0x63: {  	_ =	swait.ge [sflag:s17], $0x4000  }
0x64: {  	[sflag:s17] =	ssyncset.done $0x0  }
0x65: {  	[sflag:s17] =	ssyncadd.s32 $0xFFFFC000  }
0x66: {  	[bflag:$0x0] =	sbarrier.arrive $0xFFFF  }
0x67: {  	[tilespmem:s16], [sflag:$0x2] =	stream.linear.gather [spmem:s5], $0x5000, $0x38;
	[tilespmem:$0x1D100] =	vst v63  }
0x68: {  	_ =	swait.ge [sflag:s17], $0x5000  }
0x69: {  	[sflag:s17] =	ssyncset.done $0x0  }
0x6a: {  	[sflag:s17] =	ssyncadd.s32 $0xFFFFB000  }
0x6b: {  	[hbm4b:s9+s2] =	stream.linear.scatter [tilespmem:s16], [sflag:$0x2], $0x5000, $0x38;
	[tilespmem:$0x1D100] =	vst v63  }
0x6c: {  	_ =	swait.ge [sflag:s17], $0x5000  }
0x6d: {  	[sflag:s17] =	ssyncset.done $0x0  }
0x6e: {  	[sflag:s17] =	ssyncadd.s32 $0xFFFFB000  }
0x6f: {  	[tilespmem:s16], [sflag:$0x2] =	stream.linear.gather [spmem:s6], $0x5000, $0x38;
	[tilespmem:$0x1D100] =	vst v63  }
0x70: {  	_ =	swait.ge [sflag:s17], $0x5000  }
0x71: {  	[sflag:s17] =	ssyncset.done $0x0  }
0x72: {  	[sflag:s17] =	ssyncadd.s32 $0xFFFFB000  }
0x73: {  	[hbm4b:s10+s2] =	stream.linear.scatter [tilespmem:s16], [sflag:$0x2], $0x5000, $0x38;
	[tilespmem:$0x1D100] =	vst v63  }
0x74: {  	_ =	swait.ge [sflag:s17], $0x5000  }
0x75: {  	[sflag:s17] =	ssyncset.done $0x0  }
0x76: {  	[sflag:s17] =	ssyncadd.s32 $0xFFFFB000  }
0x77: {  	[tilespmem:s16], [sflag:$0x2] =	stream.linear.gather [spmem:s7], $0x5000, $0x38;
	[tilespmem:$0x1D100] =	vst v63  }
0x78: {  	_ =	swait.ge [sflag:s17], $0x5000  }
0x79: {  	[sflag:s17] =	ssyncset.done $0x0  }
0x7a: {  	[sflag:s17] =	ssyncadd.s32 $0xFFFFB000  }
0x7b: {  	[hbm4b:s11+s2] =	stream.linear.scatter [tilespmem:s16], [sflag:$0x2], $0x5000, $0x38;
	[tilespmem:$0x1D100] =	vst v63  }
0x7c: {  	_ =	swait.ge [sflag:s17], $0x5000  }
0x7d: {  	[sflag:s17] =	ssyncset.done $0x0  }
0x7e: {  	[sflag:s17] =	ssyncadd.s32 $0xFFFFB000  }
0x7f: {  	[tilespmem:s16], [sflag:$0x2] =	stream.linear.gather [spmem:s8], $0x5000, $0x38;
	[tilespmem:$0x1D100] =	vst v63  }
0x80: {  	s21 =	sadd.s32 $0x1, s21;
	_ =	swait.ge [sflag:s17], $0x5000  }
0x81: {  	p0 =	sne.s32 s21, s13;
	[sflag:s17] =	ssyncset.done $0x0  }
.Ltmp2:
0x82: {  	[sflag:s17] =	ssyncadd.s32 $0xFFFFB000;
	(pc) =	sbr.rel @p0 .LBB2_1-.Ltmp2, $4  }
0x83: {  	[hbm4b:s12+s2] =	stream.linear.scatter [tilespmem:s16], [sflag:$0x2], $0x5000, $0x38;
	[tilespmem:$0x1D100] =	vst v63  }
0x84: {  	_ =	swait.ge [sflag:s17], $0x5000  }
0x85: {  	[sflag:s17] =	ssyncset.done $0x0  }
0x86: {  	[sflag:s17] =	ssyncadd.s32 $0xFFFFB000  }
0x87: {  	_ =	sfence.sel $0x180000  }
0x88: {  	[bflag:$0x0] =	sbarrier.arrive $0xFFFF  }
0x89: {  	p0 =	sne.s32 s3, $0x0;
	_ =	strace $0x9000004D  }
0x8a: {  	s0 =	sadd.s32 @!p0 $0x100000, s0;
	[bflag:$0x2] =	sbarrier.arrive $0xFFFF  }
0x8b: {  	[sflag:s0] =	ssyncadd.tile.s32 @!p0 $0x1;
	_ =	shalt  }
.Lfunc_end2:
_tile_overlayer_lowered:
.L_overlay_start_2:
0x8c: {  	(tag) =	ssettag $0x2  }
0x8d: {  	s0 =	rddreg [dreg:$0x0];
	s2 =	stileid.u32  }
0x8e: {  	s1 =	rddreg [dreg:$0x1];
	p0 =	sne.s32 s2, $0x0  }
0x8f: {  	s3 =	rddreg [dreg:$0x2];
	[bflag:$0x3] =	sbarrier.arrive $0xFFFF;
	s2 =	simm.s32 @!p0 $0x1C02  }
0x90: {  	[timem:s3], [sflag:s2] =	dma.local @!p0 [hbm:s0], s1  }
0x91: {  	s0 =	simm.s32 @!p0 $0x2  }
0x92: {  	_ =	swait.ge @!p0 [sflag:s0], s1  }
0x93: {  	s1 =	ssub.s32 @!p0 $0x0, s1;
	[sflag:s0] =	ssyncset.done @!p0 $0x0  }
0x94: {  	[sflag:s0] =	ssyncadd.s32 @!p0 s1  }
0x95: {  	[bflag:$0x3] =	sbarrier.arrive $0xFFFF  }
0x96: {  	_ =	shalt  }

// kernel: kernel.19.cloned.1.call-start
scs
__scs_entry_jumppad:
0x0: {  	(pc) =	sbr.rel $0x88, $3  }
0x1: {  	(tag) =	ssettag $0x0;
	lr =	simm.s32 $0x1  }
0x2: {  	[smem:$0x3F97] =	sst lr;
	_ =	strace $0xD0000000  }
0x3: {  	_ = 	snop  }
0x4: {  	_ = 	snop  }
0x5: {  	_ = 	snop  }
0x6: {  	_ = 	snop  }
0x7: {  	_ = 	snop  }
__scs_overlays_trampoline_lowered:
0x8: {  	[smem:$0x3FA6] =	sst s0  }
0x9: {  	[smem:$0x3FA7] =	sst s1  }
0xa: {  	[smem:$0x3FA8] =	sst s2  }
0xb: {  	[smem:$0x3FA9] =	sst s3  }
0xc: {  	[smem:$0x3FAA] =	sst s4  }
0xd: {  	[smem:$0x3FAB] =	sst s5  }
0xe: {  	[smem:$0x3FAC] =	sst s6  }
0xf: {  	[smem:$0x3FAD] =	sst s7  }
0x10: {  	[smem:$0x3FAE] =	sst s8  }
0x11: {  	[smem:$0x3FAF] =	sst s9;
	s0 =	simm.s32 @!p0 $0x0  }
0x12: {  	s1 =	sld [smem:$0x3F95];
	s0 =	simm.s32 @p0 $0x1  }
0x13: {  	[smem:$0x3FB0] =	sst s0;
	s0 =	simm.s32 @!p1 $0x0  }
0x14: {  	s2 =	sld [smem:$0x3F94];
	s0 =	simm.s32 @p1 $0x1  }
0x15: {  	[smem:$0x3FB1] =	sst s0;
	s0 =	simm.s32 @!p2 $0x0  }
0x16: {  	s3 =	sld [smem:$0x3FDB];
	s0 =	simm.s32 @p2 $0x1  }
0x17: {  	s4 =	simm.s32 $0x1BF5;
	[smem:$0x3FB3] =	sst s0  }
0x18: {  	s0 =	sld [smem:$0x3F96];
	_ =	swait.ge [sflag:s4], $0x0  }
0x19: {  	s7 =	sld [smem:$0x3F97]  }
0x1a: {  	s8 =	sadd.s32 $0xFFFFE003, lr  }
0x1b: {  	s9 =	sadd.s32 $0xFFFFFEF7, lr;
	s5 =	simm.s32 $0xFFFFFFFF;
	p2 =	slt.u32 s8, $0xFFFFF086  }
0x1c: {  	p1 =	slt.u32 s9, $0xF7A;
	s5 =	simm.s32 @!p2 $0x0  }
0x1d: {  	s5 =	simm.s32 @p1 $0x1;
	p0 =	seq.s32 s7, s2  }
0x1e: {  	s7 =	smul.u32 @!p0 $0xF7A, s2;
	p2 =	seq.s32 @!p0 s5, $0x0  }
0x1f: {  	s9 =	smul.u32 $0xF7A, s1;
	s8 =	simm.s32 @!p0 $0x1BF5;
	p2 =	por !p2, p0  }
0x20: {  	[sflag:s8] =	ssyncset.s32 @!p0 $0xFFFFF086;
	s6 =	sadd.s32 @!p0 s3, s7;
	s7 =	simm.s32 @!p0 $0x108  }
0x21: {  	s3 =	sadd.s32 s3, s9;
	s6 =	sadd.s32 @!p0 $0x88, s6;
	s7 =	simm.s32 @p2 $0x1082  }
0x22: {  	[simem:s7], [sflag:s8] =	dma.local @!p0 [hbm:s6], $0xF7A  }
0x23: {  	s9 =	sor.u32 $0xD0000000, s2;
	s6 =	simm.s32 $0x108;
	_ =	swait.ge @!p0 [sflag:s8], $0x0  }
0x24: {  	s3 =	sadd.s32 $0x88, s3;
	s6 =	simm.s32 @!p1 $0x1082;
	[sflag:s4] =	ssyncset.s32 $0xFFFFF086  }
0x25: {  	[simem:s6], [sflag:s4] =	dma.local [hbm:s3], $0xF7A  }
0x26: {  	[smem:$0x3F97] =	sst s1;
	(tag) =	ssettag s2;
	_ =	strace s9  }
0x27: {  	s1 =	sld [smem:$0x3FA7]  }
0x28: {  	s2 =	sld [smem:$0x3FA8]  }
0x29: {  	s4 =	sld [smem:$0x3FAA]  }
0x2a: {  	p0 =	seq.s32 s5, $0x0;
	s5 =	sld [smem:$0x3FAB]  }
0x2b: {  	s6 =	sld [smem:$0x3FAC]  }
0x2c: {  	s7 =	sld [smem:$0x3FAD]  }
0x2d: {  	s3 =	simm.s32 $0x108;
	s8 =	sld [smem:$0x3FAE]  }
0x2e: {  	s3 =	simm.s32 @!p0 $0x1082;
	s9 =	sld [smem:$0x3FAF]  }
0x2f: {  	lr =	sadd.s32 s0, s3;
	s0 =	sld [smem:$0x3FA6]  }
0x30: {  	s3 =	sld [smem:$0x3FA9]  }
0x31: {  	[smem:$0x3FB2] =	sst s10  }
0x32: {  	s10 =	sld [smem:$0x3FB0];
	_ =	sdelay $0x3  }
0x33: {  	p0 =	seq.s32 s10, $0x1;
	s10 =	sld [smem:$0x3FB2];
	_ =	sdelay $0x3  }
0x34: {  	[smem:$0x3FB2] =	sst s10  }
0x35: {  	s10 =	sld [smem:$0x3FB1];
	_ =	sdelay $0x3  }
0x36: {  	p1 =	seq.s32 s10, $0x1;
	s10 =	sld [smem:$0x3FB2];
	_ =	sdelay $0x3  }
0x37: {  	[smem:$0x3FB2] =	sst s10  }
0x38: {  	s10 =	sld [smem:$0x3FB3]  }
0x39: {  	_ = 	snop;
	(pc) =	sbr.ind lr, $3  }
0x3a: {  	_ = 	snop  }
0x3b: {  	_ = 	snop  }
0x3c: {  	p2 =	seq.s32 s10, $0x1;
	s10 =	sld [smem:$0x3FB2]  }
0x3d: {  	_ =	shalt  }
0x3e: {  	_ =	shalt  }
0x3f: {  	_ =	shalt  }
0x40: {  	_ =	shalt  }
0x41: {  	_ =	shalt  }
0x42: {  	_ =	shalt  }
0x43: {  	_ =	shalt  }
0x44: {  	_ =	shalt  }
0x45: {  	_ =	shalt  }
0x46: {  	_ =	shalt  }
0x47: {  	_ =	shalt  }
0x48: {  	_ =	shalt  }
0x49: {  	_ =	shalt  }
0x4a: {  	_ =	shalt  }
0x4b: {  	_ =	shalt  }
0x4c: {  	_ =	shalt  }
0x4d: {  	_ =	shalt  }
0x4e: {  	_ =	shalt  }
0x4f: {  	_ =	shalt  }
0x50: {  	_ =	shalt  }
0x51: {  	_ =	shalt  }
0x52: {  	_ =	shalt  }
0x53: {  	_ =	shalt  }
0x54: {  	_ =	shalt  }
0x55: {  	_ =	shalt  }
0x56: {  	_ =	shalt  }
0x57: {  	_ =	shalt  }
0x58: {  	_ =	shalt  }
0x59: {  	_ =	shalt  }
0x5a: {  	_ =	shalt  }
0x5b: {  	_ =	shalt  }
0x5c: {  	_ =	shalt  }
0x5d: {  	_ =	shalt  }
0x5e: {  	_ =	shalt  }
0x5f: {  	_ =	shalt  }
0x60: {  	_ =	shalt  }
0x61: {  	_ =	shalt  }
0x62: {  	_ =	shalt  }
0x63: {  	_ =	shalt  }
0x64: {  	_ =	shalt  }
0x65: {  	_ =	shalt  }
0x66: {  	_ =	shalt  }
0x67: {  	_ =	shalt  }
0x68: {  	_ =	shalt  }
0x69: {  	_ =	shalt  }
0x6a: {  	_ =	shalt  }
0x6b: {  	_ =	shalt  }
0x6c: {  	_ =	shalt  }
0x6d: {  	_ =	shalt  }
0x6e: {  	_ =	shalt  }
0x6f: {  	_ =	shalt  }
0x70: {  	_ =	shalt  }
0x71: {  	_ =	shalt  }
0x72: {  	_ =	shalt  }
0x73: {  	_ =	shalt  }
0x74: {  	_ =	shalt  }
0x75: {  	_ =	shalt  }
0x76: {  	_ =	shalt  }
0x77: {  	_ =	shalt  }
0x78: {  	_ =	shalt  }
0x79: {  	_ =	shalt  }
0x7a: {  	_ =	shalt  }
0x7b: {  	_ =	shalt  }
0x7c: {  	_ =	shalt  }
0x7d: {  	_ =	shalt  }
0x7e: {  	_ =	shalt  }
0x7f: {  	_ =	shalt  }
0x80: {  	_ =	shalt  }
0x81: {  	_ =	shalt  }
0x82: {  	_ =	shalt  }
0x83: {  	_ =	shalt  }
0x84: {  	_ =	shalt  }
0x85: {  	_ =	shalt  }
0x86: {  	_ =	shalt  }
0x87: {  	_ =	shalt  }
.Lfunc_end0:
.L_simem_size_0:
called_computation.3_lowered:
.L_overlay_start_0:
0x88: {  	s2 =	sld [smem:$0x3FD9]  }
0x89: {  	s3 =	sld [smem:$0x3FFE];
	_ =	sdelay $0x1  }
0x8a: {  	s1 =	srdreg.scid  }
0x8b: {  	s0 =	sand.u32 $0x1, s1  }
0x8c: {  	s17 =	sshll.u32 s0, $0xA;
	s2 =	sadd.s32 s3, s2  }
0x8d: {  	s2 =	sadd.s32 s2, s17  }
0x8e: {  	[smem:$0x3FBE] =	sst s2  }
0x8f: {  	_ = 	snop  }
0x90: {  	s2 =	sld [smem:$0x3FC1];
	(tm) =	ssettm $0x1  }
0x91: {  	s18 =	sld [smem:$0x3FFB];
	_ =	sdelay $0x3  }
0x92: {  	_ =	strace s18  }
0x93: {  	s3 =	sld [smem:$0x3FFC];
	_ =	sdelay $0x3  }
0x94: {  	_ =	strace s3  }
0x95: {  	s3 =	sld [smem:$0x3FFD];
	_ =	sdelay $0x3  }
0x96: {  	_ =	strace s3  }
0x97: {  	_ =	strace $0x8FFFFFFF  }
0x98: {  	s19 =	sld [smem:$0x3FDB];
	_ =	sdelay $0x1  }
0x99: {  	s4 =	simm.s32 $_scs_section_size  }
0x9a: {  	s5 =	simm.s32 $_size__tile_overlayer_lowered;
	s6 =	simm.s32 $_tile_overlayer_lowered  }
0x9b: {  	s22 =	simm.s32 $0x1BFF;
	s21 =	sshll.u32 s6, $0x1;
	s3 =	sadd.s32 s4, s19  }
0x9c: {  	s7 =	simm.s32 $0x0;
	s20 =	sshll.u32 s5, $0x1;
	s5 =	sadd.s32 s21, s3  }
0x9d: {  	[timem:s7], [sflag:s22] =	dma.local [hbm:s5], s20  }
0x9e: {  	_ =	swait.ge [sflag:s22], s20  }
0x9f: {  	s4 =	ssub.s32 $0x0, s20;
	[sflag:s22] =	ssyncset.done $0x0  }
0xa0: {  	[sflag:s22] =	ssyncadd.s32 s4;
	_ =	sdelay $0x1  }
0xa1: {  	s23 =	simm.s32 $0x1B8B  }
0xa2: {  	_ =	swait.ge [sflag:s23], $0x1  }
0xa3: {  	[sflag:s23] =	ssyncset.done $0x0  }
0xa4: {  	s25 =	simm.s32 $0x1B8E;
	s24 =	sld [smem:$0x3FFE];
	[sflag:s23] =	ssyncadd.s32 $0xFFFFFFFF  }
0xa5: {  	s26 =	simm.s32 $execute0_lowered;
	[smem:$0x3FD2] =	sst s25  }
0xa6: {  	s5 =	sshll.u32 s26, $0x1;
	_ =	strace $0x8000004F;
	[dreg:$0x1] =	wrdreg $0xFFFFFFFF  }
0xa7: {  	s28 =	simm.s32 $_size_execute0_lowered;
	s3 =	sadd.s32 s3, s5;
	[dreg:$0x0] =	wrdreg $0x0  }
0xa8: {  	s5 =	sshll.u32 s28, $0x1;
	[dreg:$0x2] =	wrdreg s3  }
0xa9: {  	[dreg:$0x3] =	wrdreg s5  }
0xaa: {  	[dreg:$0x4] =	wrdreg $0xC0  }
0xab: {  	_ =	task [dreg:s7], $0x5FFFF  }
0xac: {  	[dreg:$0x1] =	wrdreg $0xFFFFFFFF  }
0xad: {  	[dreg:$0x0] =	wrdreg $0x60  }
0xae: {  	[dreg:$0x2] =	wrdreg s24  }
0xaf: {  	[dreg:$0x3] =	wrdreg s2  }
0xb0: {  	[dreg:$0x4] =	wrdreg $0x9  }
0xb1: {  	_ =	task.clear_ibuf [dreg:s7], $0x5FFFF;
	_ =	strace $0x9000004F  }
0xb2: {  	s29 =	simm.s32 $0x9;
	_ =	strace $0x80000051  }
0xb3: {  	_ =	swait.ge [sflag:s29], $0x1  }
0xb4: {  	[sflag:s29] =	ssyncadd.s32 $0xFFFFFFFF  }
0xb5: {  	_ =	strace $0x90000051  }
0xb6: {  	_ =	sfence  }
0xb7: {  	s30 =	sld [smem:$0x0];
	_ =	sdelay $0x2  }
0xb8: {  	s31 =	sshll.u32 s1, $0xD;
	s1 =	sshrl.u32 s1, $0x2  }
0xb9: {  	s3 =	sand.u32 $0x4000, s31;
	s1 =	sadd.s32 s1, s30  }
0xba: {  	s0 =	sor.u32 s3, s0;
	s1 =	sshll.u32 s1, $0x11  }
0xbb: {  	s0 =	sor.u32 s1, s0  }
0xbc: {  	s0 =	sadd.s32 $0x8F2B, s0  }
0xbd: {  	[sflag:s0] =	ssyncadd.remote.s32 $0x1  }
0xbe: {  	_ =	sfence.sel $0xFFFF  }
0xbf: {  	[dreg:$0x0] =	wrdreg $0xFFFFFFFF;
	(pc) =	sbr.abs _section_cstart, $3  }
0xc0: {  	[dreg:$0x1] =	wrdreg $0xFFFFFFFF  }
0xc1: {  	_ =	task.clear_ibuf [dreg:s7], $0x2FFFF;
	_ =	strace $0x9FFFFFFF  }
0xc2: {  	(tm) =	ssettm $0x7FFFFFFF  }
0xc3: {  	_ =	shalt  }
tec
execute0_lowered:
.L_overlay_start_1:
0x0: {  	(tag) =	ssettag $0x1  }
0x1: {  	s8 =	rddreg [dreg:$0x0]  }
0x2: {  	s1 =	rddreg [dreg:$0x1]  }
0x3: {  	s0 =	rddreg [dreg:$0x2]  }
0x4: {  	s2 =	simm.s32 $0x0;
	s4 =	srdreg.scid;
	s12 =	simm.s32 $0x3  }
0x5: {  	s13 =	simm.s32 $0x80;
	s14 =	simm.s32 $0x100;
	s15 =	simm.s32 $0x4100  }
0x6: {  	s16 =	simm.s32 $0x1;
	s17 =	simm.s32 $0x2;
	s18 =	simm.s32 $0x8100  }
0x7: {  	s19 =	simm.s32 $0x0;
	[smem:$0x7FF] =	sst s2;
	s3 =	sadd.s32 $0xCC00, s8  }
0x8: {  	s7 =	sand.u32 $0x1, s4;
	s5 =	sadd.s32 $0x34C00, s8;
	s6 =	sadd.s32 $0x5CC00, s8  }
0x9: {  	s4 =	stileid.u32;
	_ =	strace $0x80000050;
	s9 =	ssub.s32 $0x2, s7  }
0xa: {  	s11 =	sshll.u32 s7, $0x4;
	s7 =	sadd.s32 $0x2E00, s8;
	s10 =	sshrl.u32 s9, $0x1  }
0xb: {  	s8 =	sadd.s32 $0x66A00, s8;
	s31 =	sor.u32 s4, s11;
	s10 =	ssub.s32 s9, s10  }
0xc: {  	s11 =	simm.s32 $0xC100;
	s9 =	smul.u32 $0x2780, s31;
	s10 =	smax.u32 s10, $0x1  }
.LBB2_1:
0xd: {  	[tilespmem:s11], [sflag:$0x3] =	stream.linear.gather [hbm4b:s1+s2], $0x80, $0x38;
	[tilespmem:$0xC180] =	vst v63  }
0xe: {  	_ =	swait.ge [sflag:s12], $0x80  }
0xf: {  	[sflag:s12] =	ssyncset.done $0x0  }
0x10: {  	s20 =	simm.s32 $0x0;
	[sflag:s12] =	ssyncadd.s32 $0xFFFFFF80  }
.LBB2_2:
0x11: {  	s21 =	sshll.u32 s20, $0x7  }
0x12: {  	s21 =	sadd.s32 s9, s21  }
0x13: {  	s22 =	sshrl.u32 s21, $0x3  }
0x14: {  	s24 =	simm.s32 $0x0;
	s23 =	sadd.s32 s6, s22  }
0x15: {  	[tilespmem:s24], [sflag:$0x3] =	stream.linear.gather [hbm4b:s23+s24], $0x80, $0x38;
	[tilespmem:$0xC180] =	vst v63  }
0x16: {  	_ =	swait.ge [sflag:s12], $0x80  }
0x17: {  	[sflag:s12] =	ssyncset.done $0x0  }
0x18: {  	s22 =	sadd.s32 s7, s22;
	[sflag:s12] =	ssyncadd.s32 $0xFFFFFF80  }
0x19: {  	[tilespmem:s13], [sflag:$0x3] =	stream.linear.gather [hbm4b:s22+s24], $0x80, $0x38;
	[tilespmem:$0xC180] =	vst v63  }
0x1a: {  	_ =	swait.ge [sflag:s12], $0x80  }
0x1b: {  	[sflag:s12] =	ssyncset.done $0x0  }
0x1c: {  	[sflag:s12] =	ssyncadd.s32 $0xFFFFFF80  }
0x1d: {  	[tilespmem:s14], [sflag:$0x1] =	stream.indirect.gather [hbm4b:s3+s13], $0x80, s24, s13, $0xb8;
	[tilespmem:$0xC180] =	vst v63  }
0x1e: {  	_ = 	snop  }
0x1f: {  	[tilespmem:s15], [sflag:$0x2] =	stream.indirect.gather [hbm4b:s5+s13], $0x80, s13, s13, $0xb8;
	[tilespmem:$0xC180] =	vst v63  }
0x20: {  	_ =	swait.ge [sflag:s16], $0x4000  }
0x21: {  	[sflag:s16] =	ssyncset.done $0x0  }
0x22: {  	[sflag:s16] =	ssyncadd.s32 $0xFFFFC000  }
0x23: {  	_ =	swait.ge [sflag:s17], $0x4000  }
0x24: {  	[sflag:s17] =	ssyncset.done $0x0  }
0x25: {  	s22 =	simm.s32 $0x0;
	[sflag:s17] =	ssyncadd.s32 $0xFFFFC000  }
0x26: {  	v3 =	vld [tilespmem:s22+$0x170]  }
0x27: {  	v1 =	vld [tilespmem:s22+$0x160]  }
0x28: {  	v0 =	vld [tilespmem:s22+$0x150]  }
0x29: {  	v2 =	vld [tilespmem:s22+$0x140]  }
0x2a: {  	v4 =	vld [tilespmem:s22+$0x130]  }
0x2b: {  	v5 =	vld [tilespmem:s22+$0x120]  }
0x2c: {  	v6 =	vld [tilespmem:s22+$0x100]  }
0x2d: {  	v7 =	vld [tilespmem:s22+$0x4100]  }
0x2e: {  	v8 =	vld [tilespmem:s22+$0x110]  }
0x2f: {  	v9 =	vld [tilespmem:s22+$0x4110]  }
0x30: {  	v10 =	vld [tilespmem:$0xC100]  }
0x31: {  	v11 =	vld [tilespmem:s22+$0x4120]  }
0x32: {  	v12 =	vld [tilespmem:$0xC110];
	v6 =	vadd.f32 v7, v6  }
0x33: {  	v7 =	vld [tilespmem:s22+$0x4130]  }
0x34: {  	v13 =	vld [tilespmem:$0xC120];
	v8 =	vadd.f32 v9, v8;
	v6 =	vmax.f32 v6, $0.0e+00  }
0x35: {  	v9 =	vld [tilespmem:s22+$0x4140];
	v6 =	vmul.f32 v6, v10  }
0x36: {  	v5 =	vadd.f32 v11, v5;
	v8 =	vmax.f32 v8, $0.0e+00;
	v10 =	vld [tilespmem:$0xC130]  }
0x37: {  	v11 =	vld [tilespmem:s22+$0x4150];
	v8 =	vmul.f32 v8, v12;
	v6 =	vadd.f32 $0.0e+00, v6  }
0x38: {  	v63 =	vld [tilespmem:$0xC140];
	v5 =	vmax.f32 v5, $0.0e+00;
	v4 =	vadd.f32 v7, v4  }
0x39: {  	v5 =	vmul.f32 v5, v13;
	v7 =	vld [tilespmem:s22+$0x4160];
	v6 =	vadd.f32 v8, v6  }
0x3a: {  	v2 =	vadd.f32 v9, v2;
	v8 =	vld [tilespmem:$0xC150];
	v4 =	vmax.f32 v4, $0.0e+00  }
0x3b: {  	v9 =	vld [tilespmem:s22+$0x4170];
	v4 =	vmul.f32 v4, v10;
	v5 =	vadd.f32 v5, v6  }
0x3c: {  	s23 =	simm.s32 $0x80;
	v2 =	vmax.f32 v2, $0.0e+00;
	v10 =	vadd.f32 v11, v0;
	v6 =	vld [tilespmem:$0xC160]  }
0x3d: {  	v0 =	vld [tilespmem:s23+$0x170];
	v2 =	vmul.f32 v2, v63;
	v4 =	vadd.f32 v4, v5  }
0x3e: {  	v11 =	vld [tilespmem:$0xC170];
	v7 =	vadd.f32 v7, v1;
	v5 =	vmax.f32 v10, $0.0e+00  }
0x3f: {  	v1 =	vld [tilespmem:s23+$0x160];
	v5 =	vmul.f32 v5, v8;
	v4 =	vadd.f32 v2, v4  }
0x40: {  	v7 =	vmax.f32 v7, $0.0e+00;
	v8 =	vadd.f32 v9, v3;
	v3 =	vld [tilespmem:s23+$0x140]  }
0x41: {  	v2 =	vld [tilespmem:s23+$0x150];
	v6 =	vmul.f32 v7, v6;
	v9 =	vadd.f32 v5, v4  }
0x42: {  	v8 =	vmax.f32 v8, $0.0e+00;
	v4 =	vld [tilespmem:s23+$0x130]  }
0x43: {  	v5 =	vld [tilespmem:s23+$0x120];
	v8 =	vmul.f32 v8, v11;
	v7 =	vadd.f32 v6, v9  }
0x44: {  	s24 =	simm.s32 $0x400;
	v6 =	vld [tilespmem:s23+$0x100]  }
.LBB2_3:
0x45: {  	p0 =	sne.s32 s24, $0xFE00;
	v9 =	vld [tilespmem:s23+$0x4100];
	v7 =	vadd.f32 v8, v7  }
0x46: {  	v8 =	vld [tilespmem:s23+$0x110]  }
0x47: {  	v10 =	vld [tilespmem:s23+$0x4110];
	[tilespmem:s22+$0x8100] =	vst v7;
	s22 =	smov.u32 s23  }
0x48: {  	v7 =	vld [tilespmem:$0xC100]  }
0x49: {  	v11 =	vld [tilespmem:s22+$0x4120]  }
0x4a: {  	v6 =	vadd.f32 v9, v6;
	v9 =	vld [tilespmem:$0xC110]  }
0x4b: {  	v12 =	vld [tilespmem:s22+$0x4130]  }
0x4c: {  	v6 =	vmax.f32 v6, $0.0e+00;
	v8 =	vadd.f32 v10, v8;
	v10 =	vld [tilespmem:$0xC120]  }
0x4d: {  	v6 =	vmul.f32 v6, v7;
	v7 =	vld [tilespmem:s22+$0x4140]  }
0x4e: {  	v8 =	vmax.f32 v8, $0.0e+00;
	v5 =	vadd.f32 v11, v5;
	v11 =	vld [tilespmem:$0xC130]  }
0x4f: {  	v6 =	vadd.f32 $0.0e+00, v6;
	v8 =	vmul.f32 v8, v9;
	v9 =	vld [tilespmem:s22+$0x4150]  }
0x50: {  	v5 =	vmax.f32 v5, $0.0e+00;
	v4 =	vadd.f32 v12, v4;
	v12 =	vld [tilespmem:$0xC140]  }
0x51: {  	v6 =	vadd.f32 v8, v6;
	v5 =	vmul.f32 v5, v10;
	v8 =	vld [tilespmem:s22+$0x4160]  }
0x52: {  	v4 =	vmax.f32 v4, $0.0e+00;
	v3 =	vadd.f32 v7, v3;
	v7 =	vld [tilespmem:$0xC150]  }
0x53: {  	v5 =	vadd.f32 v5, v6;
	v4 =	vmul.f32 v4, v11;
	v6 =	vld [tilespmem:s22+$0x4170]  }
0x54: {  	s23 =	sshra.s32 s24, $0x2;
	v3 =	vmax.f32 v3, $0.0e+00;
	v2 =	vadd.f32 v9, v2;
	v9 =	vld [tilespmem:$0xC160]  }
0x55: {  	v10 =	vld [tilespmem:s23+$0x170];
	v4 =	vadd.f32 v4, v5;
	v3 =	vmul.f32 v3, v12  }
0x56: {  	v2 =	vmax.f32 v2, $0.0e+00;
	v5 =	vadd.f32 v8, v1;
	v8 =	vld [tilespmem:$0xC170]  }
0x57: {  	v1 =	vld [tilespmem:s23+$0x160];
	v4 =	vadd.f32 v3, v4;
	v7 =	vmul.f32 v2, v7  }
.Ltmp0:
0x58: {  	v2 =	vld [tilespmem:s23+$0x150];
	v5 =	vmax.f32 v5, $0.0e+00;
	v11 =	vadd.f32 v6, v0;
	(pc) =	sbr.rel @p0 .LBB2_3-.Ltmp0, $4  }
0x59: {  	v3 =	vld [tilespmem:s23+$0x140];
	v6 =	vadd.f32 v7, v4;
	v7 =	vmul.f32 v5, v9  }
0x5a: {  	v4 =	vld [tilespmem:s23+$0x130];
	v9 =	vmax.f32 v11, $0.0e+00;
	v0 =	vmov v10  }
0x5b: {  	v5 =	vld [tilespmem:s23+$0x120];
	v7 =	vadd.f32 v7, v6;
	v8 =	vmul.f32 v9, v8  }
0x5c: {  	s24 =	sadd.s32 $0x200, s24;
	v6 =	vld [tilespmem:s23+$0x100]  }
0x5d: {  	v9 =	vld [tilespmem:s23+$0x4100];
	v7 =	vadd.f32 v8, v7  }
0x5e: {  	v52 =	vld [tilespmem:s23+$0x110]  }
0x5f: {  	v10 =	vld [tilespmem:s23+$0x4110];
	[tilespmem:s22+$0x8100] =	vst v7  }
0x60: {  	v7 =	vld [tilespmem:$0xC100]  }
0x61: {  	v11 =	vld [tilespmem:s23+$0x4120]  }
0x62: {  	v53 =	vld [tilespmem:$0xC110];
	v6 =	vadd.f32 v9, v6  }
0x63: {  	v12 =	vld [tilespmem:s23+$0x4130]  }
0x64: {  	v54 =	vld [tilespmem:$0xC120];
	v8 =	vadd.f32 v10, v52;
	v6 =	vmax.f32 v6, $0.0e+00  }
0x65: {  	v55 =	vld [tilespmem:s23+$0x4140];
	v6 =	vmul.f32 v6, v7  }
0x66: {  	v56 =	vld [tilespmem:$0xC130];
	v8 =	vmax.f32 v8, $0.0e+00;
	v5 =	vadd.f32 v11, v5  }
0x67: {  	v57 =	vld [tilespmem:s23+$0x4150];
	v8 =	vmul.f32 v8, v53;
	v6 =	vadd.f32 $0.0e+00, v6  }
0x68: {  	v58 =	vld [tilespmem:$0xC140];
	v4 =	vadd.f32 v12, v4;
	v5 =	vmax.f32 v5, $0.0e+00  }
0x69: {  	v59 =	vld [tilespmem:s23+$0x4160];
	v5 =	vmul.f32 v5, v54;
	v6 =	vadd.f32 v8, v6  }
0x6a: {  	v60 =	vld [tilespmem:$0xC150];
	v3 =	vadd.f32 v55, v3;
	v4 =	vmax.f32 v4, $0.0e+00  }
0x6b: {  	v61 =	vld [tilespmem:s23+$0x4170];
	v4 =	vmul.f32 v4, v56;
	v5 =	vadd.f32 v5, v6  }
0x6c: {  	v62 =	vld [tilespmem:$0xC160];
	v2 =	vadd.f32 v57, v2;
	v3 =	vmax.f32 v3, $0.0e+00  }
0x6d: {  	v3 =	vmul.f32 v3, v58;
	v4 =	vadd.f32 v4, v5  }
0x6e: {  	v63 =	vld [tilespmem:$0xC170];
	v1 =	vadd.f32 v59, v1;
	v2 =	vmax.f32 v2, $0.0e+00  }
0x6f: {  	v2 =	vmul.f32 v2, v60;
	v3 =	vadd.f32 v3, v4  }
0x70: {  	v0 =	vadd.f32 v61, v0;
	v1 =	vmax.f32 v1, $0.0e+00  }
0x71: {  	v1 =	vmul.f32 v1, v62;
	v2 =	vadd.f32 v2, v3  }
0x72: {  	v0 =	vmax.f32 v0, $0.0e+00  }
0x73: {  	v0 =	vmul.f32 v0, v63;
	v1 =	vadd.f32 v1, v2;
	_ =	sdelay $0x1  }
0x74: {  	s20 =	sadd.s32 $0x1, s20;
	v0 =	vadd.f32 v0, v1  }
0x75: {  	s21 =	sshll.u32 s21, $0x4;
	p0 =	sne.s32 s20, $0x4F  }
.Ltmp1:
0x76: {  	s21 =	sadd.s32 s8, s21;
	[tilespmem:s23+$0x8100] =	vst v0;
	(pc) =	sbr.rel @p0 .LBB2_2-.Ltmp1, $4  }
0x77: {  	[hbm4b:s21+s2] =	stream.linear.scatter [tilespmem:s18], [sflag:$0x3], $0x4000, $0x38;
	[tilespmem:$0xC180] =	vst v63  }
0x78: {  	_ =	swait.ge [sflag:s12], $0x4000  }
0x79: {  	[sflag:s12] =	ssyncset.done $0x0  }
0x7a: {  	[sflag:s12] =	ssyncadd.s32 $0xFFFFC000  }
0x7b: {  	s19 =	sadd.s32 $0x1, s19  }
0x7c: {  	p0 =	sne.s32 s19, s10  }
.Ltmp2:
0x7d: {  	_ = 	snop;
	(pc) =	sbr.rel @p0 .LBB2_1-.Ltmp2, $1  }
0x7e: {  	_ =	sdelay $0x3  }
0x7f: {  	_ =	sfence.sel $0x180000  }
0x80: {  	[bflag:$0x0] =	sbarrier.arrive $0xFFFF  }
0x81: {  	p0 =	sne.s32 s4, $0x0;
	_ =	strace $0x90000050  }
0x82: {  	s0 =	sadd.s32 @!p0 $0x100000, s0;
	[bflag:$0x2] =	sbarrier.arrive $0xFFFF  }
0x83: {  	[sflag:s0] =	ssyncadd.tile.s32 @!p0 $0x1;
	_ =	shalt  }
.Lfunc_end2:
_tile_overlayer_lowered:
.L_overlay_start_2:
0x84: {  	(tag) =	ssettag $0x2  }
0x85: {  	s0 =	rddreg [dreg:$0x0];
	s2 =	stileid.u32  }
0x86: {  	s1 =	rddreg [dreg:$0x1];
	p0 =	sne.s32 s2, $0x0  }
0x87: {  	s3 =	rddreg [dreg:$0x2];
	[bflag:$0x3] =	sbarrier.arrive $0xFFFF;
	s2 =	simm.s32 @!p0 $0x1C03  }
0x88: {  	[timem:s3], [sflag:s2] =	dma.local @!p0 [hbm:s0], s1  }
0x89: {  	s0 =	simm.s32 @!p0 $0x3  }
0x8a: {  	_ =	swait.ge @!p0 [sflag:s0], s1  }
0x8b: {  	s1 =	ssub.s32 @!p0 $0x0, s1;
	[sflag:s0] =	ssyncset.done @!p0 $0x0  }
0x8c: {  	[sflag:s0] =	ssyncadd.s32 @!p0 s1  }
0x8d: {  	[bflag:$0x3] =	sbarrier.arrive $0xFFFF  }
0x8e: {  	_ =	shalt  }

</sc_bundles>
